<compile_context>
chip_gen: v7x
topology: tpu7x:2x2x1
jax: 0.10.2.dev20260603
libtpu: 0.0.44.dev20260713+nightly
codegen_flags: <defaults>
</compile_context>

<pallas_src>
import functools

import jax
import jax.numpy as jnp
from jax import lax
from jax.experimental import pallas as pl
from jax.experimental.pallas import tpu as pltpu
from jax.experimental.pallas import tpu_sc as plsc

N = 10000
E = 160000
D_IN = 256
D_HID = 512
D_OUT = 256

NP = 10240
EP = 163840
NSL = 32
NB = 40
BK = 128
BLK = 256
NROWB = NP // BLK
TRASH = N

_mesh = plsc.VectorSubcoreMesh(core_axis_name="c", subcore_axis_name="s")
_sc_params = pltpu.CompilerParams(needs_layout_passes=False)


def _deg_body(dst3, out, dstv, histv):
    cid = lax.axis_index("c")
    sid = lax.axis_index("s")
    w = sid * 2 + cid
    pltpu.sync_copy(dst3.at[w], dstv)

    zeros16 = jnp.zeros((16,), jnp.float32)

    def zero(i, c):
        histv[pl.ds(i * 16, 16)] = zeros16
        return c

    lax.fori_loop(0, NP // 16, zero, 0)

    ones16 = jnp.ones((16,), jnp.float32)

    def scat(i, c):
        b = i // 8
        l = i - b * 8
        idx = dstv[b, pl.ds(l * 16, 16)]
        plsc.addupdate_scatter(histv, [idx], ones16)
        return c

    lax.fori_loop(0, NB * 8, scat, 0)
    pltpu.sync_copy(histv, out.at[w])


_deg_kernel = pl.kernel(
    _deg_body,
    out_type=jax.ShapeDtypeStruct((NSL, NP), jnp.float32),
    mesh=_mesh,
    scratch_types=[
        pltpu.VMEM((NB, BK), jnp.int32),
        pltpu.VMEM((NP,), jnp.float32),
    ],
    compiler_params=_sc_params,
)


NBUF = 2
NT = 2 * NB
NT2 = NT // 2


def _layer_body(nbase, gtab, srca, dstf, zrows, out,
                srcv, dstv, rows, acc, sg0, sg1, ss):
    cid = lax.axis_index("c")
    sid = lax.axis_index("s")
    sg = [sg0, sg1]
    stripe = NP // 16

    for b in range(nbase):
        chunk = nbase * cid + b
        off = chunk * NP
        pltpu.sync_copy(zrows.at[pl.ds(sid * stripe, stripe)],
                        acc.at[pl.ds(sid * stripe, stripe)])
        plsc.subcore_barrier()

        for h in range(2):
            pltpu.sync_copy(
                srca.at[pl.ds((chunk * NSL + 2 * sid) * NB + h * NT2, NT2)],
                srcv)
            pltpu.sync_copy(
                dstf.at[pl.ds(2 * sid * NB + h * NT2, NT2)], dstv)

            for sb in range(NBUF):
                pltpu.async_copy(gtab.at[srcv.at[sb]], rows.at[sb], sg[sb])

            def group(g, c):
                for sb in range(NBUF):
                    t = g * NBUF + sb
                    pltpu.make_async_copy(
                        gtab.at[srcv.at[t]], rows.at[sb], sg[sb]).wait()
                    pltpu.async_copy(
                        rows.at[sb], acc.at[dstv.at[t]], ss, add=True).wait()
                    tn = t + NBUF

                    @pl.when(tn < NT2)
                    def _():
                        pltpu.async_copy(
                            gtab.at[srcv.at[tn]], rows.at[sb], sg[sb])

                return c

            lax.fori_loop(0, NT2 // NBUF, group, 0)

        plsc.subcore_barrier()
        pltpu.sync_copy(acc.at[pl.ds(sid * stripe, stripe)],
                        out.at[pl.ds(off + sid * stripe, stripe)])
        plsc.subcore_barrier()


def _make_layer_kernel(nchunk):
    nbase = nchunk // 2
    return pl.kernel(
        functools.partial(_layer_body, nbase),
        out_type=jax.ShapeDtypeStruct((nchunk * NP, BK), jnp.float32),
        mesh=_mesh,
        scratch_types=[
            pltpu.VMEM((NT2, BK), jnp.int32),
            pltpu.VMEM((NT2, BK), jnp.int32),
            pltpu.VMEM((NBUF, BK, BK), jnp.float32),
            pltpu.VMEM_SHARED((NP, BK), jnp.float32),
            pltpu.SemaphoreType.DMA,
            pltpu.SemaphoreType.DMA,
            pltpu.SemaphoreType.DMA,
        ],
        compiler_params=_sc_params,
    )


_layer1_kernel = _make_layer_kernel(4)
_layer2_kernel = _make_layer_kernel(2)


def _dinv_block(hist_ref, nblk):
    deg = jnp.sum(hist_ref[...], axis=1, keepdims=True) + 1.0
    rows = nblk * BLK + lax.broadcasted_iota(jnp.int32, (BLK, 1), 0)
    return jnp.where(rows < N, lax.rsqrt(deg), 0.0)


def _mm1_body(x_ref, w_ref, hist_ref, o_ref):
    dinv = _dinv_block(hist_ref, pl.program_id(0))
    h = jnp.dot(x_ref[...], w_ref[...], preferred_element_type=jnp.float32)
    o_ref[...] = h * dinv


def _mm1(x, W1, histT):
    return pl.pallas_call(
        _mm1_body,
        grid=(NROWB,),
        in_specs=[
            pl.BlockSpec((BLK, D_IN), lambda n: (n, 0)),
            pl.BlockSpec((D_IN, D_HID), lambda n: (0, 0)),
            pl.BlockSpec((BLK, NSL), lambda n: (n, 0)),
        ],
        out_specs=pl.BlockSpec((BLK, D_HID), lambda n: (n, 0)),
        out_shape=jax.ShapeDtypeStruct((NP, D_HID), jnp.float32),
    )(x, W1, histT)


def _mm2_body(a0, a1, a2, a3, g_ref, w_ref, b1_ref, hist_ref, o_ref):
    dinv = _dinv_block(hist_ref, pl.program_id(0))
    acc = jnp.concatenate([a0[...], a1[...], a2[...], a3[...]], axis=1)
    h1 = jnp.maximum(dinv * (acc + g_ref[...]) + b1_ref[...], 0.0)
    part = jnp.dot(h1, w_ref[...], preferred_element_type=jnp.float32)
    o_ref[...] = part * dinv


def _mm2(accs, g1, W2, b1, histT):
    return pl.pallas_call(
        _mm2_body,
        grid=(NROWB,),
        in_specs=[
            pl.BlockSpec((BLK, BK), lambda n: (n, 0)),
            pl.BlockSpec((BLK, BK), lambda n: (n, 0)),
            pl.BlockSpec((BLK, BK), lambda n: (n, 0)),
            pl.BlockSpec((BLK, BK), lambda n: (n, 0)),
            pl.BlockSpec((BLK, D_HID), lambda n: (n, 0)),
            pl.BlockSpec((D_HID, D_OUT), lambda n: (0, 0)),
            pl.BlockSpec((1, D_HID), lambda n: (0, 0)),
            pl.BlockSpec((BLK, NSL), lambda n: (n, 0)),
        ],
        out_specs=pl.BlockSpec((BLK, D_OUT), lambda n: (n, 0)),
        out_shape=jax.ShapeDtypeStruct((NP, D_OUT), jnp.float32),
    )(*accs, g1, W2, b1.reshape(1, D_HID), histT)


def _fin_body(c0, c1, g_ref, b2_ref, hist_ref, o_ref):
    dinv = _dinv_block(hist_ref, pl.program_id(0))
    acc = jnp.concatenate([c0[...], c1[...]], axis=1)
    o_ref[...] = dinv * (acc + g_ref[...]) + b2_ref[...]


def _fin(accs, g2, b2, histT):
    return pl.pallas_call(
        _fin_body,
        grid=(NROWB,),
        in_specs=[
            pl.BlockSpec((BLK, BK), lambda n: (n, 0)),
            pl.BlockSpec((BLK, BK), lambda n: (n, 0)),
            pl.BlockSpec((BLK, D_OUT), lambda n: (n, 0)),
            pl.BlockSpec((1, D_OUT), lambda n: (0, 0)),
            pl.BlockSpec((BLK, NSL), lambda n: (n, 0)),
        ],
        out_specs=pl.BlockSpec((BLK, D_OUT), lambda n: (n, 0)),
        out_shape=jax.ShapeDtypeStruct((NP, D_OUT), jnp.float32),
    )(*accs, g2, b2.reshape(1, D_OUT), histT)



@jax.jit
def kernel(x, edge_index, W1, b1, W2, b2):
    src = jnp.concatenate(
        [edge_index[0], jnp.zeros((EP - E,), jnp.int32)]).reshape(NSL, NB, BK)
    dst = jnp.concatenate(
        [edge_index[1], jnp.full((EP - E,), TRASH, jnp.int32)]
    ).reshape(NSL, NB, BK)
    xp = jnp.concatenate([x, jnp.zeros((NP - N, D_IN), x.dtype)], axis=0)
    zrows = jnp.zeros((NP, BK), jnp.float32)
    c4 = jnp.arange(4, dtype=jnp.int32)[:, None, None, None]
    src4 = (src[None] * 4 + c4).reshape(4 * NSL * NB, BK)
    c2 = jnp.arange(2, dtype=jnp.int32)[:, None, None, None]
    src2 = (src[None] * 2 + c2).reshape(2 * NSL * NB, BK)
    dstf = dst.reshape(NSL * NB, BK)

    hist2 = _deg_kernel(dst)
    histT = hist2.T

    g1 = _mm1(xp, W1, histT)
    acc1 = _layer1_kernel(g1.reshape(4 * NP, BK), src4, dstf, zrows)
    acc1_c = [acc1[c * NP:(c + 1) * NP] for c in range(4)]
    g2 = _mm2(acc1_c, g1, W2, b1, histT)
    acc2 = _layer2_kernel(g2.reshape(2 * NP, BK), src2, dstf, zrows)
    acc2_c = [acc2[c * NP:(c + 1) * NP] for c in range(2)]
    out = _fin(acc2_c, g2, b2, histT)
    return out[:N]

# --- scband reference (transcript-rebuilt; emitter-appended) ---
"""Pipeline reference for scband-simple-gcn-5325759447471 (READ-ONLY COPY).

The authoritative reference and input builder live on the scoring server;
editing this copy changes nothing except your own understanding.
"""

import jax, jax.numpy as jnp
import numpy as np

N = 10000
E = 160000
D_IN = 256
D_HID = 512
D_OUT = 256


def setup_inputs(seed: int = 0) -> dict:
    key = jax.random.key(seed)
    k0, k1, k2, k3, k4, k5 = jax.random.split(key, 6)
    x = jax.random.normal(k0, (N, D_IN), dtype=jnp.float32)
    edge_index = jax.random.randint(k1, (2, E), 0, N, dtype=jnp.int32)
    W1 = jax.random.normal(k2, (D_IN, D_HID), dtype=jnp.float32) * (1.0 / np.sqrt(D_IN))
    b1 = jnp.zeros((D_HID,), dtype=jnp.float32)
    W2 = jax.random.normal(k3, (D_HID, D_OUT), dtype=jnp.float32) * (1.0 / np.sqrt(D_HID))
    b2 = jnp.zeros((D_OUT,), dtype=jnp.float32)
    return {"x": x, "edge_index": edge_index, "W1": W1, "b1": b1, "W2": W2, "b2": b2}


def _gcn_conv(x, edge_index, W, b):
    # x' = D^{-1/2} (A + I) D^{-1/2} X W + b   (PyG GCNConv semantics)
    n = x.shape[0]
    h = x @ W
    src = edge_index[0]
    dst = edge_index[1]
    # add self loops
    loop = jnp.arange(n, dtype=src.dtype)
    src = jnp.concatenate([src, loop])
    dst = jnp.concatenate([dst, loop])
    # symmetric normalization based on in-degree (includes self loops)
    deg = jnp.zeros((n,), dtype=h.dtype).at[dst].add(1.0)
    deg_inv_sqrt = jnp.where(deg > 0, 1.0 / jnp.sqrt(deg), 0.0)
    norm = deg_inv_sqrt[src] * deg_inv_sqrt[dst]
    msgs = h[src] * norm[:, None]
    out = jnp.zeros((n, h.shape[1]), dtype=h.dtype).at[dst].add(msgs)
    return out + b


def reference(x, edge_index, W1, b1, W2, b2):
    h = _gcn_conv(x, edge_index, W1, b1)
    h = jax.nn.relu(h)
    out = _gcn_conv(h, edge_index, W2, b2)
    return out

if __name__ == "__main__":
    import jax
    _d = setup_inputs()
    print(jax.jit(kernel)(*tuple(_d.values())))

</pallas_src>

<mosaic_0001>
#map = affine_map<(d0, d1) -> (0, 0, 0)>
#map1 = affine_map<(d0, d1) -> (0, 0)>
module attributes {stable_mosaic.version = 14 : i64} {
  func.func @_deg_body(%arg0: i32, %arg1: i32, %arg2: memref<32x40x128xi32, #tpu.memory_space<hbm>>, %arg3: memref<32x10240xf32, #tpu.memory_space<hbm>>, %arg4: memref<40x128xi32, #tpu.memory_space<vmem>>, %arg5: memref<10240xf32, #tpu.memory_space<vmem>>) attributes {dimension_semantics = [#tpu.dimension_semantics<core_parallel>, #tpu.dimension_semantics<subcore_parallel>], iteration_bounds = array<i64: 2, 16>, scalar_prefetch = 0 : i64, scratch_operands = 2 : i64, tpu.core_type = #tpu.core_type<sc_vector_subcore>, window_params = [{transform_indices = #map}, {transform_indices = #map1}]} {
    %mul3A = arith.constant 2 : i32
    %mul3A_0 = arith.muli %arg1, %mul3A : i32
    %add3A = arith.addi %mul3A_0, %arg0 : i32
    "tpu.region"() ({
      %run_scoped3A = tpu.sem_alloc : memref<!tpu.dma_semaphore, #tpu.memory_space<semaphore_mem>>
      %dma_start3A = arith.constant 0 : i32
      %dma_start3A_15 = arith.constant 0 : i32
      %dma_start3A_16 = tpu.memref_slice %arg2[%add3A, %dma_start3A, %dma_start3A_15] : memref<32x40x128xi32, #tpu.memory_space<hbm>> -> memref<1x40x128xi32, #tpu.memory_space<hbm>>
      %dma_start3A_17 = tpu.memref_squeeze %dma_start3A_16 : memref<1x40x128xi32, #tpu.memory_space<hbm>> -> memref<40x128xi32, #tpu.memory_space<hbm>>
      %dma_start3A_18 = arith.constant 0 : i32
      %dma_start3A_19 = arith.constant 0 : i32
      %dma_start3A_20 = tpu.memref_slice %arg2[%add3A, %dma_start3A_18, %dma_start3A_19] : memref<32x40x128xi32, #tpu.memory_space<hbm>> -> memref<1x40x128xi32, #tpu.memory_space<hbm>>
      %dma_start3A_21 = tpu.memref_squeeze %dma_start3A_20 : memref<1x40x128xi32, #tpu.memory_space<hbm>> -> memref<40x128xi32, #tpu.memory_space<hbm>>
      tpu.enqueue_dma source(%dma_start3A_21 : memref<40x128xi32, #tpu.memory_space<hbm>>) target(%arg4 : memref<40x128xi32, #tpu.memory_space<vmem>>) target_semaphore(%run_scoped3A : memref<!tpu.dma_semaphore, #tpu.memory_space<semaphore_mem>>)
      %dma_wait3A = arith.constant 0 : i32
      %dma_wait3A_22 = arith.constant 0 : i32
      %dma_wait3A_23 = tpu.memref_slice %arg2[%add3A, %dma_wait3A, %dma_wait3A_22] : memref<32x40x128xi32, #tpu.memory_space<hbm>> -> memref<1x40x128xi32, #tpu.memory_space<hbm>>
      %dma_wait3A_24 = tpu.memref_squeeze %dma_wait3A_23 : memref<1x40x128xi32, #tpu.memory_space<hbm>> -> memref<40x128xi32, #tpu.memory_space<hbm>>
      %dma_wait3A_25 = arith.constant 0 : i32
      %dma_wait3A_26 = arith.constant 0 : i32
      %dma_wait3A_27 = tpu.memref_slice %arg2[%add3A, %dma_wait3A_25, %dma_wait3A_26] : memref<32x40x128xi32, #tpu.memory_space<hbm>> -> memref<1x40x128xi32, #tpu.memory_space<hbm>>
      %dma_wait3A_28 = tpu.memref_squeeze %dma_wait3A_27 : memref<1x40x128xi32, #tpu.memory_space<hbm>> -> memref<40x128xi32, #tpu.memory_space<hbm>>
      tpu.wait_dma2 semaphore(%run_scoped3A : memref<!tpu.dma_semaphore, #tpu.memory_space<semaphore_mem>>) src(%dma_wait3A_28 : memref<40x128xi32, #tpu.memory_space<hbm>>) dst(%arg4 : memref<40x128xi32, #tpu.memory_space<vmem>>)
      tpu.yield
    }) : () -> ()
    %broadcast_in_dim3A = arith.constant 0.000000e+00 : f32
    %broadcast_in_dim3A_1 = vector.broadcast %broadcast_in_dim3A : f32 to vector<16xf32>
    %scan3A = arith.constant 0 : i32
    %scan3A_2 = arith.constant 0 : i32
    %scan3A_3 = arith.constant 640 : i32
    %scan3A_4 = arith.addi %scan3A_2, %scan3A_3 : i32
    %scan3A_5 = arith.constant 1 : i32
    scf.for %scan3A_15 = %scan3A_2 to %scan3A_4 step %scan3A_5  : i32 {
      %mul3A_16 = arith.constant 16 : i32
      %mul3A_17 = arith.muli %scan3A_15, %mul3A_16 : i32
      %swap3A = arith.index_cast %mul3A_17 : i32 to index
      %swap3A_18 = tpu.vector_load %arg5[%swap3A] {strides = array<i32>} : memref<10240xf32, #tpu.memory_space<vmem>>, vector<16xf32>,
      tpu.vector_store %arg5[%swap3A], %broadcast_in_dim3A_1 {strides = array<i32>} : memref<10240xf32, #tpu.memory_space<vmem>>, vector<16xf32>,
    }
    %scan3A_6 = arith.constant 640 : i32
    %broadcast_in_dim3A_7 = arith.constant 1.000000e+00 : f32
    %broadcast_in_dim3A_8 = vector.broadcast %broadcast_in_dim3A_7 : f32 to vector<16xf32>
    %scan3A_9 = arith.constant 0 : i32
    %scan3A_10 = arith.constant 0 : i32
    %scan3A_11 = arith.constant 320 : i32
    %scan3A_12 = arith.addi %scan3A_10, %scan3A_11 : i32
    %scan3A_13 = arith.constant 1 : i32
    scf.for %scan3A_15 = %scan3A_10 to %scan3A_12 step %scan3A_13  : i32 {
      %jit3A = arith.constant 8 : i32
      %div3A = arith.divsi %scan3A_15, %jit3A : i32
      %sign3A = arith.constant 0 : i32
      %sign3A_16 = arith.cmpi sgt, %scan3A_15, %sign3A : i32
      %sign3A_17 = arith.extui %sign3A_16 : i1 to i32
      %sign3A_18 = arith.constant 0 : i32
      %sign3A_19 = arith.cmpi slt, %scan3A_15, %sign3A_18 : i32
      %sign3A_20 = arith.extui %sign3A_19 : i1 to i32
      %sign3A_21 = arith.subi %sign3A_17, %sign3A_20 : i32
      %sign3A_22 = arith.constant 0 : i32
      %sign3A_23 = arith.cmpi sgt, %jit3A, %sign3A_22 : i32
      %sign3A_24 = arith.extui %sign3A_23 : i1 to i32
      %sign3A_25 = arith.constant 0 : i32
      %sign3A_26 = arith.cmpi slt, %jit3A, %sign3A_25 : i32
      %sign3A_27 = arith.extui %sign3A_26 : i1 to i32
      %sign3A_28 = arith.subi %sign3A_24, %sign3A_27 : i32
      %ne3A = arith.cmpi ne, %sign3A_21, %sign3A_28 : i32
      %rem3A = arith.remsi %scan3A_15, %jit3A : i32
      %ne3A_29 = arith.constant 0 : i32
      %ne3A_30 = arith.cmpi ne, %rem3A, %ne3A_29 : i32
      %and3A = arith.andi %ne3A, %ne3A_30 : i1
      %sub3A = arith.constant 1 : i32
      %sub3A_31 = arith.subi %div3A, %sub3A : i32
      %select_n3A = arith.select %and3A, %sub3A_31, %div3A : i32
      %mul3A_32 = arith.constant 8 : i32
      %mul3A_33 = arith.muli %select_n3A, %mul3A_32 : i32
      %sub3A_34 = arith.subi %scan3A_15, %mul3A_33 : i32
      %mul3A_35 = arith.constant 16 : i32
      %mul3A_36 = arith.muli %sub3A_34, %mul3A_35 : i32
      %get3A = arith.index_cast %select_n3A : i32 to index
      %get3A_37 = arith.index_cast %mul3A_36 : i32 to index
      %get3A_38 = tpu.vector_load %arg4[%get3A, %get3A_37] {strides = array<i32>} : memref<40x128xi32, #tpu.memory_space<vmem>>, vector<16xi32>,
      tpu.vector_store_idx %arg5[%get3A_38], %broadcast_in_dim3A_8 {add = true} : memref<10240xf32, #tpu.memory_space<vmem>>[vector<16xi32>], vector<16xf32>,
    }
    %scan3A_14 = arith.constant 320 : i32
    "tpu.region"() ({
      %run_scoped3A = tpu.sem_alloc : memref<!tpu.dma_semaphore, #tpu.memory_space<semaphore_mem>>
      %dma_start3A = arith.constant 0 : i32
      %dma_start3A_15 = tpu.memref_slice %arg3[%add3A, %dma_start3A] : memref<32x10240xf32, #tpu.memory_space<hbm>> -> memref<1x10240xf32, #tpu.memory_space<hbm>>
      %dma_start3A_16 = tpu.memref_squeeze %dma_start3A_15 : memref<1x10240xf32, #tpu.memory_space<hbm>> -> memref<10240xf32, #tpu.memory_space<hbm>>
      %dma_start3A_17 = arith.constant 0 : i32
      %dma_start3A_18 = tpu.memref_slice %arg3[%add3A, %dma_start3A_17] : memref<32x10240xf32, #tpu.memory_space<hbm>> -> memref<1x10240xf32, #tpu.memory_space<hbm>>
      %dma_start3A_19 = tpu.memref_squeeze %dma_start3A_18 : memref<1x10240xf32, #tpu.memory_space<hbm>> -> memref<10240xf32, #tpu.memory_space<hbm>>
      tpu.enqueue_dma source(%arg5 : memref<10240xf32, #tpu.memory_space<vmem>>) target(%dma_start3A_19 : memref<10240xf32, #tpu.memory_space<hbm>>) target_semaphore(%run_scoped3A : memref<!tpu.dma_semaphore, #tpu.memory_space<semaphore_mem>>)
      %dma_wait3A = arith.constant 0 : i32
      %dma_wait3A_20 = tpu.memref_slice %arg3[%add3A, %dma_wait3A] : memref<32x10240xf32, #tpu.memory_space<hbm>> -> memref<1x10240xf32, #tpu.memory_space<hbm>>
      %dma_wait3A_21 = tpu.memref_squeeze %dma_wait3A_20 : memref<1x10240xf32, #tpu.memory_space<hbm>> -> memref<10240xf32, #tpu.memory_space<hbm>>
      %dma_wait3A_22 = arith.constant 0 : i32
      %dma_wait3A_23 = tpu.memref_slice %arg3[%add3A, %dma_wait3A_22] : memref<32x10240xf32, #tpu.memory_space<hbm>> -> memref<1x10240xf32, #tpu.memory_space<hbm>>
      %dma_wait3A_24 = tpu.memref_squeeze %dma_wait3A_23 : memref<1x10240xf32, #tpu.memory_space<hbm>> -> memref<10240xf32, #tpu.memory_space<hbm>>
      tpu.wait_dma2 semaphore(%run_scoped3A : memref<!tpu.dma_semaphore, #tpu.memory_space<semaphore_mem>>) src(%arg5 : memref<10240xf32, #tpu.memory_space<vmem>>) dst(%dma_wait3A_24 : memref<10240xf32, #tpu.memory_space<hbm>>)
      tpu.yield
    }) : () -> ()
    return
  }
}

#map = affine_map<(d0, d1) -> (0, 0)>
module attributes {stable_mosaic.version = 14 : i64} {
  func.func @_layer_body(%arg0: i32, %arg1: i32, %arg2: memref<40960x128xf32, #tpu.memory_space<hbm>>, %arg3: memref<5120x128xi32, #tpu.memory_space<hbm>>, %arg4: memref<1280x128xi32, #tpu.memory_space<hbm>>, %arg5: memref<10240x128xf32, #tpu.memory_space<hbm>>, %arg6: memref<40960x128xf32, #tpu.memory_space<hbm>>, %arg7: memref<40x128xi32, #tpu.memory_space<vmem>>, %arg8: memref<40x128xi32, #tpu.memory_space<vmem>>, %arg9: memref<2x128x128xf32, #tpu.memory_space<vmem>>, %arg10: memref<10240x128xf32, #tpu.memory_space<vmem_shared>>, %arg11: memref<!tpu.dma_semaphore, #tpu.memory_space<semaphore_mem>>, %arg12: memref<!tpu.dma_semaphore, #tpu.memory_space<semaphore_mem>>, %arg13: memref<!tpu.dma_semaphore, #tpu.memory_space<semaphore_mem>>) attributes {dimension_semantics = [#tpu.dimension_semantics<core_parallel>, #tpu.dimension_semantics<subcore_parallel>], iteration_bounds = array<i64: 2, 16>, scalar_prefetch = 0 : i64, scratch_operands = 7 : i64, tpu.core_type = #tpu.core_type<sc_vector_subcore>, window_params = [{transform_indices = #map}, {transform_indices = #map}, {transform_indices = #map}, {transform_indices = #map}, {transform_indices = #map}]} {
    %mul3A = arith.constant 2 : i32
    %mul3A_0 = arith.muli %mul3A, %arg0 : i32
    %add3A = arith.constant 0 : i32
    %add3A_1 = arith.addi %mul3A_0, %add3A : i32
    %mul3A_2 = arith.constant 10240 : i32
    %mul3A_3 = arith.muli %add3A_1, %mul3A_2 : i32
    %mul3A_4 = arith.constant 640 : i32
    %mul3A_5 = arith.muli %arg1, %mul3A_4 : i32
    %mul3A_6 = arith.constant 640 : i32
    %mul3A_7 = arith.muli %arg1, %mul3A_6 : i32
    "tpu.region"() ({
      %run_scoped3A = tpu.sem_alloc : memref<!tpu.dma_semaphore, #tpu.memory_space<semaphore_mem>>
      %dma_start3A_211 = arith.constant 0 : i32
      %dma_start3A_212 = tpu.memref_slice %arg10[%mul3A_7, %dma_start3A_211] : memref<10240x128xf32, #tpu.memory_space<vmem_shared>> -> memref<640x128xf32, #tpu.memory_space<vmem_shared>>
      %dma_start3A_213 = arith.constant 0 : i32
      %dma_start3A_214 = tpu.memref_slice %arg5[%mul3A_5, %dma_start3A_213] : memref<10240x128xf32, #tpu.memory_space<hbm>> -> memref<640x128xf32, #tpu.memory_space<hbm>>
      tpu.enqueue_dma source(%dma_start3A_214 : memref<640x128xf32, #tpu.memory_space<hbm>>) target(%dma_start3A_212 : memref<640x128xf32, #tpu.memory_space<vmem_shared>>) target_semaphore(%run_scoped3A : memref<!tpu.dma_semaphore, #tpu.memory_space<semaphore_mem>>)
      %dma_wait3A = arith.constant 0 : i32
      %dma_wait3A_215 = tpu.memref_slice %arg10[%mul3A_7, %dma_wait3A] : memref<10240x128xf32, #tpu.memory_space<vmem_shared>> -> memref<640x128xf32, #tpu.memory_space<vmem_shared>>
      %dma_wait3A_216 = arith.constant 0 : i32
      %dma_wait3A_217 = tpu.memref_slice %arg5[%mul3A_5, %dma_wait3A_216] : memref<10240x128xf32, #tpu.memory_space<hbm>> -> memref<640x128xf32, #tpu.memory_space<hbm>>
      tpu.wait_dma2 semaphore(%run_scoped3A : memref<!tpu.dma_semaphore, #tpu.memory_space<semaphore_mem>>) src(%dma_wait3A_217 : memref<640x128xf32, #tpu.memory_space<hbm>>) dst(%dma_wait3A_215 : memref<640x128xf32, #tpu.memory_space<vmem_shared>>)
      tpu.yield
    }) : () -> ()
    %barrier3A = arith.constant 0 : index
    tpu.barrier barrier_id(%barrier3A)
    %mul3A_8 = arith.constant 32 : i32
    %mul3A_9 = arith.muli %add3A_1, %mul3A_8 : i32
    %mul3A_10 = arith.constant 2 : i32
    %mul3A_11 = arith.muli %mul3A_10, %arg1 : i32
    %add3A_12 = arith.addi %mul3A_9, %mul3A_11 : i32
    %mul3A_13 = arith.constant 40 : i32
    %mul3A_14 = arith.muli %add3A_12, %mul3A_13 : i32
    %add3A_15 = arith.constant 0 : i32
    %add3A_16 = arith.addi %mul3A_14, %add3A_15 : i32
    "tpu.region"() ({
      %run_scoped3A = tpu.sem_alloc : memref<!tpu.dma_semaphore, #tpu.memory_space<semaphore_mem>>
      %dma_start3A_211 = arith.constant 0 : i32
      %dma_start3A_212 = tpu.memref_slice %arg3[%add3A_16, %dma_start3A_211] : memref<5120x128xi32, #tpu.memory_space<hbm>> -> memref<40x128xi32, #tpu.memory_space<hbm>>
      %dma_start3A_213 = arith.constant 0 : i32
      %dma_start3A_214 = tpu.memref_slice %arg3[%add3A_16, %dma_start3A_213] : memref<5120x128xi32, #tpu.memory_space<hbm>> -> memref<40x128xi32, #tpu.memory_space<hbm>>
      tpu.enqueue_dma source(%dma_start3A_214 : memref<40x128xi32, #tpu.memory_space<hbm>>) target(%arg7 : memref<40x128xi32, #tpu.memory_space<vmem>>) target_semaphore(%run_scoped3A : memref<!tpu.dma_semaphore, #tpu.memory_space<semaphore_mem>>)
      %dma_wait3A = arith.constant 0 : i32
      %dma_wait3A_215 = tpu.memref_slice %arg3[%add3A_16, %dma_wait3A] : memref<5120x128xi32, #tpu.memory_space<hbm>> -> memref<40x128xi32, #tpu.memory_space<hbm>>
      %dma_wait3A_216 = arith.constant 0 : i32
      %dma_wait3A_217 = tpu.memref_slice %arg3[%add3A_16, %dma_wait3A_216] : memref<5120x128xi32, #tpu.memory_space<hbm>> -> memref<40x128xi32, #tpu.memory_space<hbm>>
      tpu.wait_dma2 semaphore(%run_scoped3A : memref<!tpu.dma_semaphore, #tpu.memory_space<semaphore_mem>>) src(%dma_wait3A_217 : memref<40x128xi32, #tpu.memory_space<hbm>>) dst(%arg7 : memref<40x128xi32, #tpu.memory_space<vmem>>)
      tpu.yield
    }) : () -> ()
    %mul3A_17 = arith.constant 2 : i32
    %mul3A_18 = arith.muli %mul3A_17, %arg1 : i32
    %mul3A_19 = arith.constant 40 : i32
    %mul3A_20 = arith.muli %mul3A_18, %mul3A_19 : i32
    %add3A_21 = arith.constant 0 : i32
    %add3A_22 = arith.addi %mul3A_20, %add3A_21 : i32
    "tpu.region"() ({
      %run_scoped3A = tpu.sem_alloc : memref<!tpu.dma_semaphore, #tpu.memory_space<semaphore_mem>>
      %dma_start3A_211 = arith.constant 0 : i32
      %dma_start3A_212 = tpu.memref_slice %arg4[%add3A_22, %dma_start3A_211] : memref<1280x128xi32, #tpu.memory_space<hbm>> -> memref<40x128xi32, #tpu.memory_space<hbm>>
      %dma_start3A_213 = arith.constant 0 : i32
      %dma_start3A_214 = tpu.memref_slice %arg4[%add3A_22, %dma_start3A_213] : memref<1280x128xi32, #tpu.memory_space<hbm>> -> memref<40x128xi32, #tpu.memory_space<hbm>>
      tpu.enqueue_dma source(%dma_start3A_214 : memref<40x128xi32, #tpu.memory_space<hbm>>) target(%arg8 : memref<40x128xi32, #tpu.memory_space<vmem>>) target_semaphore(%run_scoped3A : memref<!tpu.dma_semaphore, #tpu.memory_space<semaphore_mem>>)
      %dma_wait3A = arith.constant 0 : i32
      %dma_wait3A_215 = tpu.memref_slice %arg4[%add3A_22, %dma_wait3A] : memref<1280x128xi32, #tpu.memory_space<hbm>> -> memref<40x128xi32, #tpu.memory_space<hbm>>
      %dma_wait3A_216 = arith.constant 0 : i32
      %dma_wait3A_217 = tpu.memref_slice %arg4[%add3A_22, %dma_wait3A_216] : memref<1280x128xi32, #tpu.memory_space<hbm>> -> memref<40x128xi32, #tpu.memory_space<hbm>>
      tpu.wait_dma2 semaphore(%run_scoped3A : memref<!tpu.dma_semaphore, #tpu.memory_space<semaphore_mem>>) src(%dma_wait3A_217 : memref<40x128xi32, #tpu.memory_space<hbm>>) dst(%arg8 : memref<40x128xi32, #tpu.memory_space<vmem>>)
      tpu.yield
    }) : () -> ()
    %dma_start3A = arith.constant 0 : i32
    %dma_start3A_23 = arith.constant 0 : i32
    %dma_start3A_24 = arith.constant 0 : i32
    %dma_start3A_25 = arith.constant 0 : i32
    %dma_start3A_26 = tpu.memref_slice %arg9[%dma_start3A_23, %dma_start3A_24, %dma_start3A_25] : memref<2x128x128xf32, #tpu.memory_space<vmem>> -> memref<1x128x128xf32, #tpu.memory_space<vmem>>
    %dma_start3A_27 = tpu.memref_squeeze %dma_start3A_26 : memref<1x128x128xf32, #tpu.memory_space<vmem>> -> memref<128x128xf32, #tpu.memory_space<vmem>>
    %dma_start3A_28 = arith.constant 0 : i32
    %dma_start3A_29 = tpu.memref_slice %arg7[%dma_start3A, %dma_start3A_28] : memref<40x128xi32, #tpu.memory_space<vmem>> -> memref<1x128xi32, #tpu.memory_space<vmem>>
    %dma_start3A_30 = tpu.memref_squeeze %dma_start3A_29 : memref<1x128xi32, #tpu.memory_space<vmem>> -> memref<128xi32, #tpu.memory_space<vmem>>
    %dma_start3A_31 = arith.constant 0 : i32
    %dma_start3A_32 = arith.constant 0 : i32
    %dma_start3A_33 = tpu.memref_slice %arg2[%dma_start3A_31, %dma_start3A_32] : memref<40960x128xf32, #tpu.memory_space<hbm>> -> memref<40960x128xf32, #tpu.memory_space<hbm>>
    tpu.enqueue_indirect_dma source(%dma_start3A_33 : memref<40960x128xf32, #tpu.memory_space<hbm>>) target(%dma_start3A_27 : memref<128x128xf32, #tpu.memory_space<vmem>>) offsets(%dma_start3A_30 : memref<128xi32, #tpu.memory_space<vmem>>) semaphore(%arg11 : memref<!tpu.dma_semaphore, #tpu.memory_space<semaphore_mem>>)
    %dma_start3A_34 = arith.constant 1 : i32
    %dma_start3A_35 = arith.constant 1 : i32
    %dma_start3A_36 = arith.constant 0 : i32
    %dma_start3A_37 = arith.constant 0 : i32
    %dma_start3A_38 = tpu.memref_slice %arg9[%dma_start3A_35, %dma_start3A_36, %dma_start3A_37] : memref<2x128x128xf32, #tpu.memory_space<vmem>> -> memref<1x128x128xf32, #tpu.memory_space<vmem>>
    %dma_start3A_39 = tpu.memref_squeeze %dma_start3A_38 : memref<1x128x128xf32, #tpu.memory_space<vmem>> -> memref<128x128xf32, #tpu.memory_space<vmem>>
    %dma_start3A_40 = arith.constant 0 : i32
    %dma_start3A_41 = tpu.memref_slice %arg7[%dma_start3A_34, %dma_start3A_40] : memref<40x128xi32, #tpu.memory_space<vmem>> -> memref<1x128xi32, #tpu.memory_space<vmem>>
    %dma_start3A_42 = tpu.memref_squeeze %dma_start3A_41 : memref<1x128xi32, #tpu.memory_space<vmem>> -> memref<128xi32, #tpu.memory_space<vmem>>
    %dma_start3A_43 = arith.constant 0 : i32
    %dma_start3A_44 = arith.constant 0 : i32
    %dma_start3A_45 = tpu.memref_slice %arg2[%dma_start3A_43, %dma_start3A_44] : memref<40960x128xf32, #tpu.memory_space<hbm>> -> memref<40960x128xf32, #tpu.memory_space<hbm>>
    tpu.enqueue_indirect_dma source(%dma_start3A_45 : memref<40960x128xf32, #tpu.memory_space<hbm>>) target(%dma_start3A_39 : memref<128x128xf32, #tpu.memory_space<vmem>>) offsets(%dma_start3A_42 : memref<128xi32, #tpu.memory_space<vmem>>) semaphore(%arg12 : memref<!tpu.dma_semaphore, #tpu.memory_space<semaphore_mem>>)
    %scan3A = arith.constant 0 : i32
    %scan3A_46 = arith.constant 0 : i32
    %scan3A_47 = arith.constant 20 : i32
    %scan3A_48 = arith.addi %scan3A_46, %scan3A_47 : i32
    %scan3A_49 = arith.constant 1 : i32
    scf.for %scan3A_211 = %scan3A_46 to %scan3A_48 step %scan3A_49  : i32 {
      %mul3A_212 = arith.constant 2 : i32
      %mul3A_213 = arith.muli %scan3A_211, %mul3A_212 : i32
      %add3A_214 = arith.constant 0 : i32
      %add3A_215 = arith.addi %mul3A_213, %add3A_214 : i32
      %dma_wait3A = arith.constant 0 : i32
      %dma_wait3A_216 = arith.constant 0 : i32
      %dma_wait3A_217 = arith.constant 0 : i32
      %dma_wait3A_218 = tpu.memref_slice %arg9[%dma_wait3A, %dma_wait3A_216, %dma_wait3A_217] : memref<2x128x128xf32, #tpu.memory_space<vmem>> -> memref<1x128x128xf32, #tpu.memory_space<vmem>>
      %dma_wait3A_219 = tpu.memref_squeeze %dma_wait3A_218 : memref<1x128x128xf32, #tpu.memory_space<vmem>> -> memref<128x128xf32, #tpu.memory_space<vmem>>
      %dma_wait3A_220 = arith.constant 0 : i32
      %dma_wait3A_221 = tpu.memref_slice %arg7[%add3A_215, %dma_wait3A_220] : memref<40x128xi32, #tpu.memory_space<vmem>> -> memref<1x128xi32, #tpu.memory_space<vmem>>
      %dma_wait3A_222 = tpu.memref_squeeze %dma_wait3A_221 : memref<1x128xi32, #tpu.memory_space<vmem>> -> memref<128xi32, #tpu.memory_space<vmem>>
      %dma_wait3A_223 = arith.constant 0 : i32
      %dma_wait3A_224 = arith.constant 0 : i32
      %dma_wait3A_225 = tpu.memref_slice %arg2[%dma_wait3A_223, %dma_wait3A_224] : memref<40960x128xf32, #tpu.memory_space<hbm>> -> memref<40960x128xf32, #tpu.memory_space<hbm>>
      tpu.wait_indirect_dma semaphore(%arg11 : memref<!tpu.dma_semaphore, #tpu.memory_space<semaphore_mem>>) src(%dma_wait3A_225 : memref<40960x128xf32, #tpu.memory_space<hbm>>) dst(%dma_wait3A_219 : memref<128x128xf32, #tpu.memory_space<vmem>>)
      %dma_start3A_226 = arith.constant 0 : i32
      %dma_start3A_227 = arith.constant 0 : i32
      %dma_start3A_228 = arith.constant 0 : i32
      %dma_start3A_229 = tpu.memref_slice %arg9[%dma_start3A_226, %dma_start3A_227, %dma_start3A_228] : memref<2x128x128xf32, #tpu.memory_space<vmem>> -> memref<1x128x128xf32, #tpu.memory_space<vmem>>
      %dma_start3A_230 = tpu.memref_squeeze %dma_start3A_229 : memref<1x128x128xf32, #tpu.memory_space<vmem>> -> memref<128x128xf32, #tpu.memory_space<vmem>>
      %dma_start3A_231 = arith.constant 0 : i32
      %dma_start3A_232 = tpu.memref_slice %arg8[%add3A_215, %dma_start3A_231] : memref<40x128xi32, #tpu.memory_space<vmem>> -> memref<1x128xi32, #tpu.memory_space<vmem>>
      %dma_start3A_233 = tpu.memref_squeeze %dma_start3A_232 : memref<1x128xi32, #tpu.memory_space<vmem>> -> memref<128xi32, #tpu.memory_space<vmem>>
      %dma_start3A_234 = arith.constant 0 : i32
      %dma_start3A_235 = arith.constant 0 : i32
      %dma_start3A_236 = tpu.memref_slice %arg10[%dma_start3A_234, %dma_start3A_235] : memref<10240x128xf32, #tpu.memory_space<vmem_shared>> -> memref<10240x128xf32, #tpu.memory_space<vmem_shared>>
      tpu.enqueue_indirect_dma source(%dma_start3A_230 : memref<128x128xf32, #tpu.memory_space<vmem>>) target(%dma_start3A_236 : memref<10240x128xf32, #tpu.memory_space<vmem_shared>>) offsets(%dma_start3A_233 : memref<128xi32, #tpu.memory_space<vmem>>) semaphore(%arg13 : memref<!tpu.dma_semaphore, #tpu.memory_space<semaphore_mem>>) {add = true}
      %dma_wait3A_237 = arith.constant 0 : i32
      %dma_wait3A_238 = arith.constant 0 : i32
      %dma_wait3A_239 = arith.constant 0 : i32
      %dma_wait3A_240 = tpu.memref_slice %arg9[%dma_wait3A_237, %dma_wait3A_238, %dma_wait3A_239] : memref<2x128x128xf32, #tpu.memory_space<vmem>> -> memref<1x128x128xf32, #tpu.memory_space<vmem>>
      %dma_wait3A_241 = tpu.memref_squeeze %dma_wait3A_240 : memref<1x128x128xf32, #tpu.memory_space<vmem>> -> memref<128x128xf32, #tpu.memory_space<vmem>>
      %dma_wait3A_242 = arith.constant 0 : i32
      %dma_wait3A_243 = tpu.memref_slice %arg8[%add3A_215, %dma_wait3A_242] : memref<40x128xi32, #tpu.memory_space<vmem>> -> memref<1x128xi32, #tpu.memory_space<vmem>>
      %dma_wait3A_244 = tpu.memref_squeeze %dma_wait3A_243 : memref<1x128xi32, #tpu.memory_space<vmem>> -> memref<128xi32, #tpu.memory_space<vmem>>
      %dma_wait3A_245 = arith.constant 0 : i32
      %dma_wait3A_246 = arith.constant 0 : i32
      %dma_wait3A_247 = tpu.memref_slice %arg10[%dma_wait3A_245, %dma_wait3A_246] : memref<10240x128xf32, #tpu.memory_space<vmem_shared>> -> memref<10240x128xf32, #tpu.memory_space<vmem_shared>>
      tpu.wait_indirect_dma semaphore(%arg13 : memref<!tpu.dma_semaphore, #tpu.memory_space<semaphore_mem>>) src(%dma_wait3A_241 : memref<128x128xf32, #tpu.memory_space<vmem>>) dst(%dma_wait3A_247 : memref<10240x128xf32, #tpu.memory_space<vmem_shared>>)
      %add3A_248 = arith.constant 2 : i32
      %add3A_249 = arith.addi %add3A_215, %add3A_248 : i32
      %lt3A = arith.constant 40 : i32
      %lt3A_250 = arith.cmpi slt, %add3A_249, %lt3A : i32
      %convert_element_type3A = arith.extui %lt3A_250 : i1 to i32
      %cond3A = arith.constant 0 : i32
      %cond3A_251 = arith.cmpi ne, %convert_element_type3A, %cond3A : i32
      scf.if %cond3A_251 {
        %dma_start3A_296 = arith.constant 0 : i32
        %dma_start3A_297 = arith.constant 0 : i32
        %dma_start3A_298 = arith.constant 0 : i32
        %dma_start3A_299 = tpu.memref_slice %arg9[%dma_start3A_296, %dma_start3A_297, %dma_start3A_298] : memref<2x128x128xf32, #tpu.memory_space<vmem>> -> memref<1x128x128xf32, #tpu.memory_space<vmem>>
        %dma_start3A_300 = tpu.memref_squeeze %dma_start3A_299 : memref<1x128x128xf32, #tpu.memory_space<vmem>> -> memref<128x128xf32, #tpu.memory_space<vmem>>
        %dma_start3A_301 = arith.constant 0 : i32
        %dma_start3A_302 = tpu.memref_slice %arg7[%add3A_249, %dma_start3A_301] : memref<40x128xi32, #tpu.memory_space<vmem>> -> memref<1x128xi32, #tpu.memory_space<vmem>>
        %dma_start3A_303 = tpu.memref_squeeze %dma_start3A_302 : memref<1x128xi32, #tpu.memory_space<vmem>> -> memref<128xi32, #tpu.memory_space<vmem>>
        %dma_start3A_304 = arith.constant 0 : i32
        %dma_start3A_305 = arith.constant 0 : i32
        %dma_start3A_306 = tpu.memref_slice %arg2[%dma_start3A_304, %dma_start3A_305] : memref<40960x128xf32, #tpu.memory_space<hbm>> -> memref<40960x128xf32, #tpu.memory_space<hbm>>
        tpu.enqueue_indirect_dma source(%dma_start3A_306 : memref<40960x128xf32, #tpu.memory_space<hbm>>) target(%dma_start3A_300 : memref<128x128xf32, #tpu.memory_space<vmem>>) offsets(%dma_start3A_303 : memref<128xi32, #tpu.memory_space<vmem>>) semaphore(%arg11 : memref<!tpu.dma_semaphore, #tpu.memory_space<semaphore_mem>>)
      } else {
      }
      %mul3A_252 = arith.constant 2 : i32
      %mul3A_253 = arith.muli %scan3A_211, %mul3A_252 : i32
      %add3A_254 = arith.constant 1 : i32
      %add3A_255 = arith.addi %mul3A_253, %add3A_254 : i32
      %dma_wait3A_256 = arith.constant 1 : i32
      %dma_wait3A_257 = arith.constant 0 : i32
      %dma_wait3A_258 = arith.constant 0 : i32
      %dma_wait3A_259 = tpu.memref_slice %arg9[%dma_wait3A_256, %dma_wait3A_257, %dma_wait3A_258] : memref<2x128x128xf32, #tpu.memory_space<vmem>> -> memref<1x128x128xf32, #tpu.memory_space<vmem>>
      %dma_wait3A_260 = tpu.memref_squeeze %dma_wait3A_259 : memref<1x128x128xf32, #tpu.memory_space<vmem>> -> memref<128x128xf32, #tpu.memory_space<vmem>>
      %dma_wait3A_261 = arith.constant 0 : i32
      %dma_wait3A_262 = tpu.memref_slice %arg7[%add3A_255, %dma_wait3A_261] : memref<40x128xi32, #tpu.memory_space<vmem>> -> memref<1x128xi32, #tpu.memory_space<vmem>>
      %dma_wait3A_263 = tpu.memref_squeeze %dma_wait3A_262 : memref<1x128xi32, #tpu.memory_space<vmem>> -> memref<128xi32, #tpu.memory_space<vmem>>
      %dma_wait3A_264 = arith.constant 0 : i32
      %dma_wait3A_265 = arith.constant 0 : i32
      %dma_wait3A_266 = tpu.memref_slice %arg2[%dma_wait3A_264, %dma_wait3A_265] : memref<40960x128xf32, #tpu.memory_space<hbm>> -> memref<40960x128xf32, #tpu.memory_space<hbm>>
      tpu.wait_indirect_dma semaphore(%arg12 : memref<!tpu.dma_semaphore, #tpu.memory_space<semaphore_mem>>) src(%dma_wait3A_266 : memref<40960x128xf32, #tpu.memory_space<hbm>>) dst(%dma_wait3A_260 : memref<128x128xf32, #tpu.memory_space<vmem>>)
      %dma_start3A_267 = arith.constant 1 : i32
      %dma_start3A_268 = arith.constant 0 : i32
      %dma_start3A_269 = arith.constant 0 : i32
      %dma_start3A_270 = tpu.memref_slice %arg9[%dma_start3A_267, %dma_start3A_268, %dma_start3A_269] : memref<2x128x128xf32, #tpu.memory_space<vmem>> -> memref<1x128x128xf32, #tpu.memory_space<vmem>>
      %dma_start3A_271 = tpu.memref_squeeze %dma_start3A_270 : memref<1x128x128xf32, #tpu.memory_space<vmem>> -> memref<128x128xf32, #tpu.memory_space<vmem>>
      %dma_start3A_272 = arith.constant 0 : i32
      %dma_start3A_273 = tpu.memref_slice %arg8[%add3A_255, %dma_start3A_272] : memref<40x128xi32, #tpu.memory_space<vmem>> -> memref<1x128xi32, #tpu.memory_space<vmem>>
      %dma_start3A_274 = tpu.memref_squeeze %dma_start3A_273 : memref<1x128xi32, #tpu.memory_space<vmem>> -> memref<128xi32, #tpu.memory_space<vmem>>
      %dma_start3A_275 = arith.constant 0 : i32
      %dma_start3A_276 = arith.constant 0 : i32
      %dma_start3A_277 = tpu.memref_slice %arg10[%dma_start3A_275, %dma_start3A_276] : memref<10240x128xf32, #tpu.memory_space<vmem_shared>> -> memref<10240x128xf32, #tpu.memory_space<vmem_shared>>
      tpu.enqueue_indirect_dma source(%dma_start3A_271 : memref<128x128xf32, #tpu.memory_space<vmem>>) target(%dma_start3A_277 : memref<10240x128xf32, #tpu.memory_space<vmem_shared>>) offsets(%dma_start3A_274 : memref<128xi32, #tpu.memory_space<vmem>>) semaphore(%arg13 : memref<!tpu.dma_semaphore, #tpu.memory_space<semaphore_mem>>) {add = true}
      %dma_wait3A_278 = arith.constant 1 : i32
      %dma_wait3A_279 = arith.constant 0 : i32
      %dma_wait3A_280 = arith.constant 0 : i32
      %dma_wait3A_281 = tpu.memref_slice %arg9[%dma_wait3A_278, %dma_wait3A_279, %dma_wait3A_280] : memref<2x128x128xf32, #tpu.memory_space<vmem>> -> memref<1x128x128xf32, #tpu.memory_space<vmem>>
      %dma_wait3A_282 = tpu.memref_squeeze %dma_wait3A_281 : memref<1x128x128xf32, #tpu.memory_space<vmem>> -> memref<128x128xf32, #tpu.memory_space<vmem>>
      %dma_wait3A_283 = arith.constant 0 : i32
      %dma_wait3A_284 = tpu.memref_slice %arg8[%add3A_255, %dma_wait3A_283] : memref<40x128xi32, #tpu.memory_space<vmem>> -> memref<1x128xi32, #tpu.memory_space<vmem>>
      %dma_wait3A_285 = tpu.memref_squeeze %dma_wait3A_284 : memref<1x128xi32, #tpu.memory_space<vmem>> -> memref<128xi32, #tpu.memory_space<vmem>>
      %dma_wait3A_286 = arith.constant 0 : i32
      %dma_wait3A_287 = arith.constant 0 : i32
      %dma_wait3A_288 = tpu.memref_slice %arg10[%dma_wait3A_286, %dma_wait3A_287] : memref<10240x128xf32, #tpu.memory_space<vmem_shared>> -> memref<10240x128xf32, #tpu.memory_space<vmem_shared>>
      tpu.wait_indirect_dma semaphore(%arg13 : memref<!tpu.dma_semaphore, #tpu.memory_space<semaphore_mem>>) src(%dma_wait3A_282 : memref<128x128xf32, #tpu.memory_space<vmem>>) dst(%dma_wait3A_288 : memref<10240x128xf32, #tpu.memory_space<vmem_shared>>)
      %add3A_289 = arith.constant 2 : i32
      %add3A_290 = arith.addi %add3A_255, %add3A_289 : i32
      %lt3A_291 = arith.constant 40 : i32
      %lt3A_292 = arith.cmpi slt, %add3A_290, %lt3A_291 : i32
      %convert_element_type3A_293 = arith.extui %lt3A_292 : i1 to i32
      %cond3A_294 = arith.constant 0 : i32
      %cond3A_295 = arith.cmpi ne, %convert_element_type3A_293, %cond3A_294 : i32
      scf.if %cond3A_295 {
        %dma_start3A_296 = arith.constant 1 : i32
        %dma_start3A_297 = arith.constant 0 : i32
        %dma_start3A_298 = arith.constant 0 : i32
        %dma_start3A_299 = tpu.memref_slice %arg9[%dma_start3A_296, %dma_start3A_297, %dma_start3A_298] : memref<2x128x128xf32, #tpu.memory_space<vmem>> -> memref<1x128x128xf32, #tpu.memory_space<vmem>>
        %dma_start3A_300 = tpu.memref_squeeze %dma_start3A_299 : memref<1x128x128xf32, #tpu.memory_space<vmem>> -> memref<128x128xf32, #tpu.memory_space<vmem>>
        %dma_start3A_301 = arith.constant 0 : i32
        %dma_start3A_302 = tpu.memref_slice %arg7[%add3A_290, %dma_start3A_301] : memref<40x128xi32, #tpu.memory_space<vmem>> -> memref<1x128xi32, #tpu.memory_space<vmem>>
        %dma_start3A_303 = tpu.memref_squeeze %dma_start3A_302 : memref<1x128xi32, #tpu.memory_space<vmem>> -> memref<128xi32, #tpu.memory_space<vmem>>
        %dma_start3A_304 = arith.constant 0 : i32
        %dma_start3A_305 = arith.constant 0 : i32
        %dma_start3A_306 = tpu.memref_slice %arg2[%dma_start3A_304, %dma_start3A_305] : memref<40960x128xf32, #tpu.memory_space<hbm>> -> memref<40960x128xf32, #tpu.memory_space<hbm>>
        tpu.enqueue_indirect_dma source(%dma_start3A_306 : memref<40960x128xf32, #tpu.memory_space<hbm>>) target(%dma_start3A_300 : memref<128x128xf32, #tpu.memory_space<vmem>>) offsets(%dma_start3A_303 : memref<128xi32, #tpu.memory_space<vmem>>) semaphore(%arg12 : memref<!tpu.dma_semaphore, #tpu.memory_space<semaphore_mem>>)
      } else {
      }
    }
    %scan3A_50 = arith.constant 20 : i32
    %mul3A_51 = arith.constant 32 : i32
    %mul3A_52 = arith.muli %add3A_1, %mul3A_51 : i32
    %mul3A_53 = arith.constant 2 : i32
    %mul3A_54 = arith.muli %mul3A_53, %arg1 : i32
    %add3A_55 = arith.addi %mul3A_52, %mul3A_54 : i32
    %mul3A_56 = arith.constant 40 : i32
    %mul3A_57 = arith.muli %add3A_55, %mul3A_56 : i32
    %add3A_58 = arith.constant 40 : i32
    %add3A_59 = arith.addi %mul3A_57, %add3A_58 : i32
    "tpu.region"() ({
      %run_scoped3A = tpu.sem_alloc : memref<!tpu.dma_semaphore, #tpu.memory_space<semaphore_mem>>
      %dma_start3A_211 = arith.constant 0 : i32
      %dma_start3A_212 = tpu.memref_slice %arg3[%add3A_59, %dma_start3A_211] : memref<5120x128xi32, #tpu.memory_space<hbm>> -> memref<40x128xi32, #tpu.memory_space<hbm>>
      %dma_start3A_213 = arith.constant 0 : i32
      %dma_start3A_214 = tpu.memref_slice %arg3[%add3A_59, %dma_start3A_213] : memref<5120x128xi32, #tpu.memory_space<hbm>> -> memref<40x128xi32, #tpu.memory_space<hbm>>
      tpu.enqueue_dma source(%dma_start3A_214 : memref<40x128xi32, #tpu.memory_space<hbm>>) target(%arg7 : memref<40x128xi32, #tpu.memory_space<vmem>>) target_semaphore(%run_scoped3A : memref<!tpu.dma_semaphore, #tpu.memory_space<semaphore_mem>>)
      %dma_wait3A = arith.constant 0 : i32
      %dma_wait3A_215 = tpu.memref_slice %arg3[%add3A_59, %dma_wait3A] : memref<5120x128xi32, #tpu.memory_space<hbm>> -> memref<40x128xi32, #tpu.memory_space<hbm>>
      %dma_wait3A_216 = arith.constant 0 : i32
      %dma_wait3A_217 = tpu.memref_slice %arg3[%add3A_59, %dma_wait3A_216] : memref<5120x128xi32, #tpu.memory_space<hbm>> -> memref<40x128xi32, #tpu.memory_space<hbm>>
      tpu.wait_dma2 semaphore(%run_scoped3A : memref<!tpu.dma_semaphore, #tpu.memory_space<semaphore_mem>>) src(%dma_wait3A_217 : memref<40x128xi32, #tpu.memory_space<hbm>>) dst(%arg7 : memref<40x128xi32, #tpu.memory_space<vmem>>)
      tpu.yield
    }) : () -> ()
    %mul3A_60 = arith.constant 2 : i32
    %mul3A_61 = arith.muli %mul3A_60, %arg1 : i32
    %mul3A_62 = arith.constant 40 : i32
    %mul3A_63 = arith.muli %mul3A_61, %mul3A_62 : i32
    %add3A_64 = arith.constant 40 : i32
    %add3A_65 = arith.addi %mul3A_63, %add3A_64 : i32
    "tpu.region"() ({
      %run_scoped3A = tpu.sem_alloc : memref<!tpu.dma_semaphore, #tpu.memory_space<semaphore_mem>>
      %dma_start3A_211 = arith.constant 0 : i32
      %dma_start3A_212 = tpu.memref_slice %arg4[%add3A_65, %dma_start3A_211] : memref<1280x128xi32, #tpu.memory_space<hbm>> -> memref<40x128xi32, #tpu.memory_space<hbm>>
      %dma_start3A_213 = arith.constant 0 : i32
      %dma_start3A_214 = tpu.memref_slice %arg4[%add3A_65, %dma_start3A_213] : memref<1280x128xi32, #tpu.memory_space<hbm>> -> memref<40x128xi32, #tpu.memory_space<hbm>>
      tpu.enqueue_dma source(%dma_start3A_214 : memref<40x128xi32, #tpu.memory_space<hbm>>) target(%arg8 : memref<40x128xi32, #tpu.memory_space<vmem>>) target_semaphore(%run_scoped3A : memref<!tpu.dma_semaphore, #tpu.memory_space<semaphore_mem>>)
      %dma_wait3A = arith.constant 0 : i32
      %dma_wait3A_215 = tpu.memref_slice %arg4[%add3A_65, %dma_wait3A] : memref<1280x128xi32, #tpu.memory_space<hbm>> -> memref<40x128xi32, #tpu.memory_space<hbm>>
      %dma_wait3A_216 = arith.constant 0 : i32
      %dma_wait3A_217 = tpu.memref_slice %arg4[%add3A_65, %dma_wait3A_216] : memref<1280x128xi32, #tpu.memory_space<hbm>> -> memref<40x128xi32, #tpu.memory_space<hbm>>
      tpu.wait_dma2 semaphore(%run_scoped3A : memref<!tpu.dma_semaphore, #tpu.memory_space<semaphore_mem>>) src(%dma_wait3A_217 : memref<40x128xi32, #tpu.memory_space<hbm>>) dst(%arg8 : memref<40x128xi32, #tpu.memory_space<vmem>>)
      tpu.yield
    }) : () -> ()
    %dma_start3A_66 = arith.constant 0 : i32
    %dma_start3A_67 = arith.constant 0 : i32
    %dma_start3A_68 = arith.constant 0 : i32
    %dma_start3A_69 = arith.constant 0 : i32
    %dma_start3A_70 = tpu.memref_slice %arg9[%dma_start3A_67, %dma_start3A_68, %dma_start3A_69] : memref<2x128x128xf32, #tpu.memory_space<vmem>> -> memref<1x128x128xf32, #tpu.memory_space<vmem>>
    %dma_start3A_71 = tpu.memref_squeeze %dma_start3A_70 : memref<1x128x128xf32, #tpu.memory_space<vmem>> -> memref<128x128xf32, #tpu.memory_space<vmem>>
    %dma_start3A_72 = arith.constant 0 : i32
    %dma_start3A_73 = tpu.memref_slice %arg7[%dma_start3A_66, %dma_start3A_72] : memref<40x128xi32, #tpu.memory_space<vmem>> -> memref<1x128xi32, #tpu.memory_space<vmem>>
    %dma_start3A_74 = tpu.memref_squeeze %dma_start3A_73 : memref<1x128xi32, #tpu.memory_space<vmem>> -> memref<128xi32, #tpu.memory_space<vmem>>
    %dma_start3A_75 = arith.constant 0 : i32
    %dma_start3A_76 = arith.constant 0 : i32
    %dma_start3A_77 = tpu.memref_slice %arg2[%dma_start3A_75, %dma_start3A_76] : memref<40960x128xf32, #tpu.memory_space<hbm>> -> memref<40960x128xf32, #tpu.memory_space<hbm>>
    tpu.enqueue_indirect_dma source(%dma_start3A_77 : memref<40960x128xf32, #tpu.memory_space<hbm>>) target(%dma_start3A_71 : memref<128x128xf32, #tpu.memory_space<vmem>>) offsets(%dma_start3A_74 : memref<128xi32, #tpu.memory_space<vmem>>) semaphore(%arg11 : memref<!tpu.dma_semaphore, #tpu.memory_space<semaphore_mem>>)
    %dma_start3A_78 = arith.constant 1 : i32
    %dma_start3A_79 = arith.constant 1 : i32
    %dma_start3A_80 = arith.constant 0 : i32
    %dma_start3A_81 = arith.constant 0 : i32
    %dma_start3A_82 = tpu.memref_slice %arg9[%dma_start3A_79, %dma_start3A_80, %dma_start3A_81] : memref<2x128x128xf32, #tpu.memory_space<vmem>> -> memref<1x128x128xf32, #tpu.memory_space<vmem>>
    %dma_start3A_83 = tpu.memref_squeeze %dma_start3A_82 : memref<1x128x128xf32, #tpu.memory_space<vmem>> -> memref<128x128xf32, #tpu.memory_space<vmem>>
    %dma_start3A_84 = arith.constant 0 : i32
    %dma_start3A_85 = tpu.memref_slice %arg7[%dma_start3A_78, %dma_start3A_84] : memref<40x128xi32, #tpu.memory_space<vmem>> -> memref<1x128xi32, #tpu.memory_space<vmem>>
    %dma_start3A_86 = tpu.memref_squeeze %dma_start3A_85 : memref<1x128xi32, #tpu.memory_space<vmem>> -> memref<128xi32, #tpu.memory_space<vmem>>
    %dma_start3A_87 = arith.constant 0 : i32
    %dma_start3A_88 = arith.constant 0 : i32
    %dma_start3A_89 = tpu.memref_slice %arg2[%dma_start3A_87, %dma_start3A_88] : memref<40960x128xf32, #tpu.memory_space<hbm>> -> memref<40960x128xf32, #tpu.memory_space<hbm>>
    tpu.enqueue_indirect_dma source(%dma_start3A_89 : memref<40960x128xf32, #tpu.memory_space<hbm>>) target(%dma_start3A_83 : memref<128x128xf32, #tpu.memory_space<vmem>>) offsets(%dma_start3A_86 : memref<128xi32, #tpu.memory_space<vmem>>) semaphore(%arg12 : memref<!tpu.dma_semaphore, #tpu.memory_space<semaphore_mem>>)
    %scan3A_90 = arith.constant 0 : i32
    %scan3A_91 = arith.constant 0 : i32
    %scan3A_92 = arith.constant 20 : i32
    %scan3A_93 = arith.addi %scan3A_91, %scan3A_92 : i32
    %scan3A_94 = arith.constant 1 : i32
    scf.for %scan3A_211 = %scan3A_91 to %scan3A_93 step %scan3A_94  : i32 {
      %mul3A_212 = arith.constant 2 : i32
      %mul3A_213 = arith.muli %scan3A_211, %mul3A_212 : i32
      %add3A_214 = arith.constant 0 : i32
      %add3A_215 = arith.addi %mul3A_213, %add3A_214 : i32
      %dma_wait3A = arith.constant 0 : i32
      %dma_wait3A_216 = arith.constant 0 : i32
      %dma_wait3A_217 = arith.constant 0 : i32
      %dma_wait3A_218 = tpu.memref_slice %arg9[%dma_wait3A, %dma_wait3A_216, %dma_wait3A_217] : memref<2x128x128xf32, #tpu.memory_space<vmem>> -> memref<1x128x128xf32, #tpu.memory_space<vmem>>
      %dma_wait3A_219 = tpu.memref_squeeze %dma_wait3A_218 : memref<1x128x128xf32, #tpu.memory_space<vmem>> -> memref<128x128xf32, #tpu.memory_space<vmem>>
      %dma_wait3A_220 = arith.constant 0 : i32
      %dma_wait3A_221 = tpu.memref_slice %arg7[%add3A_215, %dma_wait3A_220] : memref<40x128xi32, #tpu.memory_space<vmem>> -> memref<1x128xi32, #tpu.memory_space<vmem>>
      %dma_wait3A_222 = tpu.memref_squeeze %dma_wait3A_221 : memref<1x128xi32, #tpu.memory_space<vmem>> -> memref<128xi32, #tpu.memory_space<vmem>>
      %dma_wait3A_223 = arith.constant 0 : i32
      %dma_wait3A_224 = arith.constant 0 : i32
      %dma_wait3A_225 = tpu.memref_slice %arg2[%dma_wait3A_223, %dma_wait3A_224] : memref<40960x128xf32, #tpu.memory_space<hbm>> -> memref<40960x128xf32, #tpu.memory_space<hbm>>
      tpu.wait_indirect_dma semaphore(%arg11 : memref<!tpu.dma_semaphore, #tpu.memory_space<semaphore_mem>>) src(%dma_wait3A_225 : memref<40960x128xf32, #tpu.memory_space<hbm>>) dst(%dma_wait3A_219 : memref<128x128xf32, #tpu.memory_space<vmem>>)
      %dma_start3A_226 = arith.constant 0 : i32
      %dma_start3A_227 = arith.constant 0 : i32
      %dma_start3A_228 = arith.constant 0 : i32
      %dma_start3A_229 = tpu.memref_slice %arg9[%dma_start3A_226, %dma_start3A_227, %dma_start3A_228] : memref<2x128x128xf32, #tpu.memory_space<vmem>> -> memref<1x128x128xf32, #tpu.memory_space<vmem>>
      %dma_start3A_230 = tpu.memref_squeeze %dma_start3A_229 : memref<1x128x128xf32, #tpu.memory_space<vmem>> -> memref<128x128xf32, #tpu.memory_space<vmem>>
      %dma_start3A_231 = arith.constant 0 : i32
      %dma_start3A_232 = tpu.memref_slice %arg8[%add3A_215, %dma_start3A_231] : memref<40x128xi32, #tpu.memory_space<vmem>> -> memref<1x128xi32, #tpu.memory_space<vmem>>
      %dma_start3A_233 = tpu.memref_squeeze %dma_start3A_232 : memref<1x128xi32, #tpu.memory_space<vmem>> -> memref<128xi32, #tpu.memory_space<vmem>>
      %dma_start3A_234 = arith.constant 0 : i32
      %dma_start3A_235 = arith.constant 0 : i32
      %dma_start3A_236 = tpu.memref_slice %arg10[%dma_start3A_234, %dma_start3A_235] : memref<10240x128xf32, #tpu.memory_space<vmem_shared>> -> memref<10240x128xf32, #tpu.memory_space<vmem_shared>>
      tpu.enqueue_indirect_dma source(%dma_start3A_230 : memref<128x128xf32, #tpu.memory_space<vmem>>) target(%dma_start3A_236 : memref<10240x128xf32, #tpu.memory_space<vmem_shared>>) offsets(%dma_start3A_233 : memref<128xi32, #tpu.memory_space<vmem>>) semaphore(%arg13 : memref<!tpu.dma_semaphore, #tpu.memory_space<semaphore_mem>>) {add = true}
      %dma_wait3A_237 = arith.constant 0 : i32
      %dma_wait3A_238 = arith.constant 0 : i32
      %dma_wait3A_239 = arith.constant 0 : i32
      %dma_wait3A_240 = tpu.memref_slice %arg9[%dma_wait3A_237, %dma_wait3A_238, %dma_wait3A_239] : memref<2x128x128xf32, #tpu.memory_space<vmem>> -> memref<1x128x128xf32, #tpu.memory_space<vmem>>
      %dma_wait3A_241 = tpu.memref_squeeze %dma_wait3A_240 : memref<1x128x128xf32, #tpu.memory_space<vmem>> -> memref<128x128xf32, #tpu.memory_space<vmem>>
      %dma_wait3A_242 = arith.constant 0 : i32
      %dma_wait3A_243 = tpu.memref_slice %arg8[%add3A_215, %dma_wait3A_242] : memref<40x128xi32, #tpu.memory_space<vmem>> -> memref<1x128xi32, #tpu.memory_space<vmem>>
      %dma_wait3A_244 = tpu.memref_squeeze %dma_wait3A_243 : memref<1x128xi32, #tpu.memory_space<vmem>> -> memref<128xi32, #tpu.memory_space<vmem>>
      %dma_wait3A_245 = arith.constant 0 : i32
      %dma_wait3A_246 = arith.constant 0 : i32
      %dma_wait3A_247 = tpu.memref_slice %arg10[%dma_wait3A_245, %dma_wait3A_246] : memref<10240x128xf32, #tpu.memory_space<vmem_shared>> -> memref<10240x128xf32, #tpu.memory_space<vmem_shared>>
      tpu.wait_indirect_dma semaphore(%arg13 : memref<!tpu.dma_semaphore, #tpu.memory_space<semaphore_mem>>) src(%dma_wait3A_241 : memref<128x128xf32, #tpu.memory_space<vmem>>) dst(%dma_wait3A_247 : memref<10240x128xf32, #tpu.memory_space<vmem_shared>>)
      %add3A_248 = arith.constant 2 : i32
      %add3A_249 = arith.addi %add3A_215, %add3A_248 : i32
      %lt3A = arith.constant 40 : i32
      %lt3A_250 = arith.cmpi slt, %add3A_249, %lt3A : i32
      %convert_element_type3A = arith.extui %lt3A_250 : i1 to i32
      %cond3A = arith.constant 0 : i32
      %cond3A_251 = arith.cmpi ne, %convert_element_type3A, %cond3A : i32
      scf.if %cond3A_251 {
        %dma_start3A_296 = arith.constant 0 : i32
        %dma_start3A_297 = arith.constant 0 : i32
        %dma_start3A_298 = arith.constant 0 : i32
        %dma_start3A_299 = tpu.memref_slice %arg9[%dma_start3A_296, %dma_start3A_297, %dma_start3A_298] : memref<2x128x128xf32, #tpu.memory_space<vmem>> -> memref<1x128x128xf32, #tpu.memory_space<vmem>>
        %dma_start3A_300 = tpu.memref_squeeze %dma_start3A_299 : memref<1x128x128xf32, #tpu.memory_space<vmem>> -> memref<128x128xf32, #tpu.memory_space<vmem>>
        %dma_start3A_301 = arith.constant 0 : i32
        %dma_start3A_302 = tpu.memref_slice %arg7[%add3A_249, %dma_start3A_301] : memref<40x128xi32, #tpu.memory_space<vmem>> -> memref<1x128xi32, #tpu.memory_space<vmem>>
        %dma_start3A_303 = tpu.memref_squeeze %dma_start3A_302 : memref<1x128xi32, #tpu.memory_space<vmem>> -> memref<128xi32, #tpu.memory_space<vmem>>
        %dma_start3A_304 = arith.constant 0 : i32
        %dma_start3A_305 = arith.constant 0 : i32
        %dma_start3A_306 = tpu.memref_slice %arg2[%dma_start3A_304, %dma_start3A_305] : memref<40960x128xf32, #tpu.memory_space<hbm>> -> memref<40960x128xf32, #tpu.memory_space<hbm>>
        tpu.enqueue_indirect_dma source(%dma_start3A_306 : memref<40960x128xf32, #tpu.memory_space<hbm>>) target(%dma_start3A_300 : memref<128x128xf32, #tpu.memory_space<vmem>>) offsets(%dma_start3A_303 : memref<128xi32, #tpu.memory_space<vmem>>) semaphore(%arg11 : memref<!tpu.dma_semaphore, #tpu.memory_space<semaphore_mem>>)
      } else {
      }
      %mul3A_252 = arith.constant 2 : i32
      %mul3A_253 = arith.muli %scan3A_211, %mul3A_252 : i32
      %add3A_254 = arith.constant 1 : i32
      %add3A_255 = arith.addi %mul3A_253, %add3A_254 : i32
      %dma_wait3A_256 = arith.constant 1 : i32
      %dma_wait3A_257 = arith.constant 0 : i32
      %dma_wait3A_258 = arith.constant 0 : i32
      %dma_wait3A_259 = tpu.memref_slice %arg9[%dma_wait3A_256, %dma_wait3A_257, %dma_wait3A_258] : memref<2x128x128xf32, #tpu.memory_space<vmem>> -> memref<1x128x128xf32, #tpu.memory_space<vmem>>
      %dma_wait3A_260 = tpu.memref_squeeze %dma_wait3A_259 : memref<1x128x128xf32, #tpu.memory_space<vmem>> -> memref<128x128xf32, #tpu.memory_space<vmem>>
      %dma_wait3A_261 = arith.constant 0 : i32
      %dma_wait3A_262 = tpu.memref_slice %arg7[%add3A_255, %dma_wait3A_261] : memref<40x128xi32, #tpu.memory_space<vmem>> -> memref<1x128xi32, #tpu.memory_space<vmem>>
      %dma_wait3A_263 = tpu.memref_squeeze %dma_wait3A_262 : memref<1x128xi32, #tpu.memory_space<vmem>> -> memref<128xi32, #tpu.memory_space<vmem>>
      %dma_wait3A_264 = arith.constant 0 : i32
      %dma_wait3A_265 = arith.constant 0 : i32
      %dma_wait3A_266 = tpu.memref_slice %arg2[%dma_wait3A_264, %dma_wait3A_265] : memref<40960x128xf32, #tpu.memory_space<hbm>> -> memref<40960x128xf32, #tpu.memory_space<hbm>>
      tpu.wait_indirect_dma semaphore(%arg12 : memref<!tpu.dma_semaphore, #tpu.memory_space<semaphore_mem>>) src(%dma_wait3A_266 : memref<40960x128xf32, #tpu.memory_space<hbm>>) dst(%dma_wait3A_260 : memref<128x128xf32, #tpu.memory_space<vmem>>)
      %dma_start3A_267 = arith.constant 1 : i32
      %dma_start3A_268 = arith.constant 0 : i32
      %dma_start3A_269 = arith.constant 0 : i32
      %dma_start3A_270 = tpu.memref_slice %arg9[%dma_start3A_267, %dma_start3A_268, %dma_start3A_269] : memref<2x128x128xf32, #tpu.memory_space<vmem>> -> memref<1x128x128xf32, #tpu.memory_space<vmem>>
      %dma_start3A_271 = tpu.memref_squeeze %dma_start3A_270 : memref<1x128x128xf32, #tpu.memory_space<vmem>> -> memref<128x128xf32, #tpu.memory_space<vmem>>
      %dma_start3A_272 = arith.constant 0 : i32
      %dma_start3A_273 = tpu.memref_slice %arg8[%add3A_255, %dma_start3A_272] : memref<40x128xi32, #tpu.memory_space<vmem>> -> memref<1x128xi32, #tpu.memory_space<vmem>>
      %dma_start3A_274 = tpu.memref_squeeze %dma_start3A_273 : memref<1x128xi32, #tpu.memory_space<vmem>> -> memref<128xi32, #tpu.memory_space<vmem>>
      %dma_start3A_275 = arith.constant 0 : i32
      %dma_start3A_276 = arith.constant 0 : i32
      %dma_start3A_277 = tpu.memref_slice %arg10[%dma_start3A_275, %dma_start3A_276] : memref<10240x128xf32, #tpu.memory_space<vmem_shared>> -> memref<10240x128xf32, #tpu.memory_space<vmem_shared>>
      tpu.enqueue_indirect_dma source(%dma_start3A_271 : memref<128x128xf32, #tpu.memory_space<vmem>>) target(%dma_start3A_277 : memref<10240x128xf32, #tpu.memory_space<vmem_shared>>) offsets(%dma_start3A_274 : memref<128xi32, #tpu.memory_space<vmem>>) semaphore(%arg13 : memref<!tpu.dma_semaphore, #tpu.memory_space<semaphore_mem>>) {add = true}
      %dma_wait3A_278 = arith.constant 1 : i32
      %dma_wait3A_279 = arith.constant 0 : i32
      %dma_wait3A_280 = arith.constant 0 : i32
      %dma_wait3A_281 = tpu.memref_slice %arg9[%dma_wait3A_278, %dma_wait3A_279, %dma_wait3A_280] : memref<2x128x128xf32, #tpu.memory_space<vmem>> -> memref<1x128x128xf32, #tpu.memory_space<vmem>>
      %dma_wait3A_282 = tpu.memref_squeeze %dma_wait3A_281 : memref<1x128x128xf32, #tpu.memory_space<vmem>> -> memref<128x128xf32, #tpu.memory_space<vmem>>
      %dma_wait3A_283 = arith.constant 0 : i32
      %dma_wait3A_284 = tpu.memref_slice %arg8[%add3A_255, %dma_wait3A_283] : memref<40x128xi32, #tpu.memory_space<vmem>> -> memref<1x128xi32, #tpu.memory_space<vmem>>
      %dma_wait3A_285 = tpu.memref_squeeze %dma_wait3A_284 : memref<1x128xi32, #tpu.memory_space<vmem>> -> memref<128xi32, #tpu.memory_space<vmem>>
      %dma_wait3A_286 = arith.constant 0 : i32
      %dma_wait3A_287 = arith.constant 0 : i32
      %dma_wait3A_288 = tpu.memref_slice %arg10[%dma_wait3A_286, %dma_wait3A_287] : memref<10240x128xf32, #tpu.memory_space<vmem_shared>> -> memref<10240x128xf32, #tpu.memory_space<vmem_shared>>
      tpu.wait_indirect_dma semaphore(%arg13 : memref<!tpu.dma_semaphore, #tpu.memory_space<semaphore_mem>>) src(%dma_wait3A_282 : memref<128x128xf32, #tpu.memory_space<vmem>>) dst(%dma_wait3A_288 : memref<10240x128xf32, #tpu.memory_space<vmem_shared>>)
      %add3A_289 = arith.constant 2 : i32
      %add3A_290 = arith.addi %add3A_255, %add3A_289 : i32
      %lt3A_291 = arith.constant 40 : i32
      %lt3A_292 = arith.cmpi slt, %add3A_290, %lt3A_291 : i32
      %convert_element_type3A_293 = arith.extui %lt3A_292 : i1 to i32
      %cond3A_294 = arith.constant 0 : i32
      %cond3A_295 = arith.cmpi ne, %convert_element_type3A_293, %cond3A_294 : i32
      scf.if %cond3A_295 {
        %dma_start3A_296 = arith.constant 1 : i32
        %dma_start3A_297 = arith.constant 0 : i32
        %dma_start3A_298 = arith.constant 0 : i32
        %dma_start3A_299 = tpu.memref_slice %arg9[%dma_start3A_296, %dma_start3A_297, %dma_start3A_298] : memref<2x128x128xf32, #tpu.memory_space<vmem>> -> memref<1x128x128xf32, #tpu.memory_space<vmem>>
        %dma_start3A_300 = tpu.memref_squeeze %dma_start3A_299 : memref<1x128x128xf32, #tpu.memory_space<vmem>> -> memref<128x128xf32, #tpu.memory_space<vmem>>
        %dma_start3A_301 = arith.constant 0 : i32
        %dma_start3A_302 = tpu.memref_slice %arg7[%add3A_290, %dma_start3A_301] : memref<40x128xi32, #tpu.memory_space<vmem>> -> memref<1x128xi32, #tpu.memory_space<vmem>>
        %dma_start3A_303 = tpu.memref_squeeze %dma_start3A_302 : memref<1x128xi32, #tpu.memory_space<vmem>> -> memref<128xi32, #tpu.memory_space<vmem>>
        %dma_start3A_304 = arith.constant 0 : i32
        %dma_start3A_305 = arith.constant 0 : i32
        %dma_start3A_306 = tpu.memref_slice %arg2[%dma_start3A_304, %dma_start3A_305] : memref<40960x128xf32, #tpu.memory_space<hbm>> -> memref<40960x128xf32, #tpu.memory_space<hbm>>
        tpu.enqueue_indirect_dma source(%dma_start3A_306 : memref<40960x128xf32, #tpu.memory_space<hbm>>) target(%dma_start3A_300 : memref<128x128xf32, #tpu.memory_space<vmem>>) offsets(%dma_start3A_303 : memref<128xi32, #tpu.memory_space<vmem>>) semaphore(%arg12 : memref<!tpu.dma_semaphore, #tpu.memory_space<semaphore_mem>>)
      } else {
      }
    }
    %scan3A_95 = arith.constant 20 : i32
    %barrier3A_96 = arith.constant 0 : index
    tpu.barrier barrier_id(%barrier3A_96)
    %mul3A_97 = arith.constant 640 : i32
    %mul3A_98 = arith.muli %arg1, %mul3A_97 : i32
    %mul3A_99 = arith.constant 640 : i32
    %mul3A_100 = arith.muli %arg1, %mul3A_99 : i32
    %add3A_101 = arith.addi %mul3A_3, %mul3A_100 : i32
    "tpu.region"() ({
      %run_scoped3A = tpu.sem_alloc : memref<!tpu.dma_semaphore, #tpu.memory_space<semaphore_mem>>
      %dma_start3A_211 = arith.constant 0 : i32
      %dma_start3A_212 = tpu.memref_slice %arg6[%add3A_101, %dma_start3A_211] : memref<40960x128xf32, #tpu.memory_space<hbm>> -> memref<640x128xf32, #tpu.memory_space<hbm>>
      %dma_start3A_213 = arith.constant 0 : i32
      %dma_start3A_214 = tpu.memref_slice %arg10[%mul3A_98, %dma_start3A_213] : memref<10240x128xf32, #tpu.memory_space<vmem_shared>> -> memref<640x128xf32, #tpu.memory_space<vmem_shared>>
      tpu.enqueue_dma source(%dma_start3A_214 : memref<640x128xf32, #tpu.memory_space<vmem_shared>>) target(%dma_start3A_212 : memref<640x128xf32, #tpu.memory_space<hbm>>) target_semaphore(%run_scoped3A : memref<!tpu.dma_semaphore, #tpu.memory_space<semaphore_mem>>)
      %dma_wait3A = arith.constant 0 : i32
      %dma_wait3A_215 = tpu.memref_slice %arg6[%add3A_101, %dma_wait3A] : memref<40960x128xf32, #tpu.memory_space<hbm>> -> memref<640x128xf32, #tpu.memory_space<hbm>>
      %dma_wait3A_216 = arith.constant 0 : i32
      %dma_wait3A_217 = tpu.memref_slice %arg10[%mul3A_98, %dma_wait3A_216] : memref<10240x128xf32, #tpu.memory_space<vmem_shared>> -> memref<640x128xf32, #tpu.memory_space<vmem_shared>>
      tpu.wait_dma2 semaphore(%run_scoped3A : memref<!tpu.dma_semaphore, #tpu.memory_space<semaphore_mem>>) src(%dma_wait3A_217 : memref<640x128xf32, #tpu.memory_space<vmem_shared>>) dst(%dma_wait3A_215 : memref<640x128xf32, #tpu.memory_space<hbm>>)
      tpu.yield
    }) : () -> ()
    %barrier3A_102 = arith.constant 0 : index
    tpu.barrier barrier_id(%barrier3A_102)
    %mul3A_103 = arith.constant 2 : i32
    %mul3A_104 = arith.muli %mul3A_103, %arg0 : i32
    %add3A_105 = arith.constant 1 : i32
    %add3A_106 = arith.addi %mul3A_104, %add3A_105 : i32
    %mul3A_107 = arith.constant 10240 : i32
    %mul3A_108 = arith.muli %add3A_106, %mul3A_107 : i32
    %mul3A_109 = arith.constant 640 : i32
    %mul3A_110 = arith.muli %arg1, %mul3A_109 : i32
    %mul3A_111 = arith.constant 640 : i32
    %mul3A_112 = arith.muli %arg1, %mul3A_111 : i32
    "tpu.region"() ({
      %run_scoped3A = tpu.sem_alloc : memref<!tpu.dma_semaphore, #tpu.memory_space<semaphore_mem>>
      %dma_start3A_211 = arith.constant 0 : i32
      %dma_start3A_212 = tpu.memref_slice %arg10[%mul3A_112, %dma_start3A_211] : memref<10240x128xf32, #tpu.memory_space<vmem_shared>> -> memref<640x128xf32, #tpu.memory_space<vmem_shared>>
      %dma_start3A_213 = arith.constant 0 : i32
      %dma_start3A_214 = tpu.memref_slice %arg5[%mul3A_110, %dma_start3A_213] : memref<10240x128xf32, #tpu.memory_space<hbm>> -> memref<640x128xf32, #tpu.memory_space<hbm>>
      tpu.enqueue_dma source(%dma_start3A_214 : memref<640x128xf32, #tpu.memory_space<hbm>>) target(%dma_start3A_212 : memref<640x128xf32, #tpu.memory_space<vmem_shared>>) target_semaphore(%run_scoped3A : memref<!tpu.dma_semaphore, #tpu.memory_space<semaphore_mem>>)
      %dma_wait3A = arith.constant 0 : i32
      %dma_wait3A_215 = tpu.memref_slice %arg10[%mul3A_112, %dma_wait3A] : memref<10240x128xf32, #tpu.memory_space<vmem_shared>> -> memref<640x128xf32, #tpu.memory_space<vmem_shared>>
      %dma_wait3A_216 = arith.constant 0 : i32
      %dma_wait3A_217 = tpu.memref_slice %arg5[%mul3A_110, %dma_wait3A_216] : memref<10240x128xf32, #tpu.memory_space<hbm>> -> memref<640x128xf32, #tpu.memory_space<hbm>>
      tpu.wait_dma2 semaphore(%run_scoped3A : memref<!tpu.dma_semaphore, #tpu.memory_space<semaphore_mem>>) src(%dma_wait3A_217 : memref<640x128xf32, #tpu.memory_space<hbm>>) dst(%dma_wait3A_215 : memref<640x128xf32, #tpu.memory_space<vmem_shared>>)
      tpu.yield
    }) : () -> ()
    %barrier3A_113 = arith.constant 0 : index
    tpu.barrier barrier_id(%barrier3A_113)
    %mul3A_114 = arith.constant 32 : i32
    %mul3A_115 = arith.muli %add3A_106, %mul3A_114 : i32
    %mul3A_116 = arith.constant 2 : i32
    %mul3A_117 = arith.muli %mul3A_116, %arg1 : i32
    %add3A_118 = arith.addi %mul3A_115, %mul3A_117 : i32
    %mul3A_119 = arith.constant 40 : i32
    %mul3A_120 = arith.muli %add3A_118, %mul3A_119 : i32
    %add3A_121 = arith.constant 0 : i32
    %add3A_122 = arith.addi %mul3A_120, %add3A_121 : i32
    "tpu.region"() ({
      %run_scoped3A = tpu.sem_alloc : memref<!tpu.dma_semaphore, #tpu.memory_space<semaphore_mem>>
      %dma_start3A_211 = arith.constant 0 : i32
      %dma_start3A_212 = tpu.memref_slice %arg3[%add3A_122, %dma_start3A_211] : memref<5120x128xi32, #tpu.memory_space<hbm>> -> memref<40x128xi32, #tpu.memory_space<hbm>>
      %dma_start3A_213 = arith.constant 0 : i32
      %dma_start3A_214 = tpu.memref_slice %arg3[%add3A_122, %dma_start3A_213] : memref<5120x128xi32, #tpu.memory_space<hbm>> -> memref<40x128xi32, #tpu.memory_space<hbm>>
      tpu.enqueue_dma source(%dma_start3A_214 : memref<40x128xi32, #tpu.memory_space<hbm>>) target(%arg7 : memref<40x128xi32, #tpu.memory_space<vmem>>) target_semaphore(%run_scoped3A : memref<!tpu.dma_semaphore, #tpu.memory_space<semaphore_mem>>)
      %dma_wait3A = arith.constant 0 : i32
      %dma_wait3A_215 = tpu.memref_slice %arg3[%add3A_122, %dma_wait3A] : memref<5120x128xi32, #tpu.memory_space<hbm>> -> memref<40x128xi32, #tpu.memory_space<hbm>>
      %dma_wait3A_216 = arith.constant 0 : i32
      %dma_wait3A_217 = tpu.memref_slice %arg3[%add3A_122, %dma_wait3A_216] : memref<5120x128xi32, #tpu.memory_space<hbm>> -> memref<40x128xi32, #tpu.memory_space<hbm>>
      tpu.wait_dma2 semaphore(%run_scoped3A : memref<!tpu.dma_semaphore, #tpu.memory_space<semaphore_mem>>) src(%dma_wait3A_217 : memref<40x128xi32, #tpu.memory_space<hbm>>) dst(%arg7 : memref<40x128xi32, #tpu.memory_space<vmem>>)
      tpu.yield
    }) : () -> ()
    %mul3A_123 = arith.constant 2 : i32
    %mul3A_124 = arith.muli %mul3A_123, %arg1 : i32
    %mul3A_125 = arith.constant 40 : i32
    %mul3A_126 = arith.muli %mul3A_124, %mul3A_125 : i32
    %add3A_127 = arith.constant 0 : i32
    %add3A_128 = arith.addi %mul3A_126, %add3A_127 : i32
    "tpu.region"() ({
      %run_scoped3A = tpu.sem_alloc : memref<!tpu.dma_semaphore, #tpu.memory_space<semaphore_mem>>
      %dma_start3A_211 = arith.constant 0 : i32
      %dma_start3A_212 = tpu.memref_slice %arg4[%add3A_128, %dma_start3A_211] : memref<1280x128xi32, #tpu.memory_space<hbm>> -> memref<40x128xi32, #tpu.memory_space<hbm>>
      %dma_start3A_213 = arith.constant 0 : i32
      %dma_start3A_214 = tpu.memref_slice %arg4[%add3A_128, %dma_start3A_213] : memref<1280x128xi32, #tpu.memory_space<hbm>> -> memref<40x128xi32, #tpu.memory_space<hbm>>
      tpu.enqueue_dma source(%dma_start3A_214 : memref<40x128xi32, #tpu.memory_space<hbm>>) target(%arg8 : memref<40x128xi32, #tpu.memory_space<vmem>>) target_semaphore(%run_scoped3A : memref<!tpu.dma_semaphore, #tpu.memory_space<semaphore_mem>>)
      %dma_wait3A = arith.constant 0 : i32
      %dma_wait3A_215 = tpu.memref_slice %arg4[%add3A_128, %dma_wait3A] : memref<1280x128xi32, #tpu.memory_space<hbm>> -> memref<40x128xi32, #tpu.memory_space<hbm>>
      %dma_wait3A_216 = arith.constant 0 : i32
      %dma_wait3A_217 = tpu.memref_slice %arg4[%add3A_128, %dma_wait3A_216] : memref<1280x128xi32, #tpu.memory_space<hbm>> -> memref<40x128xi32, #tpu.memory_space<hbm>>
      tpu.wait_dma2 semaphore(%run_scoped3A : memref<!tpu.dma_semaphore, #tpu.memory_space<semaphore_mem>>) src(%dma_wait3A_217 : memref<40x128xi32, #tpu.memory_space<hbm>>) dst(%arg8 : memref<40x128xi32, #tpu.memory_space<vmem>>)
      tpu.yield
    }) : () -> ()
    %dma_start3A_129 = arith.constant 0 : i32
    %dma_start3A_130 = arith.constant 0 : i32
    %dma_start3A_131 = arith.constant 0 : i32
    %dma_start3A_132 = arith.constant 0 : i32
    %dma_start3A_133 = tpu.memref_slice %arg9[%dma_start3A_130, %dma_start3A_131, %dma_start3A_132] : memref<2x128x128xf32, #tpu.memory_space<vmem>> -> memref<1x128x128xf32, #tpu.memory_space<vmem>>
    %dma_start3A_134 = tpu.memref_squeeze %dma_start3A_133 : memref<1x128x128xf32, #tpu.memory_space<vmem>> -> memref<128x128xf32, #tpu.memory_space<vmem>>
    %dma_start3A_135 = arith.constant 0 : i32
    %dma_start3A_136 = tpu.memref_slice %arg7[%dma_start3A_129, %dma_start3A_135] : memref<40x128xi32, #tpu.memory_space<vmem>> -> memref<1x128xi32, #tpu.memory_space<vmem>>
    %dma_start3A_137 = tpu.memref_squeeze %dma_start3A_136 : memref<1x128xi32, #tpu.memory_space<vmem>> -> memref<128xi32, #tpu.memory_space<vmem>>
    %dma_start3A_138 = arith.constant 0 : i32
    %dma_start3A_139 = arith.constant 0 : i32
    %dma_start3A_140 = tpu.memref_slice %arg2[%dma_start3A_138, %dma_start3A_139] : memref<40960x128xf32, #tpu.memory_space<hbm>> -> memref<40960x128xf32, #tpu.memory_space<hbm>>
    tpu.enqueue_indirect_dma source(%dma_start3A_140 : memref<40960x128xf32, #tpu.memory_space<hbm>>) target(%dma_start3A_134 : memref<128x128xf32, #tpu.memory_space<vmem>>) offsets(%dma_start3A_137 : memref<128xi32, #tpu.memory_space<vmem>>) semaphore(%arg11 : memref<!tpu.dma_semaphore, #tpu.memory_space<semaphore_mem>>)
    %dma_start3A_141 = arith.constant 1 : i32
    %dma_start3A_142 = arith.constant 1 : i32
    %dma_start3A_143 = arith.constant 0 : i32
    %dma_start3A_144 = arith.constant 0 : i32
    %dma_start3A_145 = tpu.memref_slice %arg9[%dma_start3A_142, %dma_start3A_143, %dma_start3A_144] : memref<2x128x128xf32, #tpu.memory_space<vmem>> -> memref<1x128x128xf32, #tpu.memory_space<vmem>>
    %dma_start3A_146 = tpu.memref_squeeze %dma_start3A_145 : memref<1x128x128xf32, #tpu.memory_space<vmem>> -> memref<128x128xf32, #tpu.memory_space<vmem>>
    %dma_start3A_147 = arith.constant 0 : i32
    %dma_start3A_148 = tpu.memref_slice %arg7[%dma_start3A_141, %dma_start3A_147] : memref<40x128xi32, #tpu.memory_space<vmem>> -> memref<1x128xi32, #tpu.memory_space<vmem>>
    %dma_start3A_149 = tpu.memref_squeeze %dma_start3A_148 : memref<1x128xi32, #tpu.memory_space<vmem>> -> memref<128xi32, #tpu.memory_space<vmem>>
    %dma_start3A_150 = arith.constant 0 : i32
    %dma_start3A_151 = arith.constant 0 : i32
    %dma_start3A_152 = tpu.memref_slice %arg2[%dma_start3A_150, %dma_start3A_151] : memref<40960x128xf32, #tpu.memory_space<hbm>> -> memref<40960x128xf32, #tpu.memory_space<hbm>>
    tpu.enqueue_indirect_dma source(%dma_start3A_152 : memref<40960x128xf32, #tpu.memory_space<hbm>>) target(%dma_start3A_146 : memref<128x128xf32, #tpu.memory_space<vmem>>) offsets(%dma_start3A_149 : memref<128xi32, #tpu.memory_space<vmem>>) semaphore(%arg12 : memref<!tpu.dma_semaphore, #tpu.memory_space<semaphore_mem>>)
    %scan3A_153 = arith.constant 0 : i32
    %scan3A_154 = arith.constant 0 : i32
    %scan3A_155 = arith.constant 20 : i32
    %scan3A_156 = arith.addi %scan3A_154, %scan3A_155 : i32
    %scan3A_157 = arith.constant 1 : i32
    scf.for %scan3A_211 = %scan3A_154 to %scan3A_156 step %scan3A_157  : i32 {
      %mul3A_212 = arith.constant 2 : i32
      %mul3A_213 = arith.muli %scan3A_211, %mul3A_212 : i32
      %add3A_214 = arith.constant 0 : i32
      %add3A_215 = arith.addi %mul3A_213, %add3A_214 : i32
      %dma_wait3A = arith.constant 0 : i32
      %dma_wait3A_216 = arith.constant 0 : i32
      %dma_wait3A_217 = arith.constant 0 : i32
      %dma_wait3A_218 = tpu.memref_slice %arg9[%dma_wait3A, %dma_wait3A_216, %dma_wait3A_217] : memref<2x128x128xf32, #tpu.memory_space<vmem>> -> memref<1x128x128xf32, #tpu.memory_space<vmem>>
      %dma_wait3A_219 = tpu.memref_squeeze %dma_wait3A_218 : memref<1x128x128xf32, #tpu.memory_space<vmem>> -> memref<128x128xf32, #tpu.memory_space<vmem>>
      %dma_wait3A_220 = arith.constant 0 : i32
      %dma_wait3A_221 = tpu.memref_slice %arg7[%add3A_215, %dma_wait3A_220] : memref<40x128xi32, #tpu.memory_space<vmem>> -> memref<1x128xi32, #tpu.memory_space<vmem>>
      %dma_wait3A_222 = tpu.memref_squeeze %dma_wait3A_221 : memref<1x128xi32, #tpu.memory_space<vmem>> -> memref<128xi32, #tpu.memory_space<vmem>>
      %dma_wait3A_223 = arith.constant 0 : i32
      %dma_wait3A_224 = arith.constant 0 : i32
      %dma_wait3A_225 = tpu.memref_slice %arg2[%dma_wait3A_223, %dma_wait3A_224] : memref<40960x128xf32, #tpu.memory_space<hbm>> -> memref<40960x128xf32, #tpu.memory_space<hbm>>
      tpu.wait_indirect_dma semaphore(%arg11 : memref<!tpu.dma_semaphore, #tpu.memory_space<semaphore_mem>>) src(%dma_wait3A_225 : memref<40960x128xf32, #tpu.memory_space<hbm>>) dst(%dma_wait3A_219 : memref<128x128xf32, #tpu.memory_space<vmem>>)
      %dma_start3A_226 = arith.constant 0 : i32
      %dma_start3A_227 = arith.constant 0 : i32
      %dma_start3A_228 = arith.constant 0 : i32
      %dma_start3A_229 = tpu.memref_slice %arg9[%dma_start3A_226, %dma_start3A_227, %dma_start3A_228] : memref<2x128x128xf32, #tpu.memory_space<vmem>> -> memref<1x128x128xf32, #tpu.memory_space<vmem>>
      %dma_start3A_230 = tpu.memref_squeeze %dma_start3A_229 : memref<1x128x128xf32, #tpu.memory_space<vmem>> -> memref<128x128xf32, #tpu.memory_space<vmem>>
      %dma_start3A_231 = arith.constant 0 : i32
      %dma_start3A_232 = tpu.memref_slice %arg8[%add3A_215, %dma_start3A_231] : memref<40x128xi32, #tpu.memory_space<vmem>> -> memref<1x128xi32, #tpu.memory_space<vmem>>
      %dma_start3A_233 = tpu.memref_squeeze %dma_start3A_232 : memref<1x128xi32, #tpu.memory_space<vmem>> -> memref<128xi32, #tpu.memory_space<vmem>>
      %dma_start3A_234 = arith.constant 0 : i32
      %dma_start3A_235 = arith.constant 0 : i32
      %dma_start3A_236 = tpu.memref_slice %arg10[%dma_start3A_234, %dma_start3A_235] : memref<10240x128xf32, #tpu.memory_space<vmem_shared>> -> memref<10240x128xf32, #tpu.memory_space<vmem_shared>>
      tpu.enqueue_indirect_dma source(%dma_start3A_230 : memref<128x128xf32, #tpu.memory_space<vmem>>) target(%dma_start3A_236 : memref<10240x128xf32, #tpu.memory_space<vmem_shared>>) offsets(%dma_start3A_233 : memref<128xi32, #tpu.memory_space<vmem>>) semaphore(%arg13 : memref<!tpu.dma_semaphore, #tpu.memory_space<semaphore_mem>>) {add = true}
      %dma_wait3A_237 = arith.constant 0 : i32
      %dma_wait3A_238 = arith.constant 0 : i32
      %dma_wait3A_239 = arith.constant 0 : i32
      %dma_wait3A_240 = tpu.memref_slice %arg9[%dma_wait3A_237, %dma_wait3A_238, %dma_wait3A_239] : memref<2x128x128xf32, #tpu.memory_space<vmem>> -> memref<1x128x128xf32, #tpu.memory_space<vmem>>
      %dma_wait3A_241 = tpu.memref_squeeze %dma_wait3A_240 : memref<1x128x128xf32, #tpu.memory_space<vmem>> -> memref<128x128xf32, #tpu.memory_space<vmem>>
      %dma_wait3A_242 = arith.constant 0 : i32
      %dma_wait3A_243 = tpu.memref_slice %arg8[%add3A_215, %dma_wait3A_242] : memref<40x128xi32, #tpu.memory_space<vmem>> -> memref<1x128xi32, #tpu.memory_space<vmem>>
      %dma_wait3A_244 = tpu.memref_squeeze %dma_wait3A_243 : memref<1x128xi32, #tpu.memory_space<vmem>> -> memref<128xi32, #tpu.memory_space<vmem>>
      %dma_wait3A_245 = arith.constant 0 : i32
      %dma_wait3A_246 = arith.constant 0 : i32
      %dma_wait3A_247 = tpu.memref_slice %arg10[%dma_wait3A_245, %dma_wait3A_246] : memref<10240x128xf32, #tpu.memory_space<vmem_shared>> -> memref<10240x128xf32, #tpu.memory_space<vmem_shared>>
      tpu.wait_indirect_dma semaphore(%arg13 : memref<!tpu.dma_semaphore, #tpu.memory_space<semaphore_mem>>) src(%dma_wait3A_241 : memref<128x128xf32, #tpu.memory_space<vmem>>) dst(%dma_wait3A_247 : memref<10240x128xf32, #tpu.memory_space<vmem_shared>>)
      %add3A_248 = arith.constant 2 : i32
      %add3A_249 = arith.addi %add3A_215, %add3A_248 : i32
      %lt3A = arith.constant 40 : i32
      %lt3A_250 = arith.cmpi slt, %add3A_249, %lt3A : i32
      %convert_element_type3A = arith.extui %lt3A_250 : i1 to i32
      %cond3A = arith.constant 0 : i32
      %cond3A_251 = arith.cmpi ne, %convert_element_type3A, %cond3A : i32
      scf.if %cond3A_251 {
        %dma_start3A_296 = arith.constant 0 : i32
        %dma_start3A_297 = arith.constant 0 : i32
        %dma_start3A_298 = arith.constant 0 : i32
        %dma_start3A_299 = tpu.memref_slice %arg9[%dma_start3A_296, %dma_start3A_297, %dma_start3A_298] : memref<2x128x128xf32, #tpu.memory_space<vmem>> -> memref<1x128x128xf32, #tpu.memory_space<vmem>>
        %dma_start3A_300 = tpu.memref_squeeze %dma_start3A_299 : memref<1x128x128xf32, #tpu.memory_space<vmem>> -> memref<128x128xf32, #tpu.memory_space<vmem>>
        %dma_start3A_301 = arith.constant 0 : i32
        %dma_start3A_302 = tpu.memref_slice %arg7[%add3A_249, %dma_start3A_301] : memref<40x128xi32, #tpu.memory_space<vmem>> -> memref<1x128xi32, #tpu.memory_space<vmem>>
        %dma_start3A_303 = tpu.memref_squeeze %dma_start3A_302 : memref<1x128xi32, #tpu.memory_space<vmem>> -> memref<128xi32, #tpu.memory_space<vmem>>
        %dma_start3A_304 = arith.constant 0 : i32
        %dma_start3A_305 = arith.constant 0 : i32
        %dma_start3A_306 = tpu.memref_slice %arg2[%dma_start3A_304, %dma_start3A_305] : memref<40960x128xf32, #tpu.memory_space<hbm>> -> memref<40960x128xf32, #tpu.memory_space<hbm>>
        tpu.enqueue_indirect_dma source(%dma_start3A_306 : memref<40960x128xf32, #tpu.memory_space<hbm>>) target(%dma_start3A_300 : memref<128x128xf32, #tpu.memory_space<vmem>>) offsets(%dma_start3A_303 : memref<128xi32, #tpu.memory_space<vmem>>) semaphore(%arg11 : memref<!tpu.dma_semaphore, #tpu.memory_space<semaphore_mem>>)
      } else {
      }
      %mul3A_252 = arith.constant 2 : i32
      %mul3A_253 = arith.muli %scan3A_211, %mul3A_252 : i32
      %add3A_254 = arith.constant 1 : i32
      %add3A_255 = arith.addi %mul3A_253, %add3A_254 : i32
      %dma_wait3A_256 = arith.constant 1 : i32
      %dma_wait3A_257 = arith.constant 0 : i32
      %dma_wait3A_258 = arith.constant 0 : i32
      %dma_wait3A_259 = tpu.memref_slice %arg9[%dma_wait3A_256, %dma_wait3A_257, %dma_wait3A_258] : memref<2x128x128xf32, #tpu.memory_space<vmem>> -> memref<1x128x128xf32, #tpu.memory_space<vmem>>
      %dma_wait3A_260 = tpu.memref_squeeze %dma_wait3A_259 : memref<1x128x128xf32, #tpu.memory_space<vmem>> -> memref<128x128xf32, #tpu.memory_space<vmem>>
      %dma_wait3A_261 = arith.constant 0 : i32
      %dma_wait3A_262 = tpu.memref_slice %arg7[%add3A_255, %dma_wait3A_261] : memref<40x128xi32, #tpu.memory_space<vmem>> -> memref<1x128xi32, #tpu.memory_space<vmem>>
      %dma_wait3A_263 = tpu.memref_squeeze %dma_wait3A_262 : memref<1x128xi32, #tpu.memory_space<vmem>> -> memref<128xi32, #tpu.memory_space<vmem>>
      %dma_wait3A_264 = arith.constant 0 : i32
      %dma_wait3A_265 = arith.constant 0 : i32
      %dma_wait3A_266 = tpu.memref_slice %arg2[%dma_wait3A_264, %dma_wait3A_265] : memref<40960x128xf32, #tpu.memory_space<hbm>> -> memref<40960x128xf32, #tpu.memory_space<hbm>>
      tpu.wait_indirect_dma semaphore(%arg12 : memref<!tpu.dma_semaphore, #tpu.memory_space<semaphore_mem>>) src(%dma_wait3A_266 : memref<40960x128xf32, #tpu.memory_space<hbm>>) dst(%dma_wait3A_260 : memref<128x128xf32, #tpu.memory_space<vmem>>)
      %dma_start3A_267 = arith.constant 1 : i32
      %dma_start3A_268 = arith.constant 0 : i32
      %dma_start3A_269 = arith.constant 0 : i32
      %dma_start3A_270 = tpu.memref_slice %arg9[%dma_start3A_267, %dma_start3A_268, %dma_start3A_269] : memref<2x128x128xf32, #tpu.memory_space<vmem>> -> memref<1x128x128xf32, #tpu.memory_space<vmem>>
      %dma_start3A_271 = tpu.memref_squeeze %dma_start3A_270 : memref<1x128x128xf32, #tpu.memory_space<vmem>> -> memref<128x128xf32, #tpu.memory_space<vmem>>
      %dma_start3A_272 = arith.constant 0 : i32
      %dma_start3A_273 = tpu.memref_slice %arg8[%add3A_255, %dma_start3A_272] : memref<40x128xi32, #tpu.memory_space<vmem>> -> memref<1x128xi32, #tpu.memory_space<vmem>>
      %dma_start3A_274 = tpu.memref_squeeze %dma_start3A_273 : memref<1x128xi32, #tpu.memory_space<vmem>> -> memref<128xi32, #tpu.memory_space<vmem>>
      %dma_start3A_275 = arith.constant 0 : i32
      %dma_start3A_276 = arith.constant 0 : i32
      %dma_start3A_277 = tpu.memref_slice %arg10[%dma_start3A_275, %dma_start3A_276] : memref<10240x128xf32, #tpu.memory_space<vmem_shared>> -> memref<10240x128xf32, #tpu.memory_space<vmem_shared>>
      tpu.enqueue_indirect_dma source(%dma_start3A_271 : memref<128x128xf32, #tpu.memory_space<vmem>>) target(%dma_start3A_277 : memref<10240x128xf32, #tpu.memory_space<vmem_shared>>) offsets(%dma_start3A_274 : memref<128xi32, #tpu.memory_space<vmem>>) semaphore(%arg13 : memref<!tpu.dma_semaphore, #tpu.memory_space<semaphore_mem>>) {add = true}
      %dma_wait3A_278 = arith.constant 1 : i32
      %dma_wait3A_279 = arith.constant 0 : i32
      %dma_wait3A_280 = arith.constant 0 : i32
      %dma_wait3A_281 = tpu.memref_slice %arg9[%dma_wait3A_278, %dma_wait3A_279, %dma_wait3A_280] : memref<2x128x128xf32, #tpu.memory_space<vmem>> -> memref<1x128x128xf32, #tpu.memory_space<vmem>>
      %dma_wait3A_282 = tpu.memref_squeeze %dma_wait3A_281 : memref<1x128x128xf32, #tpu.memory_space<vmem>> -> memref<128x128xf32, #tpu.memory_space<vmem>>
      %dma_wait3A_283 = arith.constant 0 : i32
      %dma_wait3A_284 = tpu.memref_slice %arg8[%add3A_255, %dma_wait3A_283] : memref<40x128xi32, #tpu.memory_space<vmem>> -> memref<1x128xi32, #tpu.memory_space<vmem>>
      %dma_wait3A_285 = tpu.memref_squeeze %dma_wait3A_284 : memref<1x128xi32, #tpu.memory_space<vmem>> -> memref<128xi32, #tpu.memory_space<vmem>>
      %dma_wait3A_286 = arith.constant 0 : i32
      %dma_wait3A_287 = arith.constant 0 : i32
      %dma_wait3A_288 = tpu.memref_slice %arg10[%dma_wait3A_286, %dma_wait3A_287] : memref<10240x128xf32, #tpu.memory_space<vmem_shared>> -> memref<10240x128xf32, #tpu.memory_space<vmem_shared>>
      tpu.wait_indirect_dma semaphore(%arg13 : memref<!tpu.dma_semaphore, #tpu.memory_space<semaphore_mem>>) src(%dma_wait3A_282 : memref<128x128xf32, #tpu.memory_space<vmem>>) dst(%dma_wait3A_288 : memref<10240x128xf32, #tpu.memory_space<vmem_shared>>)
      %add3A_289 = arith.constant 2 : i32
      %add3A_290 = arith.addi %add3A_255, %add3A_289 : i32
      %lt3A_291 = arith.constant 40 : i32
      %lt3A_292 = arith.cmpi slt, %add3A_290, %lt3A_291 : i32
      %convert_element_type3A_293 = arith.extui %lt3A_292 : i1 to i32
      %cond3A_294 = arith.constant 0 : i32
      %cond3A_295 = arith.cmpi ne, %convert_element_type3A_293, %cond3A_294 : i32
      scf.if %cond3A_295 {
        %dma_start3A_296 = arith.constant 1 : i32
        %dma_start3A_297 = arith.constant 0 : i32
        %dma_start3A_298 = arith.constant 0 : i32
        %dma_start3A_299 = tpu.memref_slice %arg9[%dma_start3A_296, %dma_start3A_297, %dma_start3A_298] : memref<2x128x128xf32, #tpu.memory_space<vmem>> -> memref<1x128x128xf32, #tpu.memory_space<vmem>>
        %dma_start3A_300 = tpu.memref_squeeze %dma_start3A_299 : memref<1x128x128xf32, #tpu.memory_space<vmem>> -> memref<128x128xf32, #tpu.memory_space<vmem>>
        %dma_start3A_301 = arith.constant 0 : i32
        %dma_start3A_302 = tpu.memref_slice %arg7[%add3A_290, %dma_start3A_301] : memref<40x128xi32, #tpu.memory_space<vmem>> -> memref<1x128xi32, #tpu.memory_space<vmem>>
        %dma_start3A_303 = tpu.memref_squeeze %dma_start3A_302 : memref<1x128xi32, #tpu.memory_space<vmem>> -> memref<128xi32, #tpu.memory_space<vmem>>
        %dma_start3A_304 = arith.constant 0 : i32
        %dma_start3A_305 = arith.constant 0 : i32
        %dma_start3A_306 = tpu.memref_slice %arg2[%dma_start3A_304, %dma_start3A_305] : memref<40960x128xf32, #tpu.memory_space<hbm>> -> memref<40960x128xf32, #tpu.memory_space<hbm>>
        tpu.enqueue_indirect_dma source(%dma_start3A_306 : memref<40960x128xf32, #tpu.memory_space<hbm>>) target(%dma_start3A_300 : memref<128x128xf32, #tpu.memory_space<vmem>>) offsets(%dma_start3A_303 : memref<128xi32, #tpu.memory_space<vmem>>) semaphore(%arg12 : memref<!tpu.dma_semaphore, #tpu.memory_space<semaphore_mem>>)
      } else {
      }
    }
    %scan3A_158 = arith.constant 20 : i32
    %mul3A_159 = arith.constant 32 : i32
    %mul3A_160 = arith.muli %add3A_106, %mul3A_159 : i32
    %mul3A_161 = arith.constant 2 : i32
    %mul3A_162 = arith.muli %mul3A_161, %arg1 : i32
    %add3A_163 = arith.addi %mul3A_160, %mul3A_162 : i32
    %mul3A_164 = arith.constant 40 : i32
    %mul3A_165 = arith.muli %add3A_163, %mul3A_164 : i32
    %add3A_166 = arith.constant 40 : i32
    %add3A_167 = arith.addi %mul3A_165, %add3A_166 : i32
    "tpu.region"() ({
      %run_scoped3A = tpu.sem_alloc : memref<!tpu.dma_semaphore, #tpu.memory_space<semaphore_mem>>
      %dma_start3A_211 = arith.constant 0 : i32
      %dma_start3A_212 = tpu.memref_slice %arg3[%add3A_167, %dma_start3A_211] : memref<5120x128xi32, #tpu.memory_space<hbm>> -> memref<40x128xi32, #tpu.memory_space<hbm>>
      %dma_start3A_213 = arith.constant 0 : i32
      %dma_start3A_214 = tpu.memref_slice %arg3[%add3A_167, %dma_start3A_213] : memref<5120x128xi32, #tpu.memory_space<hbm>> -> memref<40x128xi32, #tpu.memory_space<hbm>>
      tpu.enqueue_dma source(%dma_start3A_214 : memref<40x128xi32, #tpu.memory_space<hbm>>) target(%arg7 : memref<40x128xi32, #tpu.memory_space<vmem>>) target_semaphore(%run_scoped3A : memref<!tpu.dma_semaphore, #tpu.memory_space<semaphore_mem>>)
      %dma_wait3A = arith.constant 0 : i32
      %dma_wait3A_215 = tpu.memref_slice %arg3[%add3A_167, %dma_wait3A] : memref<5120x128xi32, #tpu.memory_space<hbm>> -> memref<40x128xi32, #tpu.memory_space<hbm>>
      %dma_wait3A_216 = arith.constant 0 : i32
      %dma_wait3A_217 = tpu.memref_slice %arg3[%add3A_167, %dma_wait3A_216] : memref<5120x128xi32, #tpu.memory_space<hbm>> -> memref<40x128xi32, #tpu.memory_space<hbm>>
      tpu.wait_dma2 semaphore(%run_scoped3A : memref<!tpu.dma_semaphore, #tpu.memory_space<semaphore_mem>>) src(%dma_wait3A_217 : memref<40x128xi32, #tpu.memory_space<hbm>>) dst(%arg7 : memref<40x128xi32, #tpu.memory_space<vmem>>)
      tpu.yield
    }) : () -> ()
    %mul3A_168 = arith.constant 2 : i32
    %mul3A_169 = arith.muli %mul3A_168, %arg1 : i32
    %mul3A_170 = arith.constant 40 : i32
    %mul3A_171 = arith.muli %mul3A_169, %mul3A_170 : i32
    %add3A_172 = arith.constant 40 : i32
    %add3A_173 = arith.addi %mul3A_171, %add3A_172 : i32
    "tpu.region"() ({
      %run_scoped3A = tpu.sem_alloc : memref<!tpu.dma_semaphore, #tpu.memory_space<semaphore_mem>>
      %dma_start3A_211 = arith.constant 0 : i32
      %dma_start3A_212 = tpu.memref_slice %arg4[%add3A_173, %dma_start3A_211] : memref<1280x128xi32, #tpu.memory_space<hbm>> -> memref<40x128xi32, #tpu.memory_space<hbm>>
      %dma_start3A_213 = arith.constant 0 : i32
      %dma_start3A_214 = tpu.memref_slice %arg4[%add3A_173, %dma_start3A_213] : memref<1280x128xi32, #tpu.memory_space<hbm>> -> memref<40x128xi32, #tpu.memory_space<hbm>>
      tpu.enqueue_dma source(%dma_start3A_214 : memref<40x128xi32, #tpu.memory_space<hbm>>) target(%arg8 : memref<40x128xi32, #tpu.memory_space<vmem>>) target_semaphore(%run_scoped3A : memref<!tpu.dma_semaphore, #tpu.memory_space<semaphore_mem>>)
      %dma_wait3A = arith.constant 0 : i32
      %dma_wait3A_215 = tpu.memref_slice %arg4[%add3A_173, %dma_wait3A] : memref<1280x128xi32, #tpu.memory_space<hbm>> -> memref<40x128xi32, #tpu.memory_space<hbm>>
      %dma_wait3A_216 = arith.constant 0 : i32
      %dma_wait3A_217 = tpu.memref_slice %arg4[%add3A_173, %dma_wait3A_216] : memref<1280x128xi32, #tpu.memory_space<hbm>> -> memref<40x128xi32, #tpu.memory_space<hbm>>
      tpu.wait_dma2 semaphore(%run_scoped3A : memref<!tpu.dma_semaphore, #tpu.memory_space<semaphore_mem>>) src(%dma_wait3A_217 : memref<40x128xi32, #tpu.memory_space<hbm>>) dst(%arg8 : memref<40x128xi32, #tpu.memory_space<vmem>>)
      tpu.yield
    }) : () -> ()
    %dma_start3A_174 = arith.constant 0 : i32
    %dma_start3A_175 = arith.constant 0 : i32
    %dma_start3A_176 = arith.constant 0 : i32
    %dma_start3A_177 = arith.constant 0 : i32
    %dma_start3A_178 = tpu.memref_slice %arg9[%dma_start3A_175, %dma_start3A_176, %dma_start3A_177] : memref<2x128x128xf32, #tpu.memory_space<vmem>> -> memref<1x128x128xf32, #tpu.memory_space<vmem>>
    %dma_start3A_179 = tpu.memref_squeeze %dma_start3A_178 : memref<1x128x128xf32, #tpu.memory_space<vmem>> -> memref<128x128xf32, #tpu.memory_space<vmem>>
    %dma_start3A_180 = arith.constant 0 : i32
    %dma_start3A_181 = tpu.memref_slice %arg7[%dma_start3A_174, %dma_start3A_180] : memref<40x128xi32, #tpu.memory_space<vmem>> -> memref<1x128xi32, #tpu.memory_space<vmem>>
    %dma_start3A_182 = tpu.memref_squeeze %dma_start3A_181 : memref<1x128xi32, #tpu.memory_space<vmem>> -> memref<128xi32, #tpu.memory_space<vmem>>
    %dma_start3A_183 = arith.constant 0 : i32
    %dma_start3A_184 = arith.constant 0 : i32
    %dma_start3A_185 = tpu.memref_slice %arg2[%dma_start3A_183, %dma_start3A_184] : memref<40960x128xf32, #tpu.memory_space<hbm>> -> memref<40960x128xf32, #tpu.memory_space<hbm>>
    tpu.enqueue_indirect_dma source(%dma_start3A_185 : memref<40960x128xf32, #tpu.memory_space<hbm>>) target(%dma_start3A_179 : memref<128x128xf32, #tpu.memory_space<vmem>>) offsets(%dma_start3A_182 : memref<128xi32, #tpu.memory_space<vmem>>) semaphore(%arg11 : memref<!tpu.dma_semaphore, #tpu.memory_space<semaphore_mem>>)
    %dma_start3A_186 = arith.constant 1 : i32
    %dma_start3A_187 = arith.constant 1 : i32
    %dma_start3A_188 = arith.constant 0 : i32
    %dma_start3A_189 = arith.constant 0 : i32
    %dma_start3A_190 = tpu.memref_slice %arg9[%dma_start3A_187, %dma_start3A_188, %dma_start3A_189] : memref<2x128x128xf32, #tpu.memory_space<vmem>> -> memref<1x128x128xf32, #tpu.memory_space<vmem>>
    %dma_start3A_191 = tpu.memref_squeeze %dma_start3A_190 : memref<1x128x128xf32, #tpu.memory_space<vmem>> -> memref<128x128xf32, #tpu.memory_space<vmem>>
    %dma_start3A_192 = arith.constant 0 : i32
    %dma_start3A_193 = tpu.memref_slice %arg7[%dma_start3A_186, %dma_start3A_192] : memref<40x128xi32, #tpu.memory_space<vmem>> -> memref<1x128xi32, #tpu.memory_space<vmem>>
    %dma_start3A_194 = tpu.memref_squeeze %dma_start3A_193 : memref<1x128xi32, #tpu.memory_space<vmem>> -> memref<128xi32, #tpu.memory_space<vmem>>
    %dma_start3A_195 = arith.constant 0 : i32
    %dma_start3A_196 = arith.constant 0 : i32
    %dma_start3A_197 = tpu.memref_slice %arg2[%dma_start3A_195, %dma_start3A_196] : memref<40960x128xf32, #tpu.memory_space<hbm>> -> memref<40960x128xf32, #tpu.memory_space<hbm>>
    tpu.enqueue_indirect_dma source(%dma_start3A_197 : memref<40960x128xf32, #tpu.memory_space<hbm>>) target(%dma_start3A_191 : memref<128x128xf32, #tpu.memory_space<vmem>>) offsets(%dma_start3A_194 : memref<128xi32, #tpu.memory_space<vmem>>) semaphore(%arg12 : memref<!tpu.dma_semaphore, #tpu.memory_space<semaphore_mem>>)
    %scan3A_198 = arith.constant 0 : i32
    %scan3A_199 = arith.constant 0 : i32
    %scan3A_200 = arith.constant 20 : i32
    %scan3A_201 = arith.addi %scan3A_199, %scan3A_200 : i32
    %scan3A_202 = arith.constant 1 : i32
    scf.for %scan3A_211 = %scan3A_199 to %scan3A_201 step %scan3A_202  : i32 {
      %mul3A_212 = arith.constant 2 : i32
      %mul3A_213 = arith.muli %scan3A_211, %mul3A_212 : i32
      %add3A_214 = arith.constant 0 : i32
      %add3A_215 = arith.addi %mul3A_213, %add3A_214 : i32
      %dma_wait3A = arith.constant 0 : i32
      %dma_wait3A_216 = arith.constant 0 : i32
      %dma_wait3A_217 = arith.constant 0 : i32
      %dma_wait3A_218 = tpu.memref_slice %arg9[%dma_wait3A, %dma_wait3A_216, %dma_wait3A_217] : memref<2x128x128xf32, #tpu.memory_space<vmem>> -> memref<1x128x128xf32, #tpu.memory_space<vmem>>
      %dma_wait3A_219 = tpu.memref_squeeze %dma_wait3A_218 : memref<1x128x128xf32, #tpu.memory_space<vmem>> -> memref<128x128xf32, #tpu.memory_space<vmem>>
      %dma_wait3A_220 = arith.constant 0 : i32
      %dma_wait3A_221 = tpu.memref_slice %arg7[%add3A_215, %dma_wait3A_220] : memref<40x128xi32, #tpu.memory_space<vmem>> -> memref<1x128xi32, #tpu.memory_space<vmem>>
      %dma_wait3A_222 = tpu.memref_squeeze %dma_wait3A_221 : memref<1x128xi32, #tpu.memory_space<vmem>> -> memref<128xi32, #tpu.memory_space<vmem>>
      %dma_wait3A_223 = arith.constant 0 : i32
      %dma_wait3A_224 = arith.constant 0 : i32
      %dma_wait3A_225 = tpu.memref_slice %arg2[%dma_wait3A_223, %dma_wait3A_224] : memref<40960x128xf32, #tpu.memory_space<hbm>> -> memref<40960x128xf32, #tpu.memory_space<hbm>>
      tpu.wait_indirect_dma semaphore(%arg11 : memref<!tpu.dma_semaphore, #tpu.memory_space<semaphore_mem>>) src(%dma_wait3A_225 : memref<40960x128xf32, #tpu.memory_space<hbm>>) dst(%dma_wait3A_219 : memref<128x128xf32, #tpu.memory_space<vmem>>)
      %dma_start3A_226 = arith.constant 0 : i32
      %dma_start3A_227 = arith.constant 0 : i32
      %dma_start3A_228 = arith.constant 0 : i32
      %dma_start3A_229 = tpu.memref_slice %arg9[%dma_start3A_226, %dma_start3A_227, %dma_start3A_228] : memref<2x128x128xf32, #tpu.memory_space<vmem>> -> memref<1x128x128xf32, #tpu.memory_space<vmem>>
      %dma_start3A_230 = tpu.memref_squeeze %dma_start3A_229 : memref<1x128x128xf32, #tpu.memory_space<vmem>> -> memref<128x128xf32, #tpu.memory_space<vmem>>
      %dma_start3A_231 = arith.constant 0 : i32
      %dma_start3A_232 = tpu.memref_slice %arg8[%add3A_215, %dma_start3A_231] : memref<40x128xi32, #tpu.memory_space<vmem>> -> memref<1x128xi32, #tpu.memory_space<vmem>>
      %dma_start3A_233 = tpu.memref_squeeze %dma_start3A_232 : memref<1x128xi32, #tpu.memory_space<vmem>> -> memref<128xi32, #tpu.memory_space<vmem>>
      %dma_start3A_234 = arith.constant 0 : i32
      %dma_start3A_235 = arith.constant 0 : i32
      %dma_start3A_236 = tpu.memref_slice %arg10[%dma_start3A_234, %dma_start3A_235] : memref<10240x128xf32, #tpu.memory_space<vmem_shared>> -> memref<10240x128xf32, #tpu.memory_space<vmem_shared>>
      tpu.enqueue_indirect_dma source(%dma_start3A_230 : memref<128x128xf32, #tpu.memory_space<vmem>>) target(%dma_start3A_236 : memref<10240x128xf32, #tpu.memory_space<vmem_shared>>) offsets(%dma_start3A_233 : memref<128xi32, #tpu.memory_space<vmem>>) semaphore(%arg13 : memref<!tpu.dma_semaphore, #tpu.memory_space<semaphore_mem>>) {add = true}
      %dma_wait3A_237 = arith.constant 0 : i32
      %dma_wait3A_238 = arith.constant 0 : i32
      %dma_wait3A_239 = arith.constant 0 : i32
      %dma_wait3A_240 = tpu.memref_slice %arg9[%dma_wait3A_237, %dma_wait3A_238, %dma_wait3A_239] : memref<2x128x128xf32, #tpu.memory_space<vmem>> -> memref<1x128x128xf32, #tpu.memory_space<vmem>>
      %dma_wait3A_241 = tpu.memref_squeeze %dma_wait3A_240 : memref<1x128x128xf32, #tpu.memory_space<vmem>> -> memref<128x128xf32, #tpu.memory_space<vmem>>
      %dma_wait3A_242 = arith.constant 0 : i32
      %dma_wait3A_243 = tpu.memref_slice %arg8[%add3A_215, %dma_wait3A_242] : memref<40x128xi32, #tpu.memory_space<vmem>> -> memref<1x128xi32, #tpu.memory_space<vmem>>
      %dma_wait3A_244 = tpu.memref_squeeze %dma_wait3A_243 : memref<1x128xi32, #tpu.memory_space<vmem>> -> memref<128xi32, #tpu.memory_space<vmem>>
      %dma_wait3A_245 = arith.constant 0 : i32
      %dma_wait3A_246 = arith.constant 0 : i32
      %dma_wait3A_247 = tpu.memref_slice %arg10[%dma_wait3A_245, %dma_wait3A_246] : memref<10240x128xf32, #tpu.memory_space<vmem_shared>> -> memref<10240x128xf32, #tpu.memory_space<vmem_shared>>
      tpu.wait_indirect_dma semaphore(%arg13 : memref<!tpu.dma_semaphore, #tpu.memory_space<semaphore_mem>>) src(%dma_wait3A_241 : memref<128x128xf32, #tpu.memory_space<vmem>>) dst(%dma_wait3A_247 : memref<10240x128xf32, #tpu.memory_space<vmem_shared>>)
      %add3A_248 = arith.constant 2 : i32
      %add3A_249 = arith.addi %add3A_215, %add3A_248 : i32
      %lt3A = arith.constant 40 : i32
      %lt3A_250 = arith.cmpi slt, %add3A_249, %lt3A : i32
      %convert_element_type3A = arith.extui %lt3A_250 : i1 to i32
      %cond3A = arith.constant 0 : i32
      %cond3A_251 = arith.cmpi ne, %convert_element_type3A, %cond3A : i32
      scf.if %cond3A_251 {
        %dma_start3A_296 = arith.constant 0 : i32
        %dma_start3A_297 = arith.constant 0 : i32
        %dma_start3A_298 = arith.constant 0 : i32
        %dma_start3A_299 = tpu.memref_slice %arg9[%dma_start3A_296, %dma_start3A_297, %dma_start3A_298] : memref<2x128x128xf32, #tpu.memory_space<vmem>> -> memref<1x128x128xf32, #tpu.memory_space<vmem>>
        %dma_start3A_300 = tpu.memref_squeeze %dma_start3A_299 : memref<1x128x128xf32, #tpu.memory_space<vmem>> -> memref<128x128xf32, #tpu.memory_space<vmem>>
        %dma_start3A_301 = arith.constant 0 : i32
        %dma_start3A_302 = tpu.memref_slice %arg7[%add3A_249, %dma_start3A_301] : memref<40x128xi32, #tpu.memory_space<vmem>> -> memref<1x128xi32, #tpu.memory_space<vmem>>
        %dma_start3A_303 = tpu.memref_squeeze %dma_start3A_302 : memref<1x128xi32, #tpu.memory_space<vmem>> -> memref<128xi32, #tpu.memory_space<vmem>>
        %dma_start3A_304 = arith.constant 0 : i32
        %dma_start3A_305 = arith.constant 0 : i32
        %dma_start3A_306 = tpu.memref_slice %arg2[%dma_start3A_304, %dma_start3A_305] : memref<40960x128xf32, #tpu.memory_space<hbm>> -> memref<40960x128xf32, #tpu.memory_space<hbm>>
        tpu.enqueue_indirect_dma source(%dma_start3A_306 : memref<40960x128xf32, #tpu.memory_space<hbm>>) target(%dma_start3A_300 : memref<128x128xf32, #tpu.memory_space<vmem>>) offsets(%dma_start3A_303 : memref<128xi32, #tpu.memory_space<vmem>>) semaphore(%arg11 : memref<!tpu.dma_semaphore, #tpu.memory_space<semaphore_mem>>)
      } else {
      }
      %mul3A_252 = arith.constant 2 : i32
      %mul3A_253 = arith.muli %scan3A_211, %mul3A_252 : i32
      %add3A_254 = arith.constant 1 : i32
      %add3A_255 = arith.addi %mul3A_253, %add3A_254 : i32
      %dma_wait3A_256 = arith.constant 1 : i32
      %dma_wait3A_257 = arith.constant 0 : i32
      %dma_wait3A_258 = arith.constant 0 : i32
      %dma_wait3A_259 = tpu.memref_slice %arg9[%dma_wait3A_256, %dma_wait3A_257, %dma_wait3A_258] : memref<2x128x128xf32, #tpu.memory_space<vmem>> -> memref<1x128x128xf32, #tpu.memory_space<vmem>>
      %dma_wait3A_260 = tpu.memref_squeeze %dma_wait3A_259 : memref<1x128x128xf32, #tpu.memory_space<vmem>> -> memref<128x128xf32, #tpu.memory_space<vmem>>
      %dma_wait3A_261 = arith.constant 0 : i32
      %dma_wait3A_262 = tpu.memref_slice %arg7[%add3A_255, %dma_wait3A_261] : memref<40x128xi32, #tpu.memory_space<vmem>> -> memref<1x128xi32, #tpu.memory_space<vmem>>
      %dma_wait3A_263 = tpu.memref_squeeze %dma_wait3A_262 : memref<1x128xi32, #tpu.memory_space<vmem>> -> memref<128xi32, #tpu.memory_space<vmem>>
      %dma_wait3A_264 = arith.constant 0 : i32
      %dma_wait3A_265 = arith.constant 0 : i32
      %dma_wait3A_266 = tpu.memref_slice %arg2[%dma_wait3A_264, %dma_wait3A_265] : memref<40960x128xf32, #tpu.memory_space<hbm>> -> memref<40960x128xf32, #tpu.memory_space<hbm>>
      tpu.wait_indirect_dma semaphore(%arg12 : memref<!tpu.dma_semaphore, #tpu.memory_space<semaphore_mem>>) src(%dma_wait3A_266 : memref<40960x128xf32, #tpu.memory_space<hbm>>) dst(%dma_wait3A_260 : memref<128x128xf32, #tpu.memory_space<vmem>>)
      %dma_start3A_267 = arith.constant 1 : i32
      %dma_start3A_268 = arith.constant 0 : i32
      %dma_start3A_269 = arith.constant 0 : i32
      %dma_start3A_270 = tpu.memref_slice %arg9[%dma_start3A_267, %dma_start3A_268, %dma_start3A_269] : memref<2x128x128xf32, #tpu.memory_space<vmem>> -> memref<1x128x128xf32, #tpu.memory_space<vmem>>
      %dma_start3A_271 = tpu.memref_squeeze %dma_start3A_270 : memref<1x128x128xf32, #tpu.memory_space<vmem>> -> memref<128x128xf32, #tpu.memory_space<vmem>>
      %dma_start3A_272 = arith.constant 0 : i32
      %dma_start3A_273 = tpu.memref_slice %arg8[%add3A_255, %dma_start3A_272] : memref<40x128xi32, #tpu.memory_space<vmem>> -> memref<1x128xi32, #tpu.memory_space<vmem>>
      %dma_start3A_274 = tpu.memref_squeeze %dma_start3A_273 : memref<1x128xi32, #tpu.memory_space<vmem>> -> memref<128xi32, #tpu.memory_space<vmem>>
      %dma_start3A_275 = arith.constant 0 : i32
      %dma_start3A_276 = arith.constant 0 : i32
      %dma_start3A_277 = tpu.memref_slice %arg10[%dma_start3A_275, %dma_start3A_276] : memref<10240x128xf32, #tpu.memory_space<vmem_shared>> -> memref<10240x128xf32, #tpu.memory_space<vmem_shared>>
      tpu.enqueue_indirect_dma source(%dma_start3A_271 : memref<128x128xf32, #tpu.memory_space<vmem>>) target(%dma_start3A_277 : memref<10240x128xf32, #tpu.memory_space<vmem_shared>>) offsets(%dma_start3A_274 : memref<128xi32, #tpu.memory_space<vmem>>) semaphore(%arg13 : memref<!tpu.dma_semaphore, #tpu.memory_space<semaphore_mem>>) {add = true}
      %dma_wait3A_278 = arith.constant 1 : i32
      %dma_wait3A_279 = arith.constant 0 : i32
      %dma_wait3A_280 = arith.constant 0 : i32
      %dma_wait3A_281 = tpu.memref_slice %arg9[%dma_wait3A_278, %dma_wait3A_279, %dma_wait3A_280] : memref<2x128x128xf32, #tpu.memory_space<vmem>> -> memref<1x128x128xf32, #tpu.memory_space<vmem>>
      %dma_wait3A_282 = tpu.memref_squeeze %dma_wait3A_281 : memref<1x128x128xf32, #tpu.memory_space<vmem>> -> memref<128x128xf32, #tpu.memory_space<vmem>>
      %dma_wait3A_283 = arith.constant 0 : i32
      %dma_wait3A_284 = tpu.memref_slice %arg8[%add3A_255, %dma_wait3A_283] : memref<40x128xi32, #tpu.memory_space<vmem>> -> memref<1x128xi32, #tpu.memory_space<vmem>>
      %dma_wait3A_285 = tpu.memref_squeeze %dma_wait3A_284 : memref<1x128xi32, #tpu.memory_space<vmem>> -> memref<128xi32, #tpu.memory_space<vmem>>
      %dma_wait3A_286 = arith.constant 0 : i32
      %dma_wait3A_287 = arith.constant 0 : i32
      %dma_wait3A_288 = tpu.memref_slice %arg10[%dma_wait3A_286, %dma_wait3A_287] : memref<10240x128xf32, #tpu.memory_space<vmem_shared>> -> memref<10240x128xf32, #tpu.memory_space<vmem_shared>>
      tpu.wait_indirect_dma semaphore(%arg13 : memref<!tpu.dma_semaphore, #tpu.memory_space<semaphore_mem>>) src(%dma_wait3A_282 : memref<128x128xf32, #tpu.memory_space<vmem>>) dst(%dma_wait3A_288 : memref<10240x128xf32, #tpu.memory_space<vmem_shared>>)
      %add3A_289 = arith.constant 2 : i32
      %add3A_290 = arith.addi %add3A_255, %add3A_289 : i32
      %lt3A_291 = arith.constant 40 : i32
      %lt3A_292 = arith.cmpi slt, %add3A_290, %lt3A_291 : i32
      %convert_element_type3A_293 = arith.extui %lt3A_292 : i1 to i32
      %cond3A_294 = arith.constant 0 : i32
      %cond3A_295 = arith.cmpi ne, %convert_element_type3A_293, %cond3A_294 : i32
      scf.if %cond3A_295 {
        %dma_start3A_296 = arith.constant 1 : i32
        %dma_start3A_297 = arith.constant 0 : i32
        %dma_start3A_298 = arith.constant 0 : i32
        %dma_start3A_299 = tpu.memref_slice %arg9[%dma_start3A_296, %dma_start3A_297, %dma_start3A_298] : memref<2x128x128xf32, #tpu.memory_space<vmem>> -> memref<1x128x128xf32, #tpu.memory_space<vmem>>
        %dma_start3A_300 = tpu.memref_squeeze %dma_start3A_299 : memref<1x128x128xf32, #tpu.memory_space<vmem>> -> memref<128x128xf32, #tpu.memory_space<vmem>>
        %dma_start3A_301 = arith.constant 0 : i32
        %dma_start3A_302 = tpu.memref_slice %arg7[%add3A_290, %dma_start3A_301] : memref<40x128xi32, #tpu.memory_space<vmem>> -> memref<1x128xi32, #tpu.memory_space<vmem>>
        %dma_start3A_303 = tpu.memref_squeeze %dma_start3A_302 : memref<1x128xi32, #tpu.memory_space<vmem>> -> memref<128xi32, #tpu.memory_space<vmem>>
        %dma_start3A_304 = arith.constant 0 : i32
        %dma_start3A_305 = arith.constant 0 : i32
        %dma_start3A_306 = tpu.memref_slice %arg2[%dma_start3A_304, %dma_start3A_305] : memref<40960x128xf32, #tpu.memory_space<hbm>> -> memref<40960x128xf32, #tpu.memory_space<hbm>>
        tpu.enqueue_indirect_dma source(%dma_start3A_306 : memref<40960x128xf32, #tpu.memory_space<hbm>>) target(%dma_start3A_300 : memref<128x128xf32, #tpu.memory_space<vmem>>) offsets(%dma_start3A_303 : memref<128xi32, #tpu.memory_space<vmem>>) semaphore(%arg12 : memref<!tpu.dma_semaphore, #tpu.memory_space<semaphore_mem>>)
      } else {
      }
    }
    %scan3A_203 = arith.constant 20 : i32
    %barrier3A_204 = arith.constant 0 : index
    tpu.barrier barrier_id(%barrier3A_204)
    %mul3A_205 = arith.constant 640 : i32
    %mul3A_206 = arith.muli %arg1, %mul3A_205 : i32
    %mul3A_207 = arith.constant 640 : i32
    %mul3A_208 = arith.muli %arg1, %mul3A_207 : i32
    %add3A_209 = arith.addi %mul3A_108, %mul3A_208 : i32
    "tpu.region"() ({
      %run_scoped3A = tpu.sem_alloc : memref<!tpu.dma_semaphore, #tpu.memory_space<semaphore_mem>>
      %dma_start3A_211 = arith.constant 0 : i32
      %dma_start3A_212 = tpu.memref_slice %arg6[%add3A_209, %dma_start3A_211] : memref<40960x128xf32, #tpu.memory_space<hbm>> -> memref<640x128xf32, #tpu.memory_space<hbm>>
      %dma_start3A_213 = arith.constant 0 : i32
      %dma_start3A_214 = tpu.memref_slice %arg10[%mul3A_206, %dma_start3A_213] : memref<10240x128xf32, #tpu.memory_space<vmem_shared>> -> memref<640x128xf32, #tpu.memory_space<vmem_shared>>
      tpu.enqueue_dma source(%dma_start3A_214 : memref<640x128xf32, #tpu.memory_space<vmem_shared>>) target(%dma_start3A_212 : memref<640x128xf32, #tpu.memory_space<hbm>>) target_semaphore(%run_scoped3A : memref<!tpu.dma_semaphore, #tpu.memory_space<semaphore_mem>>)
      %dma_wait3A = arith.constant 0 : i32
      %dma_wait3A_215 = tpu.memref_slice %arg6[%add3A_209, %dma_wait3A] : memref<40960x128xf32, #tpu.memory_space<hbm>> -> memref<640x128xf32, #tpu.memory_space<hbm>>
      %dma_wait3A_216 = arith.constant 0 : i32
      %dma_wait3A_217 = tpu.memref_slice %arg10[%mul3A_206, %dma_wait3A_216] : memref<10240x128xf32, #tpu.memory_space<vmem_shared>> -> memref<640x128xf32, #tpu.memory_space<vmem_shared>>
      tpu.wait_dma2 semaphore(%run_scoped3A : memref<!tpu.dma_semaphore, #tpu.memory_space<semaphore_mem>>) src(%dma_wait3A_217 : memref<640x128xf32, #tpu.memory_space<vmem_shared>>) dst(%dma_wait3A_215 : memref<640x128xf32, #tpu.memory_space<hbm>>)
      tpu.yield
    }) : () -> ()
    %barrier3A_210 = arith.constant 0 : index
    tpu.barrier barrier_id(%barrier3A_210)
    return
  }
}

#map = affine_map<(d0, d1) -> (0, 0)>
module attributes {stable_mosaic.version = 14 : i64} {
  func.func @_layer_body(%arg0: i32, %arg1: i32, %arg2: memref<20480x128xf32, #tpu.memory_space<hbm>>, %arg3: memref<2560x128xi32, #tpu.memory_space<hbm>>, %arg4: memref<1280x128xi32, #tpu.memory_space<hbm>>, %arg5: memref<10240x128xf32, #tpu.memory_space<hbm>>, %arg6: memref<20480x128xf32, #tpu.memory_space<hbm>>, %arg7: memref<40x128xi32, #tpu.memory_space<vmem>>, %arg8: memref<40x128xi32, #tpu.memory_space<vmem>>, %arg9: memref<2x128x128xf32, #tpu.memory_space<vmem>>, %arg10: memref<10240x128xf32, #tpu.memory_space<vmem_shared>>, %arg11: memref<!tpu.dma_semaphore, #tpu.memory_space<semaphore_mem>>, %arg12: memref<!tpu.dma_semaphore, #tpu.memory_space<semaphore_mem>>, %arg13: memref<!tpu.dma_semaphore, #tpu.memory_space<semaphore_mem>>) attributes {dimension_semantics = [#tpu.dimension_semantics<core_parallel>, #tpu.dimension_semantics<subcore_parallel>], iteration_bounds = array<i64: 2, 16>, scalar_prefetch = 0 : i64, scratch_operands = 7 : i64, tpu.core_type = #tpu.core_type<sc_vector_subcore>, window_params = [{transform_indices = #map}, {transform_indices = #map}, {transform_indices = #map}, {transform_indices = #map}, {transform_indices = #map}]} {
    %mul3A = arith.constant 1 : i32
    %mul3A_0 = arith.muli %mul3A, %arg0 : i32
    %add3A = arith.constant 0 : i32
    %add3A_1 = arith.addi %mul3A_0, %add3A : i32
    %mul3A_2 = arith.constant 10240 : i32
    %mul3A_3 = arith.muli %add3A_1, %mul3A_2 : i32
    %mul3A_4 = arith.constant 640 : i32
    %mul3A_5 = arith.muli %arg1, %mul3A_4 : i32
    %mul3A_6 = arith.constant 640 : i32
    %mul3A_7 = arith.muli %arg1, %mul3A_6 : i32
    "tpu.region"() ({
      %run_scoped3A = tpu.sem_alloc : memref<!tpu.dma_semaphore, #tpu.memory_space<semaphore_mem>>
      %dma_start3A_103 = arith.constant 0 : i32
      %dma_start3A_104 = tpu.memref_slice %arg10[%mul3A_7, %dma_start3A_103] : memref<10240x128xf32, #tpu.memory_space<vmem_shared>> -> memref<640x128xf32, #tpu.memory_space<vmem_shared>>
      %dma_start3A_105 = arith.constant 0 : i32
      %dma_start3A_106 = tpu.memref_slice %arg5[%mul3A_5, %dma_start3A_105] : memref<10240x128xf32, #tpu.memory_space<hbm>> -> memref<640x128xf32, #tpu.memory_space<hbm>>
      tpu.enqueue_dma source(%dma_start3A_106 : memref<640x128xf32, #tpu.memory_space<hbm>>) target(%dma_start3A_104 : memref<640x128xf32, #tpu.memory_space<vmem_shared>>) target_semaphore(%run_scoped3A : memref<!tpu.dma_semaphore, #tpu.memory_space<semaphore_mem>>)
      %dma_wait3A = arith.constant 0 : i32
      %dma_wait3A_107 = tpu.memref_slice %arg10[%mul3A_7, %dma_wait3A] : memref<10240x128xf32, #tpu.memory_space<vmem_shared>> -> memref<640x128xf32, #tpu.memory_space<vmem_shared>>
      %dma_wait3A_108 = arith.constant 0 : i32
      %dma_wait3A_109 = tpu.memref_slice %arg5[%mul3A_5, %dma_wait3A_108] : memref<10240x128xf32, #tpu.memory_space<hbm>> -> memref<640x128xf32, #tpu.memory_space<hbm>>
      tpu.wait_dma2 semaphore(%run_scoped3A : memref<!tpu.dma_semaphore, #tpu.memory_space<semaphore_mem>>) src(%dma_wait3A_109 : memref<640x128xf32, #tpu.memory_space<hbm>>) dst(%dma_wait3A_107 : memref<640x128xf32, #tpu.memory_space<vmem_shared>>)
      tpu.yield
    }) : () -> ()
    %barrier3A = arith.constant 0 : index
    tpu.barrier barrier_id(%barrier3A)
    %mul3A_8 = arith.constant 32 : i32
    %mul3A_9 = arith.muli %add3A_1, %mul3A_8 : i32
    %mul3A_10 = arith.constant 2 : i32
    %mul3A_11 = arith.muli %mul3A_10, %arg1 : i32
    %add3A_12 = arith.addi %mul3A_9, %mul3A_11 : i32
    %mul3A_13 = arith.constant 40 : i32
    %mul3A_14 = arith.muli %add3A_12, %mul3A_13 : i32
    %add3A_15 = arith.constant 0 : i32
    %add3A_16 = arith.addi %mul3A_14, %add3A_15 : i32
    "tpu.region"() ({
      %run_scoped3A = tpu.sem_alloc : memref<!tpu.dma_semaphore, #tpu.memory_space<semaphore_mem>>
      %dma_start3A_103 = arith.constant 0 : i32
      %dma_start3A_104 = tpu.memref_slice %arg3[%add3A_16, %dma_start3A_103] : memref<2560x128xi32, #tpu.memory_space<hbm>> -> memref<40x128xi32, #tpu.memory_space<hbm>>
      %dma_start3A_105 = arith.constant 0 : i32
      %dma_start3A_106 = tpu.memref_slice %arg3[%add3A_16, %dma_start3A_105] : memref<2560x128xi32, #tpu.memory_space<hbm>> -> memref<40x128xi32, #tpu.memory_space<hbm>>
      tpu.enqueue_dma source(%dma_start3A_106 : memref<40x128xi32, #tpu.memory_space<hbm>>) target(%arg7 : memref<40x128xi32, #tpu.memory_space<vmem>>) target_semaphore(%run_scoped3A : memref<!tpu.dma_semaphore, #tpu.memory_space<semaphore_mem>>)
      %dma_wait3A = arith.constant 0 : i32
      %dma_wait3A_107 = tpu.memref_slice %arg3[%add3A_16, %dma_wait3A] : memref<2560x128xi32, #tpu.memory_space<hbm>> -> memref<40x128xi32, #tpu.memory_space<hbm>>
      %dma_wait3A_108 = arith.constant 0 : i32
      %dma_wait3A_109 = tpu.memref_slice %arg3[%add3A_16, %dma_wait3A_108] : memref<2560x128xi32, #tpu.memory_space<hbm>> -> memref<40x128xi32, #tpu.memory_space<hbm>>
      tpu.wait_dma2 semaphore(%run_scoped3A : memref<!tpu.dma_semaphore, #tpu.memory_space<semaphore_mem>>) src(%dma_wait3A_109 : memref<40x128xi32, #tpu.memory_space<hbm>>) dst(%arg7 : memref<40x128xi32, #tpu.memory_space<vmem>>)
      tpu.yield
    }) : () -> ()
    %mul3A_17 = arith.constant 2 : i32
    %mul3A_18 = arith.muli %mul3A_17, %arg1 : i32
    %mul3A_19 = arith.constant 40 : i32
    %mul3A_20 = arith.muli %mul3A_18, %mul3A_19 : i32
    %add3A_21 = arith.constant 0 : i32
    %add3A_22 = arith.addi %mul3A_20, %add3A_21 : i32
    "tpu.region"() ({
      %run_scoped3A = tpu.sem_alloc : memref<!tpu.dma_semaphore, #tpu.memory_space<semaphore_mem>>
      %dma_start3A_103 = arith.constant 0 : i32
      %dma_start3A_104 = tpu.memref_slice %arg4[%add3A_22, %dma_start3A_103] : memref<1280x128xi32, #tpu.memory_space<hbm>> -> memref<40x128xi32, #tpu.memory_space<hbm>>
      %dma_start3A_105 = arith.constant 0 : i32
      %dma_start3A_106 = tpu.memref_slice %arg4[%add3A_22, %dma_start3A_105] : memref<1280x128xi32, #tpu.memory_space<hbm>> -> memref<40x128xi32, #tpu.memory_space<hbm>>
      tpu.enqueue_dma source(%dma_start3A_106 : memref<40x128xi32, #tpu.memory_space<hbm>>) target(%arg8 : memref<40x128xi32, #tpu.memory_space<vmem>>) target_semaphore(%run_scoped3A : memref<!tpu.dma_semaphore, #tpu.memory_space<semaphore_mem>>)
      %dma_wait3A = arith.constant 0 : i32
      %dma_wait3A_107 = tpu.memref_slice %arg4[%add3A_22, %dma_wait3A] : memref<1280x128xi32, #tpu.memory_space<hbm>> -> memref<40x128xi32, #tpu.memory_space<hbm>>
      %dma_wait3A_108 = arith.constant 0 : i32
      %dma_wait3A_109 = tpu.memref_slice %arg4[%add3A_22, %dma_wait3A_108] : memref<1280x128xi32, #tpu.memory_space<hbm>> -> memref<40x128xi32, #tpu.memory_space<hbm>>
      tpu.wait_dma2 semaphore(%run_scoped3A : memref<!tpu.dma_semaphore, #tpu.memory_space<semaphore_mem>>) src(%dma_wait3A_109 : memref<40x128xi32, #tpu.memory_space<hbm>>) dst(%arg8 : memref<40x128xi32, #tpu.memory_space<vmem>>)
      tpu.yield
    }) : () -> ()
    %dma_start3A = arith.constant 0 : i32
    %dma_start3A_23 = arith.constant 0 : i32
    %dma_start3A_24 = arith.constant 0 : i32
    %dma_start3A_25 = arith.constant 0 : i32
    %dma_start3A_26 = tpu.memref_slice %arg9[%dma_start3A_23, %dma_start3A_24, %dma_start3A_25] : memref<2x128x128xf32, #tpu.memory_space<vmem>> -> memref<1x128x128xf32, #tpu.memory_space<vmem>>
    %dma_start3A_27 = tpu.memref_squeeze %dma_start3A_26 : memref<1x128x128xf32, #tpu.memory_space<vmem>> -> memref<128x128xf32, #tpu.memory_space<vmem>>
    %dma_start3A_28 = arith.constant 0 : i32
    %dma_start3A_29 = tpu.memref_slice %arg7[%dma_start3A, %dma_start3A_28] : memref<40x128xi32, #tpu.memory_space<vmem>> -> memref<1x128xi32, #tpu.memory_space<vmem>>
    %dma_start3A_30 = tpu.memref_squeeze %dma_start3A_29 : memref<1x128xi32, #tpu.memory_space<vmem>> -> memref<128xi32, #tpu.memory_space<vmem>>
    %dma_start3A_31 = arith.constant 0 : i32
    %dma_start3A_32 = arith.constant 0 : i32
    %dma_start3A_33 = tpu.memref_slice %arg2[%dma_start3A_31, %dma_start3A_32] : memref<20480x128xf32, #tpu.memory_space<hbm>> -> memref<20480x128xf32, #tpu.memory_space<hbm>>
    tpu.enqueue_indirect_dma source(%dma_start3A_33 : memref<20480x128xf32, #tpu.memory_space<hbm>>) target(%dma_start3A_27 : memref<128x128xf32, #tpu.memory_space<vmem>>) offsets(%dma_start3A_30 : memref<128xi32, #tpu.memory_space<vmem>>) semaphore(%arg11 : memref<!tpu.dma_semaphore, #tpu.memory_space<semaphore_mem>>)
    %dma_start3A_34 = arith.constant 1 : i32
    %dma_start3A_35 = arith.constant 1 : i32
    %dma_start3A_36 = arith.constant 0 : i32
    %dma_start3A_37 = arith.constant 0 : i32
    %dma_start3A_38 = tpu.memref_slice %arg9[%dma_start3A_35, %dma_start3A_36, %dma_start3A_37] : memref<2x128x128xf32, #tpu.memory_space<vmem>> -> memref<1x128x128xf32, #tpu.memory_space<vmem>>
    %dma_start3A_39 = tpu.memref_squeeze %dma_start3A_38 : memref<1x128x128xf32, #tpu.memory_space<vmem>> -> memref<128x128xf32, #tpu.memory_space<vmem>>
    %dma_start3A_40 = arith.constant 0 : i32
    %dma_start3A_41 = tpu.memref_slice %arg7[%dma_start3A_34, %dma_start3A_40] : memref<40x128xi32, #tpu.memory_space<vmem>> -> memref<1x128xi32, #tpu.memory_space<vmem>>
    %dma_start3A_42 = tpu.memref_squeeze %dma_start3A_41 : memref<1x128xi32, #tpu.memory_space<vmem>> -> memref<128xi32, #tpu.memory_space<vmem>>
    %dma_start3A_43 = arith.constant 0 : i32
    %dma_start3A_44 = arith.constant 0 : i32
    %dma_start3A_45 = tpu.memref_slice %arg2[%dma_start3A_43, %dma_start3A_44] : memref<20480x128xf32, #tpu.memory_space<hbm>> -> memref<20480x128xf32, #tpu.memory_space<hbm>>
    tpu.enqueue_indirect_dma source(%dma_start3A_45 : memref<20480x128xf32, #tpu.memory_space<hbm>>) target(%dma_start3A_39 : memref<128x128xf32, #tpu.memory_space<vmem>>) offsets(%dma_start3A_42 : memref<128xi32, #tpu.memory_space<vmem>>) semaphore(%arg12 : memref<!tpu.dma_semaphore, #tpu.memory_space<semaphore_mem>>)
    %scan3A = arith.constant 0 : i32
    %scan3A_46 = arith.constant 0 : i32
    %scan3A_47 = arith.constant 20 : i32
    %scan3A_48 = arith.addi %scan3A_46, %scan3A_47 : i32
    %scan3A_49 = arith.constant 1 : i32
    scf.for %scan3A_103 = %scan3A_46 to %scan3A_48 step %scan3A_49  : i32 {
      %mul3A_104 = arith.constant 2 : i32
      %mul3A_105 = arith.muli %scan3A_103, %mul3A_104 : i32
      %add3A_106 = arith.constant 0 : i32
      %add3A_107 = arith.addi %mul3A_105, %add3A_106 : i32
      %dma_wait3A = arith.constant 0 : i32
      %dma_wait3A_108 = arith.constant 0 : i32
      %dma_wait3A_109 = arith.constant 0 : i32
      %dma_wait3A_110 = tpu.memref_slice %arg9[%dma_wait3A, %dma_wait3A_108, %dma_wait3A_109] : memref<2x128x128xf32, #tpu.memory_space<vmem>> -> memref<1x128x128xf32, #tpu.memory_space<vmem>>
      %dma_wait3A_111 = tpu.memref_squeeze %dma_wait3A_110 : memref<1x128x128xf32, #tpu.memory_space<vmem>> -> memref<128x128xf32, #tpu.memory_space<vmem>>
      %dma_wait3A_112 = arith.constant 0 : i32
      %dma_wait3A_113 = tpu.memref_slice %arg7[%add3A_107, %dma_wait3A_112] : memref<40x128xi32, #tpu.memory_space<vmem>> -> memref<1x128xi32, #tpu.memory_space<vmem>>
      %dma_wait3A_114 = tpu.memref_squeeze %dma_wait3A_113 : memref<1x128xi32, #tpu.memory_space<vmem>> -> memref<128xi32, #tpu.memory_space<vmem>>
      %dma_wait3A_115 = arith.constant 0 : i32
      %dma_wait3A_116 = arith.constant 0 : i32
      %dma_wait3A_117 = tpu.memref_slice %arg2[%dma_wait3A_115, %dma_wait3A_116] : memref<20480x128xf32, #tpu.memory_space<hbm>> -> memref<20480x128xf32, #tpu.memory_space<hbm>>
      tpu.wait_indirect_dma semaphore(%arg11 : memref<!tpu.dma_semaphore, #tpu.memory_space<semaphore_mem>>) src(%dma_wait3A_117 : memref<20480x128xf32, #tpu.memory_space<hbm>>) dst(%dma_wait3A_111 : memref<128x128xf32, #tpu.memory_space<vmem>>)
      %dma_start3A_118 = arith.constant 0 : i32
      %dma_start3A_119 = arith.constant 0 : i32
      %dma_start3A_120 = arith.constant 0 : i32
      %dma_start3A_121 = tpu.memref_slice %arg9[%dma_start3A_118, %dma_start3A_119, %dma_start3A_120] : memref<2x128x128xf32, #tpu.memory_space<vmem>> -> memref<1x128x128xf32, #tpu.memory_space<vmem>>
      %dma_start3A_122 = tpu.memref_squeeze %dma_start3A_121 : memref<1x128x128xf32, #tpu.memory_space<vmem>> -> memref<128x128xf32, #tpu.memory_space<vmem>>
      %dma_start3A_123 = arith.constant 0 : i32
      %dma_start3A_124 = tpu.memref_slice %arg8[%add3A_107, %dma_start3A_123] : memref<40x128xi32, #tpu.memory_space<vmem>> -> memref<1x128xi32, #tpu.memory_space<vmem>>
      %dma_start3A_125 = tpu.memref_squeeze %dma_start3A_124 : memref<1x128xi32, #tpu.memory_space<vmem>> -> memref<128xi32, #tpu.memory_space<vmem>>
      %dma_start3A_126 = arith.constant 0 : i32
      %dma_start3A_127 = arith.constant 0 : i32
      %dma_start3A_128 = tpu.memref_slice %arg10[%dma_start3A_126, %dma_start3A_127] : memref<10240x128xf32, #tpu.memory_space<vmem_shared>> -> memref<10240x128xf32, #tpu.memory_space<vmem_shared>>
      tpu.enqueue_indirect_dma source(%dma_start3A_122 : memref<128x128xf32, #tpu.memory_space<vmem>>) target(%dma_start3A_128 : memref<10240x128xf32, #tpu.memory_space<vmem_shared>>) offsets(%dma_start3A_125 : memref<128xi32, #tpu.memory_space<vmem>>) semaphore(%arg13 : memref<!tpu.dma_semaphore, #tpu.memory_space<semaphore_mem>>) {add = true}
      %dma_wait3A_129 = arith.constant 0 : i32
      %dma_wait3A_130 = arith.constant 0 : i32
      %dma_wait3A_131 = arith.constant 0 : i32
      %dma_wait3A_132 = tpu.memref_slice %arg9[%dma_wait3A_129, %dma_wait3A_130, %dma_wait3A_131] : memref<2x128x128xf32, #tpu.memory_space<vmem>> -> memref<1x128x128xf32, #tpu.memory_space<vmem>>
      %dma_wait3A_133 = tpu.memref_squeeze %dma_wait3A_132 : memref<1x128x128xf32, #tpu.memory_space<vmem>> -> memref<128x128xf32, #tpu.memory_space<vmem>>
      %dma_wait3A_134 = arith.constant 0 : i32
      %dma_wait3A_135 = tpu.memref_slice %arg8[%add3A_107, %dma_wait3A_134] : memref<40x128xi32, #tpu.memory_space<vmem>> -> memref<1x128xi32, #tpu.memory_space<vmem>>
      %dma_wait3A_136 = tpu.memref_squeeze %dma_wait3A_135 : memref<1x128xi32, #tpu.memory_space<vmem>> -> memref<128xi32, #tpu.memory_space<vmem>>
      %dma_wait3A_137 = arith.constant 0 : i32
      %dma_wait3A_138 = arith.constant 0 : i32
      %dma_wait3A_139 = tpu.memref_slice %arg10[%dma_wait3A_137, %dma_wait3A_138] : memref<10240x128xf32, #tpu.memory_space<vmem_shared>> -> memref<10240x128xf32, #tpu.memory_space<vmem_shared>>
      tpu.wait_indirect_dma semaphore(%arg13 : memref<!tpu.dma_semaphore, #tpu.memory_space<semaphore_mem>>) src(%dma_wait3A_133 : memref<128x128xf32, #tpu.memory_space<vmem>>) dst(%dma_wait3A_139 : memref<10240x128xf32, #tpu.memory_space<vmem_shared>>)
      %add3A_140 = arith.constant 2 : i32
      %add3A_141 = arith.addi %add3A_107, %add3A_140 : i32
      %lt3A = arith.constant 40 : i32
      %lt3A_142 = arith.cmpi slt, %add3A_141, %lt3A : i32
      %convert_element_type3A = arith.extui %lt3A_142 : i1 to i32
      %cond3A = arith.constant 0 : i32
      %cond3A_143 = arith.cmpi ne, %convert_element_type3A, %cond3A : i32
      scf.if %cond3A_143 {
        %dma_start3A_188 = arith.constant 0 : i32
        %dma_start3A_189 = arith.constant 0 : i32
        %dma_start3A_190 = arith.constant 0 : i32
        %dma_start3A_191 = tpu.memref_slice %arg9[%dma_start3A_188, %dma_start3A_189, %dma_start3A_190] : memref<2x128x128xf32, #tpu.memory_space<vmem>> -> memref<1x128x128xf32, #tpu.memory_space<vmem>>
        %dma_start3A_192 = tpu.memref_squeeze %dma_start3A_191 : memref<1x128x128xf32, #tpu.memory_space<vmem>> -> memref<128x128xf32, #tpu.memory_space<vmem>>
        %dma_start3A_193 = arith.constant 0 : i32
        %dma_start3A_194 = tpu.memref_slice %arg7[%add3A_141, %dma_start3A_193] : memref<40x128xi32, #tpu.memory_space<vmem>> -> memref<1x128xi32, #tpu.memory_space<vmem>>
        %dma_start3A_195 = tpu.memref_squeeze %dma_start3A_194 : memref<1x128xi32, #tpu.memory_space<vmem>> -> memref<128xi32, #tpu.memory_space<vmem>>
        %dma_start3A_196 = arith.constant 0 : i32
        %dma_start3A_197 = arith.constant 0 : i32
        %dma_start3A_198 = tpu.memref_slice %arg2[%dma_start3A_196, %dma_start3A_197] : memref<20480x128xf32, #tpu.memory_space<hbm>> -> memref<20480x128xf32, #tpu.memory_space<hbm>>
        tpu.enqueue_indirect_dma source(%dma_start3A_198 : memref<20480x128xf32, #tpu.memory_space<hbm>>) target(%dma_start3A_192 : memref<128x128xf32, #tpu.memory_space<vmem>>) offsets(%dma_start3A_195 : memref<128xi32, #tpu.memory_space<vmem>>) semaphore(%arg11 : memref<!tpu.dma_semaphore, #tpu.memory_space<semaphore_mem>>)
      } else {
      }
      %mul3A_144 = arith.constant 2 : i32
      %mul3A_145 = arith.muli %scan3A_103, %mul3A_144 : i32
      %add3A_146 = arith.constant 1 : i32
      %add3A_147 = arith.addi %mul3A_145, %add3A_146 : i32
      %dma_wait3A_148 = arith.constant 1 : i32
      %dma_wait3A_149 = arith.constant 0 : i32
      %dma_wait3A_150 = arith.constant 0 : i32
      %dma_wait3A_151 = tpu.memref_slice %arg9[%dma_wait3A_148, %dma_wait3A_149, %dma_wait3A_150] : memref<2x128x128xf32, #tpu.memory_space<vmem>> -> memref<1x128x128xf32, #tpu.memory_space<vmem>>
      %dma_wait3A_152 = tpu.memref_squeeze %dma_wait3A_151 : memref<1x128x128xf32, #tpu.memory_space<vmem>> -> memref<128x128xf32, #tpu.memory_space<vmem>>
      %dma_wait3A_153 = arith.constant 0 : i32
      %dma_wait3A_154 = tpu.memref_slice %arg7[%add3A_147, %dma_wait3A_153] : memref<40x128xi32, #tpu.memory_space<vmem>> -> memref<1x128xi32, #tpu.memory_space<vmem>>
      %dma_wait3A_155 = tpu.memref_squeeze %dma_wait3A_154 : memref<1x128xi32, #tpu.memory_space<vmem>> -> memref<128xi32, #tpu.memory_space<vmem>>
      %dma_wait3A_156 = arith.constant 0 : i32
      %dma_wait3A_157 = arith.constant 0 : i32
      %dma_wait3A_158 = tpu.memref_slice %arg2[%dma_wait3A_156, %dma_wait3A_157] : memref<20480x128xf32, #tpu.memory_space<hbm>> -> memref<20480x128xf32, #tpu.memory_space<hbm>>
      tpu.wait_indirect_dma semaphore(%arg12 : memref<!tpu.dma_semaphore, #tpu.memory_space<semaphore_mem>>) src(%dma_wait3A_158 : memref<20480x128xf32, #tpu.memory_space<hbm>>) dst(%dma_wait3A_152 : memref<128x128xf32, #tpu.memory_space<vmem>>)
      %dma_start3A_159 = arith.constant 1 : i32
      %dma_start3A_160 = arith.constant 0 : i32
      %dma_start3A_161 = arith.constant 0 : i32
      %dma_start3A_162 = tpu.memref_slice %arg9[%dma_start3A_159, %dma_start3A_160, %dma_start3A_161] : memref<2x128x128xf32, #tpu.memory_space<vmem>> -> memref<1x128x128xf32, #tpu.memory_space<vmem>>
      %dma_start3A_163 = tpu.memref_squeeze %dma_start3A_162 : memref<1x128x128xf32, #tpu.memory_space<vmem>> -> memref<128x128xf32, #tpu.memory_space<vmem>>
      %dma_start3A_164 = arith.constant 0 : i32
      %dma_start3A_165 = tpu.memref_slice %arg8[%add3A_147, %dma_start3A_164] : memref<40x128xi32, #tpu.memory_space<vmem>> -> memref<1x128xi32, #tpu.memory_space<vmem>>
      %dma_start3A_166 = tpu.memref_squeeze %dma_start3A_165 : memref<1x128xi32, #tpu.memory_space<vmem>> -> memref<128xi32, #tpu.memory_space<vmem>>
      %dma_start3A_167 = arith.constant 0 : i32
      %dma_start3A_168 = arith.constant 0 : i32
      %dma_start3A_169 = tpu.memref_slice %arg10[%dma_start3A_167, %dma_start3A_168] : memref<10240x128xf32, #tpu.memory_space<vmem_shared>> -> memref<10240x128xf32, #tpu.memory_space<vmem_shared>>
      tpu.enqueue_indirect_dma source(%dma_start3A_163 : memref<128x128xf32, #tpu.memory_space<vmem>>) target(%dma_start3A_169 : memref<10240x128xf32, #tpu.memory_space<vmem_shared>>) offsets(%dma_start3A_166 : memref<128xi32, #tpu.memory_space<vmem>>) semaphore(%arg13 : memref<!tpu.dma_semaphore, #tpu.memory_space<semaphore_mem>>) {add = true}
      %dma_wait3A_170 = arith.constant 1 : i32
      %dma_wait3A_171 = arith.constant 0 : i32
      %dma_wait3A_172 = arith.constant 0 : i32
      %dma_wait3A_173 = tpu.memref_slice %arg9[%dma_wait3A_170, %dma_wait3A_171, %dma_wait3A_172] : memref<2x128x128xf32, #tpu.memory_space<vmem>> -> memref<1x128x128xf32, #tpu.memory_space<vmem>>
      %dma_wait3A_174 = tpu.memref_squeeze %dma_wait3A_173 : memref<1x128x128xf32, #tpu.memory_space<vmem>> -> memref<128x128xf32, #tpu.memory_space<vmem>>
      %dma_wait3A_175 = arith.constant 0 : i32
      %dma_wait3A_176 = tpu.memref_slice %arg8[%add3A_147, %dma_wait3A_175] : memref<40x128xi32, #tpu.memory_space<vmem>> -> memref<1x128xi32, #tpu.memory_space<vmem>>
      %dma_wait3A_177 = tpu.memref_squeeze %dma_wait3A_176 : memref<1x128xi32, #tpu.memory_space<vmem>> -> memref<128xi32, #tpu.memory_space<vmem>>
      %dma_wait3A_178 = arith.constant 0 : i32
      %dma_wait3A_179 = arith.constant 0 : i32
      %dma_wait3A_180 = tpu.memref_slice %arg10[%dma_wait3A_178, %dma_wait3A_179] : memref<10240x128xf32, #tpu.memory_space<vmem_shared>> -> memref<10240x128xf32, #tpu.memory_space<vmem_shared>>
      tpu.wait_indirect_dma semaphore(%arg13 : memref<!tpu.dma_semaphore, #tpu.memory_space<semaphore_mem>>) src(%dma_wait3A_174 : memref<128x128xf32, #tpu.memory_space<vmem>>) dst(%dma_wait3A_180 : memref<10240x128xf32, #tpu.memory_space<vmem_shared>>)
      %add3A_181 = arith.constant 2 : i32
      %add3A_182 = arith.addi %add3A_147, %add3A_181 : i32
      %lt3A_183 = arith.constant 40 : i32
      %lt3A_184 = arith.cmpi slt, %add3A_182, %lt3A_183 : i32
      %convert_element_type3A_185 = arith.extui %lt3A_184 : i1 to i32
      %cond3A_186 = arith.constant 0 : i32
      %cond3A_187 = arith.cmpi ne, %convert_element_type3A_185, %cond3A_186 : i32
      scf.if %cond3A_187 {
        %dma_start3A_188 = arith.constant 1 : i32
        %dma_start3A_189 = arith.constant 0 : i32
        %dma_start3A_190 = arith.constant 0 : i32
        %dma_start3A_191 = tpu.memref_slice %arg9[%dma_start3A_188, %dma_start3A_189, %dma_start3A_190] : memref<2x128x128xf32, #tpu.memory_space<vmem>> -> memref<1x128x128xf32, #tpu.memory_space<vmem>>
        %dma_start3A_192 = tpu.memref_squeeze %dma_start3A_191 : memref<1x128x128xf32, #tpu.memory_space<vmem>> -> memref<128x128xf32, #tpu.memory_space<vmem>>
        %dma_start3A_193 = arith.constant 0 : i32
        %dma_start3A_194 = tpu.memref_slice %arg7[%add3A_182, %dma_start3A_193] : memref<40x128xi32, #tpu.memory_space<vmem>> -> memref<1x128xi32, #tpu.memory_space<vmem>>
        %dma_start3A_195 = tpu.memref_squeeze %dma_start3A_194 : memref<1x128xi32, #tpu.memory_space<vmem>> -> memref<128xi32, #tpu.memory_space<vmem>>
        %dma_start3A_196 = arith.constant 0 : i32
        %dma_start3A_197 = arith.constant 0 : i32
        %dma_start3A_198 = tpu.memref_slice %arg2[%dma_start3A_196, %dma_start3A_197] : memref<20480x128xf32, #tpu.memory_space<hbm>> -> memref<20480x128xf32, #tpu.memory_space<hbm>>
        tpu.enqueue_indirect_dma source(%dma_start3A_198 : memref<20480x128xf32, #tpu.memory_space<hbm>>) target(%dma_start3A_192 : memref<128x128xf32, #tpu.memory_space<vmem>>) offsets(%dma_start3A_195 : memref<128xi32, #tpu.memory_space<vmem>>) semaphore(%arg12 : memref<!tpu.dma_semaphore, #tpu.memory_space<semaphore_mem>>)
      } else {
      }
    }
    %scan3A_50 = arith.constant 20 : i32
    %mul3A_51 = arith.constant 32 : i32
    %mul3A_52 = arith.muli %add3A_1, %mul3A_51 : i32
    %mul3A_53 = arith.constant 2 : i32
    %mul3A_54 = arith.muli %mul3A_53, %arg1 : i32
    %add3A_55 = arith.addi %mul3A_52, %mul3A_54 : i32
    %mul3A_56 = arith.constant 40 : i32
    %mul3A_57 = arith.muli %add3A_55, %mul3A_56 : i32
    %add3A_58 = arith.constant 40 : i32
    %add3A_59 = arith.addi %mul3A_57, %add3A_58 : i32
    "tpu.region"() ({
      %run_scoped3A = tpu.sem_alloc : memref<!tpu.dma_semaphore, #tpu.memory_space<semaphore_mem>>
      %dma_start3A_103 = arith.constant 0 : i32
      %dma_start3A_104 = tpu.memref_slice %arg3[%add3A_59, %dma_start3A_103] : memref<2560x128xi32, #tpu.memory_space<hbm>> -> memref<40x128xi32, #tpu.memory_space<hbm>>
      %dma_start3A_105 = arith.constant 0 : i32
      %dma_start3A_106 = tpu.memref_slice %arg3[%add3A_59, %dma_start3A_105] : memref<2560x128xi32, #tpu.memory_space<hbm>> -> memref<40x128xi32, #tpu.memory_space<hbm>>
      tpu.enqueue_dma source(%dma_start3A_106 : memref<40x128xi32, #tpu.memory_space<hbm>>) target(%arg7 : memref<40x128xi32, #tpu.memory_space<vmem>>) target_semaphore(%run_scoped3A : memref<!tpu.dma_semaphore, #tpu.memory_space<semaphore_mem>>)
      %dma_wait3A = arith.constant 0 : i32
      %dma_wait3A_107 = tpu.memref_slice %arg3[%add3A_59, %dma_wait3A] : memref<2560x128xi32, #tpu.memory_space<hbm>> -> memref<40x128xi32, #tpu.memory_space<hbm>>
      %dma_wait3A_108 = arith.constant 0 : i32
      %dma_wait3A_109 = tpu.memref_slice %arg3[%add3A_59, %dma_wait3A_108] : memref<2560x128xi32, #tpu.memory_space<hbm>> -> memref<40x128xi32, #tpu.memory_space<hbm>>
      tpu.wait_dma2 semaphore(%run_scoped3A : memref<!tpu.dma_semaphore, #tpu.memory_space<semaphore_mem>>) src(%dma_wait3A_109 : memref<40x128xi32, #tpu.memory_space<hbm>>) dst(%arg7 : memref<40x128xi32, #tpu.memory_space<vmem>>)
      tpu.yield
    }) : () -> ()
    %mul3A_60 = arith.constant 2 : i32
    %mul3A_61 = arith.muli %mul3A_60, %arg1 : i32
    %mul3A_62 = arith.constant 40 : i32
    %mul3A_63 = arith.muli %mul3A_61, %mul3A_62 : i32
    %add3A_64 = arith.constant 40 : i32
    %add3A_65 = arith.addi %mul3A_63, %add3A_64 : i32
    "tpu.region"() ({
      %run_scoped3A = tpu.sem_alloc : memref<!tpu.dma_semaphore, #tpu.memory_space<semaphore_mem>>
      %dma_start3A_103 = arith.constant 0 : i32
      %dma_start3A_104 = tpu.memref_slice %arg4[%add3A_65, %dma_start3A_103] : memref<1280x128xi32, #tpu.memory_space<hbm>> -> memref<40x128xi32, #tpu.memory_space<hbm>>
      %dma_start3A_105 = arith.constant 0 : i32
      %dma_start3A_106 = tpu.memref_slice %arg4[%add3A_65, %dma_start3A_105] : memref<1280x128xi32, #tpu.memory_space<hbm>> -> memref<40x128xi32, #tpu.memory_space<hbm>>
      tpu.enqueue_dma source(%dma_start3A_106 : memref<40x128xi32, #tpu.memory_space<hbm>>) target(%arg8 : memref<40x128xi32, #tpu.memory_space<vmem>>) target_semaphore(%run_scoped3A : memref<!tpu.dma_semaphore, #tpu.memory_space<semaphore_mem>>)
      %dma_wait3A = arith.constant 0 : i32
      %dma_wait3A_107 = tpu.memref_slice %arg4[%add3A_65, %dma_wait3A] : memref<1280x128xi32, #tpu.memory_space<hbm>> -> memref<40x128xi32, #tpu.memory_space<hbm>>
      %dma_wait3A_108 = arith.constant 0 : i32
      %dma_wait3A_109 = tpu.memref_slice %arg4[%add3A_65, %dma_wait3A_108] : memref<1280x128xi32, #tpu.memory_space<hbm>> -> memref<40x128xi32, #tpu.memory_space<hbm>>
      tpu.wait_dma2 semaphore(%run_scoped3A : memref<!tpu.dma_semaphore, #tpu.memory_space<semaphore_mem>>) src(%dma_wait3A_109 : memref<40x128xi32, #tpu.memory_space<hbm>>) dst(%arg8 : memref<40x128xi32, #tpu.memory_space<vmem>>)
      tpu.yield
    }) : () -> ()
    %dma_start3A_66 = arith.constant 0 : i32
    %dma_start3A_67 = arith.constant 0 : i32
    %dma_start3A_68 = arith.constant 0 : i32
    %dma_start3A_69 = arith.constant 0 : i32
    %dma_start3A_70 = tpu.memref_slice %arg9[%dma_start3A_67, %dma_start3A_68, %dma_start3A_69] : memref<2x128x128xf32, #tpu.memory_space<vmem>> -> memref<1x128x128xf32, #tpu.memory_space<vmem>>
    %dma_start3A_71 = tpu.memref_squeeze %dma_start3A_70 : memref<1x128x128xf32, #tpu.memory_space<vmem>> -> memref<128x128xf32, #tpu.memory_space<vmem>>
    %dma_start3A_72 = arith.constant 0 : i32
    %dma_start3A_73 = tpu.memref_slice %arg7[%dma_start3A_66, %dma_start3A_72] : memref<40x128xi32, #tpu.memory_space<vmem>> -> memref<1x128xi32, #tpu.memory_space<vmem>>
    %dma_start3A_74 = tpu.memref_squeeze %dma_start3A_73 : memref<1x128xi32, #tpu.memory_space<vmem>> -> memref<128xi32, #tpu.memory_space<vmem>>
    %dma_start3A_75 = arith.constant 0 : i32
    %dma_start3A_76 = arith.constant 0 : i32
    %dma_start3A_77 = tpu.memref_slice %arg2[%dma_start3A_75, %dma_start3A_76] : memref<20480x128xf32, #tpu.memory_space<hbm>> -> memref<20480x128xf32, #tpu.memory_space<hbm>>
    tpu.enqueue_indirect_dma source(%dma_start3A_77 : memref<20480x128xf32, #tpu.memory_space<hbm>>) target(%dma_start3A_71 : memref<128x128xf32, #tpu.memory_space<vmem>>) offsets(%dma_start3A_74 : memref<128xi32, #tpu.memory_space<vmem>>) semaphore(%arg11 : memref<!tpu.dma_semaphore, #tpu.memory_space<semaphore_mem>>)
    %dma_start3A_78 = arith.constant 1 : i32
    %dma_start3A_79 = arith.constant 1 : i32
    %dma_start3A_80 = arith.constant 0 : i32
    %dma_start3A_81 = arith.constant 0 : i32
    %dma_start3A_82 = tpu.memref_slice %arg9[%dma_start3A_79, %dma_start3A_80, %dma_start3A_81] : memref<2x128x128xf32, #tpu.memory_space<vmem>> -> memref<1x128x128xf32, #tpu.memory_space<vmem>>
    %dma_start3A_83 = tpu.memref_squeeze %dma_start3A_82 : memref<1x128x128xf32, #tpu.memory_space<vmem>> -> memref<128x128xf32, #tpu.memory_space<vmem>>
    %dma_start3A_84 = arith.constant 0 : i32
    %dma_start3A_85 = tpu.memref_slice %arg7[%dma_start3A_78, %dma_start3A_84] : memref<40x128xi32, #tpu.memory_space<vmem>> -> memref<1x128xi32, #tpu.memory_space<vmem>>
    %dma_start3A_86 = tpu.memref_squeeze %dma_start3A_85 : memref<1x128xi32, #tpu.memory_space<vmem>> -> memref<128xi32, #tpu.memory_space<vmem>>
    %dma_start3A_87 = arith.constant 0 : i32
    %dma_start3A_88 = arith.constant 0 : i32
    %dma_start3A_89 = tpu.memref_slice %arg2[%dma_start3A_87, %dma_start3A_88] : memref<20480x128xf32, #tpu.memory_space<hbm>> -> memref<20480x128xf32, #tpu.memory_space<hbm>>
    tpu.enqueue_indirect_dma source(%dma_start3A_89 : memref<20480x128xf32, #tpu.memory_space<hbm>>) target(%dma_start3A_83 : memref<128x128xf32, #tpu.memory_space<vmem>>) offsets(%dma_start3A_86 : memref<128xi32, #tpu.memory_space<vmem>>) semaphore(%arg12 : memref<!tpu.dma_semaphore, #tpu.memory_space<semaphore_mem>>)
    %scan3A_90 = arith.constant 0 : i32
    %scan3A_91 = arith.constant 0 : i32
    %scan3A_92 = arith.constant 20 : i32
    %scan3A_93 = arith.addi %scan3A_91, %scan3A_92 : i32
    %scan3A_94 = arith.constant 1 : i32
    scf.for %scan3A_103 = %scan3A_91 to %scan3A_93 step %scan3A_94  : i32 {
      %mul3A_104 = arith.constant 2 : i32
      %mul3A_105 = arith.muli %scan3A_103, %mul3A_104 : i32
      %add3A_106 = arith.constant 0 : i32
      %add3A_107 = arith.addi %mul3A_105, %add3A_106 : i32
      %dma_wait3A = arith.constant 0 : i32
      %dma_wait3A_108 = arith.constant 0 : i32
      %dma_wait3A_109 = arith.constant 0 : i32
      %dma_wait3A_110 = tpu.memref_slice %arg9[%dma_wait3A, %dma_wait3A_108, %dma_wait3A_109] : memref<2x128x128xf32, #tpu.memory_space<vmem>> -> memref<1x128x128xf32, #tpu.memory_space<vmem>>
      %dma_wait3A_111 = tpu.memref_squeeze %dma_wait3A_110 : memref<1x128x128xf32, #tpu.memory_space<vmem>> -> memref<128x128xf32, #tpu.memory_space<vmem>>
      %dma_wait3A_112 = arith.constant 0 : i32
      %dma_wait3A_113 = tpu.memref_slice %arg7[%add3A_107, %dma_wait3A_112] : memref<40x128xi32, #tpu.memory_space<vmem>> -> memref<1x128xi32, #tpu.memory_space<vmem>>
      %dma_wait3A_114 = tpu.memref_squeeze %dma_wait3A_113 : memref<1x128xi32, #tpu.memory_space<vmem>> -> memref<128xi32, #tpu.memory_space<vmem>>
      %dma_wait3A_115 = arith.constant 0 : i32
      %dma_wait3A_116 = arith.constant 0 : i32
      %dma_wait3A_117 = tpu.memref_slice %arg2[%dma_wait3A_115, %dma_wait3A_116] : memref<20480x128xf32, #tpu.memory_space<hbm>> -> memref<20480x128xf32, #tpu.memory_space<hbm>>
      tpu.wait_indirect_dma semaphore(%arg11 : memref<!tpu.dma_semaphore, #tpu.memory_space<semaphore_mem>>) src(%dma_wait3A_117 : memref<20480x128xf32, #tpu.memory_space<hbm>>) dst(%dma_wait3A_111 : memref<128x128xf32, #tpu.memory_space<vmem>>)
      %dma_start3A_118 = arith.constant 0 : i32
      %dma_start3A_119 = arith.constant 0 : i32
      %dma_start3A_120 = arith.constant 0 : i32
      %dma_start3A_121 = tpu.memref_slice %arg9[%dma_start3A_118, %dma_start3A_119, %dma_start3A_120] : memref<2x128x128xf32, #tpu.memory_space<vmem>> -> memref<1x128x128xf32, #tpu.memory_space<vmem>>
      %dma_start3A_122 = tpu.memref_squeeze %dma_start3A_121 : memref<1x128x128xf32, #tpu.memory_space<vmem>> -> memref<128x128xf32, #tpu.memory_space<vmem>>
      %dma_start3A_123 = arith.constant 0 : i32
      %dma_start3A_124 = tpu.memref_slice %arg8[%add3A_107, %dma_start3A_123] : memref<40x128xi32, #tpu.memory_space<vmem>> -> memref<1x128xi32, #tpu.memory_space<vmem>>
      %dma_start3A_125 = tpu.memref_squeeze %dma_start3A_124 : memref<1x128xi32, #tpu.memory_space<vmem>> -> memref<128xi32, #tpu.memory_space<vmem>>
      %dma_start3A_126 = arith.constant 0 : i32
      %dma_start3A_127 = arith.constant 0 : i32
      %dma_start3A_128 = tpu.memref_slice %arg10[%dma_start3A_126, %dma_start3A_127] : memref<10240x128xf32, #tpu.memory_space<vmem_shared>> -> memref<10240x128xf32, #tpu.memory_space<vmem_shared>>
      tpu.enqueue_indirect_dma source(%dma_start3A_122 : memref<128x128xf32, #tpu.memory_space<vmem>>) target(%dma_start3A_128 : memref<10240x128xf32, #tpu.memory_space<vmem_shared>>) offsets(%dma_start3A_125 : memref<128xi32, #tpu.memory_space<vmem>>) semaphore(%arg13 : memref<!tpu.dma_semaphore, #tpu.memory_space<semaphore_mem>>) {add = true}
      %dma_wait3A_129 = arith.constant 0 : i32
      %dma_wait3A_130 = arith.constant 0 : i32
      %dma_wait3A_131 = arith.constant 0 : i32
      %dma_wait3A_132 = tpu.memref_slice %arg9[%dma_wait3A_129, %dma_wait3A_130, %dma_wait3A_131] : memref<2x128x128xf32, #tpu.memory_space<vmem>> -> memref<1x128x128xf32, #tpu.memory_space<vmem>>
      %dma_wait3A_133 = tpu.memref_squeeze %dma_wait3A_132 : memref<1x128x128xf32, #tpu.memory_space<vmem>> -> memref<128x128xf32, #tpu.memory_space<vmem>>
      %dma_wait3A_134 = arith.constant 0 : i32
      %dma_wait3A_135 = tpu.memref_slice %arg8[%add3A_107, %dma_wait3A_134] : memref<40x128xi32, #tpu.memory_space<vmem>> -> memref<1x128xi32, #tpu.memory_space<vmem>>
      %dma_wait3A_136 = tpu.memref_squeeze %dma_wait3A_135 : memref<1x128xi32, #tpu.memory_space<vmem>> -> memref<128xi32, #tpu.memory_space<vmem>>
      %dma_wait3A_137 = arith.constant 0 : i32
      %dma_wait3A_138 = arith.constant 0 : i32
      %dma_wait3A_139 = tpu.memref_slice %arg10[%dma_wait3A_137, %dma_wait3A_138] : memref<10240x128xf32, #tpu.memory_space<vmem_shared>> -> memref<10240x128xf32, #tpu.memory_space<vmem_shared>>
      tpu.wait_indirect_dma semaphore(%arg13 : memref<!tpu.dma_semaphore, #tpu.memory_space<semaphore_mem>>) src(%dma_wait3A_133 : memref<128x128xf32, #tpu.memory_space<vmem>>) dst(%dma_wait3A_139 : memref<10240x128xf32, #tpu.memory_space<vmem_shared>>)
      %add3A_140 = arith.constant 2 : i32
      %add3A_141 = arith.addi %add3A_107, %add3A_140 : i32
      %lt3A = arith.constant 40 : i32
      %lt3A_142 = arith.cmpi slt, %add3A_141, %lt3A : i32
      %convert_element_type3A = arith.extui %lt3A_142 : i1 to i32
      %cond3A = arith.constant 0 : i32
      %cond3A_143 = arith.cmpi ne, %convert_element_type3A, %cond3A : i32
      scf.if %cond3A_143 {
        %dma_start3A_188 = arith.constant 0 : i32
        %dma_start3A_189 = arith.constant 0 : i32
        %dma_start3A_190 = arith.constant 0 : i32
        %dma_start3A_191 = tpu.memref_slice %arg9[%dma_start3A_188, %dma_start3A_189, %dma_start3A_190] : memref<2x128x128xf32, #tpu.memory_space<vmem>> -> memref<1x128x128xf32, #tpu.memory_space<vmem>>
        %dma_start3A_192 = tpu.memref_squeeze %dma_start3A_191 : memref<1x128x128xf32, #tpu.memory_space<vmem>> -> memref<128x128xf32, #tpu.memory_space<vmem>>
        %dma_start3A_193 = arith.constant 0 : i32
        %dma_start3A_194 = tpu.memref_slice %arg7[%add3A_141, %dma_start3A_193] : memref<40x128xi32, #tpu.memory_space<vmem>> -> memref<1x128xi32, #tpu.memory_space<vmem>>
        %dma_start3A_195 = tpu.memref_squeeze %dma_start3A_194 : memref<1x128xi32, #tpu.memory_space<vmem>> -> memref<128xi32, #tpu.memory_space<vmem>>
        %dma_start3A_196 = arith.constant 0 : i32
        %dma_start3A_197 = arith.constant 0 : i32
        %dma_start3A_198 = tpu.memref_slice %arg2[%dma_start3A_196, %dma_start3A_197] : memref<20480x128xf32, #tpu.memory_space<hbm>> -> memref<20480x128xf32, #tpu.memory_space<hbm>>
        tpu.enqueue_indirect_dma source(%dma_start3A_198 : memref<20480x128xf32, #tpu.memory_space<hbm>>) target(%dma_start3A_192 : memref<128x128xf32, #tpu.memory_space<vmem>>) offsets(%dma_start3A_195 : memref<128xi32, #tpu.memory_space<vmem>>) semaphore(%arg11 : memref<!tpu.dma_semaphore, #tpu.memory_space<semaphore_mem>>)
      } else {
      }
      %mul3A_144 = arith.constant 2 : i32
      %mul3A_145 = arith.muli %scan3A_103, %mul3A_144 : i32
      %add3A_146 = arith.constant 1 : i32
      %add3A_147 = arith.addi %mul3A_145, %add3A_146 : i32
      %dma_wait3A_148 = arith.constant 1 : i32
      %dma_wait3A_149 = arith.constant 0 : i32
      %dma_wait3A_150 = arith.constant 0 : i32
      %dma_wait3A_151 = tpu.memref_slice %arg9[%dma_wait3A_148, %dma_wait3A_149, %dma_wait3A_150] : memref<2x128x128xf32, #tpu.memory_space<vmem>> -> memref<1x128x128xf32, #tpu.memory_space<vmem>>
      %dma_wait3A_152 = tpu.memref_squeeze %dma_wait3A_151 : memref<1x128x128xf32, #tpu.memory_space<vmem>> -> memref<128x128xf32, #tpu.memory_space<vmem>>
      %dma_wait3A_153 = arith.constant 0 : i32
      %dma_wait3A_154 = tpu.memref_slice %arg7[%add3A_147, %dma_wait3A_153] : memref<40x128xi32, #tpu.memory_space<vmem>> -> memref<1x128xi32, #tpu.memory_space<vmem>>
      %dma_wait3A_155 = tpu.memref_squeeze %dma_wait3A_154 : memref<1x128xi32, #tpu.memory_space<vmem>> -> memref<128xi32, #tpu.memory_space<vmem>>
      %dma_wait3A_156 = arith.constant 0 : i32
      %dma_wait3A_157 = arith.constant 0 : i32
      %dma_wait3A_158 = tpu.memref_slice %arg2[%dma_wait3A_156, %dma_wait3A_157] : memref<20480x128xf32, #tpu.memory_space<hbm>> -> memref<20480x128xf32, #tpu.memory_space<hbm>>
      tpu.wait_indirect_dma semaphore(%arg12 : memref<!tpu.dma_semaphore, #tpu.memory_space<semaphore_mem>>) src(%dma_wait3A_158 : memref<20480x128xf32, #tpu.memory_space<hbm>>) dst(%dma_wait3A_152 : memref<128x128xf32, #tpu.memory_space<vmem>>)
      %dma_start3A_159 = arith.constant 1 : i32
      %dma_start3A_160 = arith.constant 0 : i32
      %dma_start3A_161 = arith.constant 0 : i32
      %dma_start3A_162 = tpu.memref_slice %arg9[%dma_start3A_159, %dma_start3A_160, %dma_start3A_161] : memref<2x128x128xf32, #tpu.memory_space<vmem>> -> memref<1x128x128xf32, #tpu.memory_space<vmem>>
      %dma_start3A_163 = tpu.memref_squeeze %dma_start3A_162 : memref<1x128x128xf32, #tpu.memory_space<vmem>> -> memref<128x128xf32, #tpu.memory_space<vmem>>
      %dma_start3A_164 = arith.constant 0 : i32
      %dma_start3A_165 = tpu.memref_slice %arg8[%add3A_147, %dma_start3A_164] : memref<40x128xi32, #tpu.memory_space<vmem>> -> memref<1x128xi32, #tpu.memory_space<vmem>>
      %dma_start3A_166 = tpu.memref_squeeze %dma_start3A_165 : memref<1x128xi32, #tpu.memory_space<vmem>> -> memref<128xi32, #tpu.memory_space<vmem>>
      %dma_start3A_167 = arith.constant 0 : i32
      %dma_start3A_168 = arith.constant 0 : i32
      %dma_start3A_169 = tpu.memref_slice %arg10[%dma_start3A_167, %dma_start3A_168] : memref<10240x128xf32, #tpu.memory_space<vmem_shared>> -> memref<10240x128xf32, #tpu.memory_space<vmem_shared>>
      tpu.enqueue_indirect_dma source(%dma_start3A_163 : memref<128x128xf32, #tpu.memory_space<vmem>>) target(%dma_start3A_169 : memref<10240x128xf32, #tpu.memory_space<vmem_shared>>) offsets(%dma_start3A_166 : memref<128xi32, #tpu.memory_space<vmem>>) semaphore(%arg13 : memref<!tpu.dma_semaphore, #tpu.memory_space<semaphore_mem>>) {add = true}
      %dma_wait3A_170 = arith.constant 1 : i32
      %dma_wait3A_171 = arith.constant 0 : i32
      %dma_wait3A_172 = arith.constant 0 : i32
      %dma_wait3A_173 = tpu.memref_slice %arg9[%dma_wait3A_170, %dma_wait3A_171, %dma_wait3A_172] : memref<2x128x128xf32, #tpu.memory_space<vmem>> -> memref<1x128x128xf32, #tpu.memory_space<vmem>>
      %dma_wait3A_174 = tpu.memref_squeeze %dma_wait3A_173 : memref<1x128x128xf32, #tpu.memory_space<vmem>> -> memref<128x128xf32, #tpu.memory_space<vmem>>
      %dma_wait3A_175 = arith.constant 0 : i32
      %dma_wait3A_176 = tpu.memref_slice %arg8[%add3A_147, %dma_wait3A_175] : memref<40x128xi32, #tpu.memory_space<vmem>> -> memref<1x128xi32, #tpu.memory_space<vmem>>
      %dma_wait3A_177 = tpu.memref_squeeze %dma_wait3A_176 : memref<1x128xi32, #tpu.memory_space<vmem>> -> memref<128xi32, #tpu.memory_space<vmem>>
      %dma_wait3A_178 = arith.constant 0 : i32
      %dma_wait3A_179 = arith.constant 0 : i32
      %dma_wait3A_180 = tpu.memref_slice %arg10[%dma_wait3A_178, %dma_wait3A_179] : memref<10240x128xf32, #tpu.memory_space<vmem_shared>> -> memref<10240x128xf32, #tpu.memory_space<vmem_shared>>
      tpu.wait_indirect_dma semaphore(%arg13 : memref<!tpu.dma_semaphore, #tpu.memory_space<semaphore_mem>>) src(%dma_wait3A_174 : memref<128x128xf32, #tpu.memory_space<vmem>>) dst(%dma_wait3A_180 : memref<10240x128xf32, #tpu.memory_space<vmem_shared>>)
      %add3A_181 = arith.constant 2 : i32
      %add3A_182 = arith.addi %add3A_147, %add3A_181 : i32
      %lt3A_183 = arith.constant 40 : i32
      %lt3A_184 = arith.cmpi slt, %add3A_182, %lt3A_183 : i32
      %convert_element_type3A_185 = arith.extui %lt3A_184 : i1 to i32
      %cond3A_186 = arith.constant 0 : i32
      %cond3A_187 = arith.cmpi ne, %convert_element_type3A_185, %cond3A_186 : i32
      scf.if %cond3A_187 {
        %dma_start3A_188 = arith.constant 1 : i32
        %dma_start3A_189 = arith.constant 0 : i32
        %dma_start3A_190 = arith.constant 0 : i32
        %dma_start3A_191 = tpu.memref_slice %arg9[%dma_start3A_188, %dma_start3A_189, %dma_start3A_190] : memref<2x128x128xf32, #tpu.memory_space<vmem>> -> memref<1x128x128xf32, #tpu.memory_space<vmem>>
        %dma_start3A_192 = tpu.memref_squeeze %dma_start3A_191 : memref<1x128x128xf32, #tpu.memory_space<vmem>> -> memref<128x128xf32, #tpu.memory_space<vmem>>
        %dma_start3A_193 = arith.constant 0 : i32
        %dma_start3A_194 = tpu.memref_slice %arg7[%add3A_182, %dma_start3A_193] : memref<40x128xi32, #tpu.memory_space<vmem>> -> memref<1x128xi32, #tpu.memory_space<vmem>>
        %dma_start3A_195 = tpu.memref_squeeze %dma_start3A_194 : memref<1x128xi32, #tpu.memory_space<vmem>> -> memref<128xi32, #tpu.memory_space<vmem>>
        %dma_start3A_196 = arith.constant 0 : i32
        %dma_start3A_197 = arith.constant 0 : i32
        %dma_start3A_198 = tpu.memref_slice %arg2[%dma_start3A_196, %dma_start3A_197] : memref<20480x128xf32, #tpu.memory_space<hbm>> -> memref<20480x128xf32, #tpu.memory_space<hbm>>
        tpu.enqueue_indirect_dma source(%dma_start3A_198 : memref<20480x128xf32, #tpu.memory_space<hbm>>) target(%dma_start3A_192 : memref<128x128xf32, #tpu.memory_space<vmem>>) offsets(%dma_start3A_195 : memref<128xi32, #tpu.memory_space<vmem>>) semaphore(%arg12 : memref<!tpu.dma_semaphore, #tpu.memory_space<semaphore_mem>>)
      } else {
      }
    }
    %scan3A_95 = arith.constant 20 : i32
    %barrier3A_96 = arith.constant 0 : index
    tpu.barrier barrier_id(%barrier3A_96)
    %mul3A_97 = arith.constant 640 : i32
    %mul3A_98 = arith.muli %arg1, %mul3A_97 : i32
    %mul3A_99 = arith.constant 640 : i32
    %mul3A_100 = arith.muli %arg1, %mul3A_99 : i32
    %add3A_101 = arith.addi %mul3A_3, %mul3A_100 : i32
    "tpu.region"() ({
      %run_scoped3A = tpu.sem_alloc : memref<!tpu.dma_semaphore, #tpu.memory_space<semaphore_mem>>
      %dma_start3A_103 = arith.constant 0 : i32
      %dma_start3A_104 = tpu.memref_slice %arg6[%add3A_101, %dma_start3A_103] : memref<20480x128xf32, #tpu.memory_space<hbm>> -> memref<640x128xf32, #tpu.memory_space<hbm>>
      %dma_start3A_105 = arith.constant 0 : i32
      %dma_start3A_106 = tpu.memref_slice %arg10[%mul3A_98, %dma_start3A_105] : memref<10240x128xf32, #tpu.memory_space<vmem_shared>> -> memref<640x128xf32, #tpu.memory_space<vmem_shared>>
      tpu.enqueue_dma source(%dma_start3A_106 : memref<640x128xf32, #tpu.memory_space<vmem_shared>>) target(%dma_start3A_104 : memref<640x128xf32, #tpu.memory_space<hbm>>) target_semaphore(%run_scoped3A : memref<!tpu.dma_semaphore, #tpu.memory_space<semaphore_mem>>)
      %dma_wait3A = arith.constant 0 : i32
      %dma_wait3A_107 = tpu.memref_slice %arg6[%add3A_101, %dma_wait3A] : memref<20480x128xf32, #tpu.memory_space<hbm>> -> memref<640x128xf32, #tpu.memory_space<hbm>>
      %dma_wait3A_108 = arith.constant 0 : i32
      %dma_wait3A_109 = tpu.memref_slice %arg10[%mul3A_98, %dma_wait3A_108] : memref<10240x128xf32, #tpu.memory_space<vmem_shared>> -> memref<640x128xf32, #tpu.memory_space<vmem_shared>>
      tpu.wait_dma2 semaphore(%run_scoped3A : memref<!tpu.dma_semaphore, #tpu.memory_space<semaphore_mem>>) src(%dma_wait3A_109 : memref<640x128xf32, #tpu.memory_space<vmem_shared>>) dst(%dma_wait3A_107 : memref<640x128xf32, #tpu.memory_space<hbm>>)
      tpu.yield
    }) : () -> ()
    %barrier3A_102 = arith.constant 0 : index
    tpu.barrier barrier_id(%barrier3A_102)
    return
  }
}

module attributes {stable_mosaic.version = 14 : i64} {
  func.func @_mm1_body(%arg0: i32, %arg1: memref<256x256xf32, #tpu.memory_space<vmem>>, %arg2: memref<256x512xf32, #tpu.memory_space<vmem>>, %arg3: memref<256x32xf32, #tpu.memory_space<vmem>>, %arg4: memref<256x512xf32, #tpu.memory_space<vmem>>) attributes {dimension_semantics = [#tpu.dimension_semantics<arbitrary>], iteration_bounds = array<i64: 40>, scalar_prefetch = 0 : i64, scratch_operands = 0 : i64, tpu.core_type = #tpu.core_type<tc>, window_params = [{transform_indices = @transform_0, window_bounds = array<i64: 256, 256>}, {pipeline_mode = #tpu.pipeline_mode<synchronous>, transform_indices = @transform_1, window_bounds = array<i64: 256, 512>}, {transform_indices = @transform_2, window_bounds = array<i64: 256, 32>}, {transform_indices = @transform_3, window_bounds = array<i64: 256, 512>}]} {
    %get3A = arith.constant 0 : index
    %get3A_0 = arith.constant 0 : index
    %get3A_1 = vector.load %arg3[%get3A, %get3A_0] : memref<256x32xf32, #tpu.memory_space<vmem>>, vector<256x32xf32>
    %reduce_sum3A = arith.constant dense<0.000000e+00> : vector<256xf32>
    %reduce_sum3A_2 = vector.multi_reduction <add>, %get3A_1, %reduce_sum3A [1] : vector<256x32xf32> to vector<256xf32>
    %broadcast_in_dim3A = vector.shape_cast %reduce_sum3A_2 : vector<256xf32> to vector<256x1xf32>
    %add3A = arith.constant 1.000000e+00 : f32
    %add3A_3 = vector.broadcast %add3A : f32 to vector<256x1xf32>
    %add3A_4 = arith.addf %broadcast_in_dim3A, %add3A_3 : vector<256x1xf32>
    %mul3A = arith.constant 256 : i32
    %mul3A_5 = arith.muli %arg0, %mul3A : i32
    %iota3A = tpu.iota {dimensions = array<i32: 0>} : vector<256x1xi32>
    %add3A_6 = vector.broadcast %mul3A_5 : i32 to vector<256x1xi32>
    %add3A_7 = arith.addi %add3A_6, %iota3A : vector<256x1xi32>
    %lt3A = arith.constant 10000 : i32
    %lt3A_8 = vector.broadcast %lt3A : i32 to vector<256x1xi32>
    %lt3A_9 = arith.cmpi slt, %add3A_7, %lt3A_8 : vector<256x1xi32>
    %rsqrt3A = math.rsqrt %add3A_4 : vector<256x1xf32>
    %jit3A = arith.constant 0.000000e+00 : f32
    %broadcast_in_dim3A_10 = vector.broadcast %jit3A : f32 to vector<256x1xf32>
    %select_n3A = arith.select %lt3A_9, %rsqrt3A, %broadcast_in_dim3A_10 : vector<256x1xi1>, vector<256x1xf32>
    %get3A_11 = arith.constant 0 : index
    %get3A_12 = arith.constant 0 : index
    %get3A_13 = vector.load %arg1[%get3A_11, %get3A_12] : memref<256x256xf32, #tpu.memory_space<vmem>>, vector<256x256xf32>
    %get3A_14 = arith.constant 0 : index
    %get3A_15 = arith.constant 0 : index
    %get3A_16 = vector.load %arg2[%get3A_14, %get3A_15] : memref<256x512xf32, #tpu.memory_space<vmem>>, vector<256x512xf32>
    %dot_general3A = arith.constant dense<0.000000e+00> : vector<256x512xf32>
    %dot_general3A_17 = tpu.matmul %get3A_13, %get3A_16, %dot_general3A {dimension_numbers = #tpu.dot_dimension_numbers<[1], [0], [0], [1], [0, 0, 1, 1], [], []>, transpose_lhs_hint = false} : vector<256x256xf32>, vector<256x512xf32>, vector<256x512xf32> -> vector<256x512xf32>
    %mul3A_18 = vector.broadcast %select_n3A : vector<256x1xf32> to vector<256x512xf32>
    %mul3A_19 = arith.mulf %dot_general3A_17, %mul3A_18 : vector<256x512xf32>
    %swap3A = arith.constant 0 : index
    %swap3A_20 = arith.constant 0 : index
    %swap3A_21 = vector.load %arg4[%swap3A, %swap3A_20] : memref<256x512xf32, #tpu.memory_space<vmem>>, vector<256x512xf32>
    tpu.vector_store %arg4[%swap3A, %swap3A_20], %mul3A_19 {strides = array<i32>} : memref<256x512xf32, #tpu.memory_space<vmem>>, vector<256x512xf32>,
    return
  }
  func.func @transform_0(%arg0: i32) -> (i32, i32) {
    %c0_i32 = arith.constant 0 : i32
    %c0_i32_0 = arith.constant 0 : i32
    return %arg0, %c0_i32 : i32, i32
  }
  func.func @transform_1(%arg0: i32) -> (i32, i32) {
    %c0_i32 = arith.constant 0 : i32
    %c0_i32_0 = arith.constant 0 : i32
    %c0_i32_1 = arith.constant 0 : i32
    return %c0_i32, %c0_i32_0 : i32, i32
  }
  func.func @transform_2(%arg0: i32) -> (i32, i32) {
    %c0_i32 = arith.constant 0 : i32
    %c0_i32_0 = arith.constant 0 : i32
    return %arg0, %c0_i32 : i32, i32
  }
  func.func @transform_3(%arg0: i32) -> (i32, i32) {
    %c0_i32 = arith.constant 0 : i32
    %c0_i32_0 = arith.constant 0 : i32
    return %arg0, %c0_i32 : i32, i32
  }
}

module attributes {stable_mosaic.version = 14 : i64} {
  func.func @_mm2_body(%arg0: i32, %arg1: memref<256x128xf32, #tpu.memory_space<vmem>>, %arg2: memref<256x128xf32, #tpu.memory_space<vmem>>, %arg3: memref<256x128xf32, #tpu.memory_space<vmem>>, %arg4: memref<256x128xf32, #tpu.memory_space<vmem>>, %arg5: memref<256x512xf32, #tpu.memory_space<vmem>>, %arg6: memref<512x256xf32, #tpu.memory_space<vmem>>, %arg7: memref<1x512xf32, #tpu.memory_space<vmem>>, %arg8: memref<256x32xf32, #tpu.memory_space<vmem>>, %arg9: memref<256x256xf32, #tpu.memory_space<vmem>>) attributes {dimension_semantics = [#tpu.dimension_semantics<arbitrary>], iteration_bounds = array<i64: 40>, scalar_prefetch = 0 : i64, scratch_operands = 0 : i64, tpu.core_type = #tpu.core_type<tc>, window_params = [{transform_indices = @transform_0, window_bounds = array<i64: 256, 128>}, {transform_indices = @transform_1, window_bounds = array<i64: 256, 128>}, {transform_indices = @transform_2, window_bounds = array<i64: 256, 128>}, {transform_indices = @transform_3, window_bounds = array<i64: 256, 128>}, {transform_indices = @transform_4, window_bounds = array<i64: 256, 512>}, {pipeline_mode = #tpu.pipeline_mode<synchronous>, transform_indices = @transform_5, window_bounds = array<i64: 512, 256>}, {pipeline_mode = #tpu.pipeline_mode<synchronous>, transform_indices = @transform_6, window_bounds = array<i64: 1, 512>}, {transform_indices = @transform_7, window_bounds = array<i64: 256, 32>}, {transform_indices = @transform_8, window_bounds = array<i64: 256, 256>}]} {
    %get3A = arith.constant 0 : index
    %get3A_0 = arith.constant 0 : index
    %get3A_1 = vector.load %arg8[%get3A, %get3A_0] : memref<256x32xf32, #tpu.memory_space<vmem>>, vector<256x32xf32>
    %reduce_sum3A = arith.constant dense<0.000000e+00> : vector<256xf32>
    %reduce_sum3A_2 = vector.multi_reduction <add>, %get3A_1, %reduce_sum3A [1] : vector<256x32xf32> to vector<256xf32>
    %broadcast_in_dim3A = vector.shape_cast %reduce_sum3A_2 : vector<256xf32> to vector<256x1xf32>
    %add3A = arith.constant 1.000000e+00 : f32
    %add3A_3 = vector.broadcast %add3A : f32 to vector<256x1xf32>
    %add3A_4 = arith.addf %broadcast_in_dim3A, %add3A_3 : vector<256x1xf32>
    %mul3A = arith.constant 256 : i32
    %mul3A_5 = arith.muli %arg0, %mul3A : i32
    %iota3A = tpu.iota {dimensions = array<i32: 0>} : vector<256x1xi32>
    %add3A_6 = vector.broadcast %mul3A_5 : i32 to vector<256x1xi32>
    %add3A_7 = arith.addi %add3A_6, %iota3A : vector<256x1xi32>
    %lt3A = arith.constant 10000 : i32
    %lt3A_8 = vector.broadcast %lt3A : i32 to vector<256x1xi32>
    %lt3A_9 = arith.cmpi slt, %add3A_7, %lt3A_8 : vector<256x1xi32>
    %rsqrt3A = math.rsqrt %add3A_4 : vector<256x1xf32>
    %jit3A = arith.constant 0.000000e+00 : f32
    %broadcast_in_dim3A_10 = vector.broadcast %jit3A : f32 to vector<256x1xf32>
    %select_n3A = arith.select %lt3A_9, %rsqrt3A, %broadcast_in_dim3A_10 : vector<256x1xi1>, vector<256x1xf32>
    %get3A_11 = arith.constant 0 : index
    %get3A_12 = arith.constant 0 : index
    %get3A_13 = vector.load %arg1[%get3A_11, %get3A_12] : memref<256x128xf32, #tpu.memory_space<vmem>>, vector<256x128xf32>
    %get3A_14 = arith.constant 0 : index
    %get3A_15 = arith.constant 0 : index
    %get3A_16 = vector.load %arg2[%get3A_14, %get3A_15] : memref<256x128xf32, #tpu.memory_space<vmem>>, vector<256x128xf32>
    %get3A_17 = arith.constant 0 : index
    %get3A_18 = arith.constant 0 : index
    %get3A_19 = vector.load %arg3[%get3A_17, %get3A_18] : memref<256x128xf32, #tpu.memory_space<vmem>>, vector<256x128xf32>
    %get3A_20 = arith.constant 0 : index
    %get3A_21 = arith.constant 0 : index
    %get3A_22 = vector.load %arg4[%get3A_20, %get3A_21] : memref<256x128xf32, #tpu.memory_space<vmem>>, vector<256x128xf32>
    %concatenate3A = tpu.concatenate %get3A_13, %get3A_16, %get3A_19, %get3A_22 in 1 : vector<256x128xf32>, vector<256x128xf32>, vector<256x128xf32>, vector<256x128xf32> -> vector<256x512xf32>
    %get3A_23 = arith.constant 0 : index
    %get3A_24 = arith.constant 0 : index
    %get3A_25 = vector.load %arg5[%get3A_23, %get3A_24] : memref<256x512xf32, #tpu.memory_space<vmem>>, vector<256x512xf32>
    %add3A_26 = arith.addf %concatenate3A, %get3A_25 : vector<256x512xf32>
    %mul3A_27 = vector.broadcast %select_n3A : vector<256x1xf32> to vector<256x512xf32>
    %mul3A_28 = arith.mulf %mul3A_27, %add3A_26 : vector<256x512xf32>
    %get3A_29 = arith.constant 0 : index
    %get3A_30 = arith.constant 0 : index
    %get3A_31 = vector.load %arg7[%get3A_29, %get3A_30] : memref<1x512xf32, #tpu.memory_space<vmem>>, vector<1x512xf32>
    %add3A_32 = vector.broadcast %get3A_31 : vector<1x512xf32> to vector<256x512xf32>
    %add3A_33 = arith.addf %mul3A_28, %add3A_32 : vector<256x512xf32>
    %max3A = arith.constant 0.000000e+00 : f32
    %max3A_34 = vector.broadcast %max3A : f32 to vector<256x512xf32>
    %max3A_35 = arith.maximumf %add3A_33, %max3A_34 : vector<256x512xf32>
    %get3A_36 = arith.constant 0 : index
    %get3A_37 = arith.constant 0 : index
    %get3A_38 = vector.load %arg6[%get3A_36, %get3A_37] : memref<512x256xf32, #tpu.memory_space<vmem>>, vector<512x256xf32>
    %dot_general3A = arith.constant dense<0.000000e+00> : vector<256x256xf32>
    %dot_general3A_39 = tpu.matmul %max3A_35, %get3A_38, %dot_general3A {dimension_numbers = #tpu.dot_dimension_numbers<[1], [0], [0], [1], [0, 0, 1, 1], [], []>, transpose_lhs_hint = false} : vector<256x512xf32>, vector<512x256xf32>, vector<256x256xf32> -> vector<256x256xf32>
    %mul3A_40 = vector.broadcast %select_n3A : vector<256x1xf32> to vector<256x256xf32>
    %mul3A_41 = arith.mulf %dot_general3A_39, %mul3A_40 : vector<256x256xf32>
    %swap3A = arith.constant 0 : index
    %swap3A_42 = arith.constant 0 : index
    %swap3A_43 = vector.load %arg9[%swap3A, %swap3A_42] : memref<256x256xf32, #tpu.memory_space<vmem>>, vector<256x256xf32>
    tpu.vector_store %arg9[%swap3A, %swap3A_42], %mul3A_41 {strides = array<i32>} : memref<256x256xf32, #tpu.memory_space<vmem>>, vector<256x256xf32>,
    return
  }
  func.func @transform_0(%arg0: i32) -> (i32, i32) {
    %c0_i32 = arith.constant 0 : i32
    %c0_i32_0 = arith.constant 0 : i32
    return %arg0, %c0_i32 : i32, i32
  }
  func.func @transform_1(%arg0: i32) -> (i32, i32) {
    %c0_i32 = arith.constant 0 : i32
    %c0_i32_0 = arith.constant 0 : i32
    return %arg0, %c0_i32 : i32, i32
  }
  func.func @transform_2(%arg0: i32) -> (i32, i32) {
    %c0_i32 = arith.constant 0 : i32
    %c0_i32_0 = arith.constant 0 : i32
    return %arg0, %c0_i32 : i32, i32
  }
  func.func @transform_3(%arg0: i32) -> (i32, i32) {
    %c0_i32 = arith.constant 0 : i32
    %c0_i32_0 = arith.constant 0 : i32
    return %arg0, %c0_i32 : i32, i32
  }
  func.func @transform_4(%arg0: i32) -> (i32, i32) {
    %c0_i32 = arith.constant 0 : i32
    %c0_i32_0 = arith.constant 0 : i32
    return %arg0, %c0_i32 : i32, i32
  }
  func.func @transform_5(%arg0: i32) -> (i32, i32) {
    %c0_i32 = arith.constant 0 : i32
    %c0_i32_0 = arith.constant 0 : i32
    %c0_i32_1 = arith.constant 0 : i32
    return %c0_i32, %c0_i32_0 : i32, i32
  }
  func.func @transform_6(%arg0: i32) -> (i32, i32) {
    %c0_i32 = arith.constant 0 : i32
    %c0_i32_0 = arith.constant 0 : i32
    %c0_i32_1 = arith.constant 0 : i32
    return %c0_i32, %c0_i32_0 : i32, i32
  }
  func.func @transform_7(%arg0: i32) -> (i32, i32) {
    %c0_i32 = arith.constant 0 : i32
    %c0_i32_0 = arith.constant 0 : i32
    return %arg0, %c0_i32 : i32, i32
  }
  func.func @transform_8(%arg0: i32) -> (i32, i32) {
    %c0_i32 = arith.constant 0 : i32
    %c0_i32_0 = arith.constant 0 : i32
    return %arg0, %c0_i32 : i32, i32
  }
}

module attributes {stable_mosaic.version = 14 : i64} {
  func.func @_fin_body(%arg0: i32, %arg1: memref<256x128xf32, #tpu.memory_space<vmem>>, %arg2: memref<256x128xf32, #tpu.memory_space<vmem>>, %arg3: memref<256x256xf32, #tpu.memory_space<vmem>>, %arg4: memref<1x256xf32, #tpu.memory_space<vmem>>, %arg5: memref<256x32xf32, #tpu.memory_space<vmem>>, %arg6: memref<256x256xf32, #tpu.memory_space<vmem>>) attributes {dimension_semantics = [#tpu.dimension_semantics<arbitrary>], iteration_bounds = array<i64: 40>, scalar_prefetch = 0 : i64, scratch_operands = 0 : i64, tpu.core_type = #tpu.core_type<tc>, window_params = [{transform_indices = @transform_0, window_bounds = array<i64: 256, 128>}, {transform_indices = @transform_1, window_bounds = array<i64: 256, 128>}, {transform_indices = @transform_2, window_bounds = array<i64: 256, 256>}, {pipeline_mode = #tpu.pipeline_mode<synchronous>, transform_indices = @transform_3, window_bounds = array<i64: 1, 256>}, {transform_indices = @transform_4, window_bounds = array<i64: 256, 32>}, {transform_indices = @transform_5, window_bounds = array<i64: 256, 256>}]} {
    %get3A = arith.constant 0 : index
    %get3A_0 = arith.constant 0 : index
    %get3A_1 = vector.load %arg5[%get3A, %get3A_0] : memref<256x32xf32, #tpu.memory_space<vmem>>, vector<256x32xf32>
    %reduce_sum3A = arith.constant dense<0.000000e+00> : vector<256xf32>
    %reduce_sum3A_2 = vector.multi_reduction <add>, %get3A_1, %reduce_sum3A [1] : vector<256x32xf32> to vector<256xf32>
    %broadcast_in_dim3A = vector.shape_cast %reduce_sum3A_2 : vector<256xf32> to vector<256x1xf32>
    %add3A = arith.constant 1.000000e+00 : f32
    %add3A_3 = vector.broadcast %add3A : f32 to vector<256x1xf32>
    %add3A_4 = arith.addf %broadcast_in_dim3A, %add3A_3 : vector<256x1xf32>
    %mul3A = arith.constant 256 : i32
    %mul3A_5 = arith.muli %arg0, %mul3A : i32
    %iota3A = tpu.iota {dimensions = array<i32: 0>} : vector<256x1xi32>
    %add3A_6 = vector.broadcast %mul3A_5 : i32 to vector<256x1xi32>
    %add3A_7 = arith.addi %add3A_6, %iota3A : vector<256x1xi32>
    %lt3A = arith.constant 10000 : i32
    %lt3A_8 = vector.broadcast %lt3A : i32 to vector<256x1xi32>
    %lt3A_9 = arith.cmpi slt, %add3A_7, %lt3A_8 : vector<256x1xi32>
    %rsqrt3A = math.rsqrt %add3A_4 : vector<256x1xf32>
    %jit3A = arith.constant 0.000000e+00 : f32
    %broadcast_in_dim3A_10 = vector.broadcast %jit3A : f32 to vector<256x1xf32>
    %select_n3A = arith.select %lt3A_9, %rsqrt3A, %broadcast_in_dim3A_10 : vector<256x1xi1>, vector<256x1xf32>
    %get3A_11 = arith.constant 0 : index
    %get3A_12 = arith.constant 0 : index
    %get3A_13 = vector.load %arg1[%get3A_11, %get3A_12] : memref<256x128xf32, #tpu.memory_space<vmem>>, vector<256x128xf32>
    %get3A_14 = arith.constant 0 : index
    %get3A_15 = arith.constant 0 : index
    %get3A_16 = vector.load %arg2[%get3A_14, %get3A_15] : memref<256x128xf32, #tpu.memory_space<vmem>>, vector<256x128xf32>
    %concatenate3A = tpu.concatenate %get3A_13, %get3A_16 in 1 : vector<256x128xf32>, vector<256x128xf32> -> vector<256x256xf32>
    %get3A_17 = arith.constant 0 : index
    %get3A_18 = arith.constant 0 : index
    %get3A_19 = vector.load %arg3[%get3A_17, %get3A_18] : memref<256x256xf32, #tpu.memory_space<vmem>>, vector<256x256xf32>
    %add3A_20 = arith.addf %concatenate3A, %get3A_19 : vector<256x256xf32>
    %mul3A_21 = vector.broadcast %select_n3A : vector<256x1xf32> to vector<256x256xf32>
    %mul3A_22 = arith.mulf %mul3A_21, %add3A_20 : vector<256x256xf32>
    %get3A_23 = arith.constant 0 : index
    %get3A_24 = arith.constant 0 : index
    %get3A_25 = vector.load %arg4[%get3A_23, %get3A_24] : memref<1x256xf32, #tpu.memory_space<vmem>>, vector<1x256xf32>
    %add3A_26 = vector.broadcast %get3A_25 : vector<1x256xf32> to vector<256x256xf32>
    %add3A_27 = arith.addf %mul3A_22, %add3A_26 : vector<256x256xf32>
    %swap3A = arith.constant 0 : index
    %swap3A_28 = arith.constant 0 : index
    %swap3A_29 = vector.load %arg6[%swap3A, %swap3A_28] : memref<256x256xf32, #tpu.memory_space<vmem>>, vector<256x256xf32>
    tpu.vector_store %arg6[%swap3A, %swap3A_28], %add3A_27 {strides = array<i32>} : memref<256x256xf32, #tpu.memory_space<vmem>>, vector<256x256xf32>,
    return
  }
  func.func @transform_0(%arg0: i32) -> (i32, i32) {
    %c0_i32 = arith.constant 0 : i32
    %c0_i32_0 = arith.constant 0 : i32
    return %arg0, %c0_i32 : i32, i32
  }
  func.func @transform_1(%arg0: i32) -> (i32, i32) {
    %c0_i32 = arith.constant 0 : i32
    %c0_i32_0 = arith.constant 0 : i32
    return %arg0, %c0_i32 : i32, i32
  }
  func.func @transform_2(%arg0: i32) -> (i32, i32) {
    %c0_i32 = arith.constant 0 : i32
    %c0_i32_0 = arith.constant 0 : i32
    return %arg0, %c0_i32 : i32, i32
  }
  func.func @transform_3(%arg0: i32) -> (i32, i32) {
    %c0_i32 = arith.constant 0 : i32
    %c0_i32_0 = arith.constant 0 : i32
    %c0_i32_1 = arith.constant 0 : i32
    return %c0_i32, %c0_i32_0 : i32, i32
  }
  func.func @transform_4(%arg0: i32) -> (i32, i32) {
    %c0_i32 = arith.constant 0 : i32
    %c0_i32_0 = arith.constant 0 : i32
    return %arg0, %c0_i32 : i32, i32
  }
  func.func @transform_5(%arg0: i32) -> (i32, i32) {
    %c0_i32 = arith.constant 0 : i32
    %c0_i32_0 = arith.constant 0 : i32
    return %arg0, %c0_i32 : i32, i32
  }
}

</mosaic_0001>

<sc_bundles>
// kernel: kernel.11.cloned.1.call-start
scs
__scs_entry_jumppad:
0x0: {  	(pc) =	sbr.rel $0x88, $3  }
0x1: {  	(tag) =	ssettag $0x0;
	lr =	simm.s32 $0x1  }
0x2: {  	[smem:$0x3F9B] =	sst lr;
	_ =	strace $0xD0000000  }
0x3: {  	_ = 	snop  }
0x4: {  	_ = 	snop  }
0x5: {  	_ = 	snop  }
0x6: {  	_ = 	snop  }
0x7: {  	_ = 	snop  }
__scs_overlays_trampoline_lowered:
0x8: {  	[smem:$0x3FAA] =	sst s0  }
0x9: {  	[smem:$0x3FAB] =	sst s1  }
0xa: {  	[smem:$0x3FAC] =	sst s2  }
0xb: {  	[smem:$0x3FAD] =	sst s3  }
0xc: {  	[smem:$0x3FAE] =	sst s4  }
0xd: {  	[smem:$0x3FAF] =	sst s5  }
0xe: {  	[smem:$0x3FB0] =	sst s6  }
0xf: {  	[smem:$0x3FB1] =	sst s7  }
0x10: {  	[smem:$0x3FB2] =	sst s8  }
0x11: {  	[smem:$0x3FB3] =	sst s9;
	s0 =	simm.s32 @!p0 $0x0  }
0x12: {  	s1 =	sld [smem:$0x3F99];
	s0 =	simm.s32 @p0 $0x1  }
0x13: {  	[smem:$0x3FB4] =	sst s0;
	s0 =	simm.s32 @!p1 $0x0  }
0x14: {  	s2 =	sld [smem:$0x3F98];
	s0 =	simm.s32 @p1 $0x1  }
0x15: {  	[smem:$0x3FB5] =	sst s0;
	s0 =	simm.s32 @!p2 $0x0  }
0x16: {  	s3 =	sld [smem:$0x3FDB];
	s0 =	simm.s32 @p2 $0x1  }
0x17: {  	s4 =	simm.s32 $0x1BF5;
	[smem:$0x3FB7] =	sst s0  }
0x18: {  	s0 =	sld [smem:$0x3F9A];
	_ =	swait.ge [sflag:s4], $0x0  }
0x19: {  	s7 =	sld [smem:$0x3F9B]  }
0x1a: {  	s8 =	sadd.s32 $0xFFFFE003, lr  }
0x1b: {  	s9 =	sadd.s32 $0xFFFFFEF7, lr;
	s5 =	simm.s32 $0xFFFFFFFF;
	p2 =	slt.u32 s8, $0xFFFFF086  }
0x1c: {  	p1 =	slt.u32 s9, $0xF7A;
	s5 =	simm.s32 @!p2 $0x0  }
0x1d: {  	s5 =	simm.s32 @p1 $0x1;
	p0 =	seq.s32 s7, s2  }
0x1e: {  	s7 =	smul.u32 @!p0 $0xF7A, s2;
	p2 =	seq.s32 @!p0 s5, $0x0  }
0x1f: {  	s9 =	smul.u32 $0xF7A, s1;
	s8 =	simm.s32 @!p0 $0x1BF5;
	p2 =	por !p2, p0  }
0x20: {  	[sflag:s8] =	ssyncset.s32 @!p0 $0xFFFFF086;
	s6 =	sadd.s32 @!p0 s3, s7;
	s7 =	simm.s32 @!p0 $0x108  }
0x21: {  	s3 =	sadd.s32 s3, s9;
	s6 =	sadd.s32 @!p0 $0x88, s6;
	s7 =	simm.s32 @p2 $0x1082  }
0x22: {  	[simem:s7], [sflag:s8] =	dma.local @!p0 [hbm:s6], $0xF7A  }
0x23: {  	s9 =	sor.u32 $0xD0000000, s2;
	s6 =	simm.s32 $0x108;
	_ =	swait.ge @!p0 [sflag:s8], $0x0  }
0x24: {  	s3 =	sadd.s32 $0x88, s3;
	s6 =	simm.s32 @!p1 $0x1082;
	[sflag:s4] =	ssyncset.s32 $0xFFFFF086  }
0x25: {  	[simem:s6], [sflag:s4] =	dma.local [hbm:s3], $0xF7A  }
0x26: {  	[smem:$0x3F9B] =	sst s1;
	(tag) =	ssettag s2;
	_ =	strace s9  }
0x27: {  	s1 =	sld [smem:$0x3FAB]  }
0x28: {  	s2 =	sld [smem:$0x3FAC]  }
0x29: {  	s4 =	sld [smem:$0x3FAE]  }
0x2a: {  	p0 =	seq.s32 s5, $0x0;
	s5 =	sld [smem:$0x3FAF]  }
0x2b: {  	s6 =	sld [smem:$0x3FB0]  }
0x2c: {  	s7 =	sld [smem:$0x3FB1]  }
0x2d: {  	s3 =	simm.s32 $0x108;
	s8 =	sld [smem:$0x3FB2]  }
0x2e: {  	s3 =	simm.s32 @!p0 $0x1082;
	s9 =	sld [smem:$0x3FB3]  }
0x2f: {  	lr =	sadd.s32 s0, s3;
	s0 =	sld [smem:$0x3FAA]  }
0x30: {  	s3 =	sld [smem:$0x3FAD]  }
0x31: {  	[smem:$0x3FB6] =	sst s10  }
0x32: {  	s10 =	sld [smem:$0x3FB4];
	_ =	sdelay $0x3  }
0x33: {  	p0 =	seq.s32 s10, $0x1;
	s10 =	sld [smem:$0x3FB6];
	_ =	sdelay $0x3  }
0x34: {  	[smem:$0x3FB6] =	sst s10  }
0x35: {  	s10 =	sld [smem:$0x3FB5];
	_ =	sdelay $0x3  }
0x36: {  	p1 =	seq.s32 s10, $0x1;
	s10 =	sld [smem:$0x3FB6];
	_ =	sdelay $0x3  }
0x37: {  	[smem:$0x3FB6] =	sst s10  }
0x38: {  	s10 =	sld [smem:$0x3FB7]  }
0x39: {  	_ = 	snop;
	(pc) =	sbr.ind lr, $3  }
0x3a: {  	_ = 	snop  }
0x3b: {  	_ = 	snop  }
0x3c: {  	p2 =	seq.s32 s10, $0x1;
	s10 =	sld [smem:$0x3FB6]  }
0x3d: {  	_ =	shalt  }
0x3e: {  	_ =	shalt  }
0x3f: {  	_ =	shalt  }
0x40: {  	_ =	shalt  }
0x41: {  	_ =	shalt  }
0x42: {  	_ =	shalt  }
0x43: {  	_ =	shalt  }
0x44: {  	_ =	shalt  }
0x45: {  	_ =	shalt  }
0x46: {  	_ =	shalt  }
0x47: {  	_ =	shalt  }
0x48: {  	_ =	shalt  }
0x49: {  	_ =	shalt  }
0x4a: {  	_ =	shalt  }
0x4b: {  	_ =	shalt  }
0x4c: {  	_ =	shalt  }
0x4d: {  	_ =	shalt  }
0x4e: {  	_ =	shalt  }
0x4f: {  	_ =	shalt  }
0x50: {  	_ =	shalt  }
0x51: {  	_ =	shalt  }
0x52: {  	_ =	shalt  }
0x53: {  	_ =	shalt  }
0x54: {  	_ =	shalt  }
0x55: {  	_ =	shalt  }
0x56: {  	_ =	shalt  }
0x57: {  	_ =	shalt  }
0x58: {  	_ =	shalt  }
0x59: {  	_ =	shalt  }
0x5a: {  	_ =	shalt  }
0x5b: {  	_ =	shalt  }
0x5c: {  	_ =	shalt  }
0x5d: {  	_ =	shalt  }
0x5e: {  	_ =	shalt  }
0x5f: {  	_ =	shalt  }
0x60: {  	_ =	shalt  }
0x61: {  	_ =	shalt  }
0x62: {  	_ =	shalt  }
0x63: {  	_ =	shalt  }
0x64: {  	_ =	shalt  }
0x65: {  	_ =	shalt  }
0x66: {  	_ =	shalt  }
0x67: {  	_ =	shalt  }
0x68: {  	_ =	shalt  }
0x69: {  	_ =	shalt  }
0x6a: {  	_ =	shalt  }
0x6b: {  	_ =	shalt  }
0x6c: {  	_ =	shalt  }
0x6d: {  	_ =	shalt  }
0x6e: {  	_ =	shalt  }
0x6f: {  	_ =	shalt  }
0x70: {  	_ =	shalt  }
0x71: {  	_ =	shalt  }
0x72: {  	_ =	shalt  }
0x73: {  	_ =	shalt  }
0x74: {  	_ =	shalt  }
0x75: {  	_ =	shalt  }
0x76: {  	_ =	shalt  }
0x77: {  	_ =	shalt  }
0x78: {  	_ =	shalt  }
0x79: {  	_ =	shalt  }
0x7a: {  	_ =	shalt  }
0x7b: {  	_ =	shalt  }
0x7c: {  	_ =	shalt  }
0x7d: {  	_ =	shalt  }
0x7e: {  	_ =	shalt  }
0x7f: {  	_ =	shalt  }
0x80: {  	_ =	shalt  }
0x81: {  	_ =	shalt  }
0x82: {  	_ =	shalt  }
0x83: {  	_ =	shalt  }
0x84: {  	_ =	shalt  }
0x85: {  	_ =	shalt  }
0x86: {  	_ =	shalt  }
0x87: {  	_ =	shalt  }
.Lfunc_end0:
.L_simem_size_0:
called_computation.1_lowered:
.L_overlay_start_0:
0x88: {  	s2 =	sld [smem:$0x3FD9]  }
0x89: {  	s3 =	sld [smem:$0x3FFE];
	_ =	sdelay $0x1  }
0x8a: {  	s1 =	srdreg.scid  }
0x8b: {  	s0 =	sand.u32 $0x1, s1  }
0x8c: {  	s17 =	sshll.u32 s0, $0xA;
	s2 =	sadd.s32 s3, s2  }
0x8d: {  	s2 =	sadd.s32 s2, s17  }
0x8e: {  	[smem:$0x3FC2] =	sst s2  }
0x8f: {  	_ = 	snop  }
0x90: {  	s2 =	sld [smem:$0x3FD0];
	(tm) =	ssettm $0x1  }
0x91: {  	s18 =	sld [smem:$0x3FFB];
	_ =	sdelay $0x3  }
0x92: {  	_ =	strace s18  }
0x93: {  	s3 =	sld [smem:$0x3FFC];
	_ =	sdelay $0x3  }
0x94: {  	_ =	strace s3  }
0x95: {  	s3 =	sld [smem:$0x3FFD];
	_ =	sdelay $0x3  }
0x96: {  	_ =	strace s3  }
0x97: {  	_ =	strace $0x8FFFFFFF  }
0x98: {  	s19 =	sld [smem:$0x3FDB];
	_ =	sdelay $0x1  }
0x99: {  	s4 =	simm.s32 $_scs_section_size  }
0x9a: {  	s5 =	simm.s32 $_size__tile_overlayer_lowered;
	s6 =	simm.s32 $_tile_overlayer_lowered  }
0x9b: {  	s22 =	simm.s32 $0x1BFF;
	s21 =	sshll.u32 s6, $0x1;
	s3 =	sadd.s32 s4, s19  }
0x9c: {  	s7 =	simm.s32 $0x0;
	s20 =	sshll.u32 s5, $0x1;
	s5 =	sadd.s32 s21, s3  }
0x9d: {  	[timem:s7], [sflag:s22] =	dma.local [hbm:s5], s20  }
0x9e: {  	_ =	swait.ge [sflag:s22], s20  }
0x9f: {  	s4 =	ssub.s32 $0x0, s20;
	[sflag:s22] =	ssyncset.done $0x0  }
0xa0: {  	[sflag:s22] =	ssyncadd.s32 s4;
	_ =	sdelay $0x1  }
0xa1: {  	s23 =	simm.s32 $0x1B8B  }
0xa2: {  	_ =	swait.ge [sflag:s23], $0x1  }
0xa3: {  	[sflag:s23] =	ssyncset.done $0x0  }
0xa4: {  	s25 =	simm.s32 $0x1B8E;
	s24 =	sld [smem:$0x3FFE];
	[sflag:s23] =	ssyncadd.s32 $0xFFFFFFFF  }
0xa5: {  	s26 =	simm.s32 $execute0_lowered;
	[smem:$0x3FD2] =	sst s25  }
0xa6: {  	s5 =	sshll.u32 s26, $0x1;
	_ =	strace $0x80000049;
	[dreg:$0x1] =	wrdreg $0xFFFFFFFF  }
0xa7: {  	s28 =	simm.s32 $_size_execute0_lowered;
	s3 =	sadd.s32 s3, s5;
	[dreg:$0x0] =	wrdreg $0x0  }
0xa8: {  	s5 =	sshll.u32 s28, $0x1;
	[dreg:$0x2] =	wrdreg s3  }
0xa9: {  	[dreg:$0x3] =	wrdreg s5  }
0xaa: {  	[dreg:$0x4] =	wrdreg $0xC0  }
0xab: {  	_ =	task [dreg:s7], $0x5FFFF  }
0xac: {  	[dreg:$0x1] =	wrdreg $0xFFFFFFFF  }
0xad: {  	[dreg:$0x0] =	wrdreg $0x60  }
0xae: {  	[dreg:$0x2] =	wrdreg s24  }
0xaf: {  	[dreg:$0x3] =	wrdreg s2  }
0xb0: {  	[dreg:$0x4] =	wrdreg $0xA8000  }
0xb1: {  	[dreg:$0x5] =	wrdreg $0x9  }
0xb2: {  	_ =	task.clear_ibuf [dreg:s7], $0x6FFFF;
	_ =	strace $0x90000049  }
0xb3: {  	s29 =	simm.s32 $0x9;
	_ =	strace $0x8000004B  }
0xb4: {  	_ =	swait.ge [sflag:s29], $0x1  }
0xb5: {  	[sflag:s29] =	ssyncadd.s32 $0xFFFFFFFF  }
0xb6: {  	_ =	strace $0x9000004B  }
0xb7: {  	_ =	sfence  }
0xb8: {  	s30 =	sld [smem:$0x0];
	_ =	sdelay $0x2  }
0xb9: {  	s31 =	sshll.u32 s1, $0xD;
	s1 =	sshrl.u32 s1, $0x2  }
0xba: {  	s3 =	sand.u32 $0x4000, s31;
	s1 =	sadd.s32 s1, s30  }
0xbb: {  	s0 =	sor.u32 s3, s0;
	s1 =	sshll.u32 s1, $0x11  }
0xbc: {  	s0 =	sor.u32 s1, s0  }
0xbd: {  	s0 =	sadd.s32 $0x8F2B, s0  }
0xbe: {  	[sflag:s0] =	ssyncadd.remote.s32 $0x1  }
0xbf: {  	_ =	sfence.sel $0xFFFF  }
0xc0: {  	[dreg:$0x0] =	wrdreg $0xFFFFFFFF;
	(pc) =	sbr.abs _section_cstart, $3  }
0xc1: {  	[dreg:$0x1] =	wrdreg $0xFFFFFFFF  }
0xc2: {  	_ =	task.clear_ibuf [dreg:s7], $0x2FFFF;
	_ =	strace $0x9FFFFFFF  }
0xc3: {  	(tm) =	ssettm $0x7FFFFFFF  }
tec
execute0_lowered:
.L_overlay_start_1:
0x0: {  	(tag) =	ssettag $0x1  }
0x1: {  	s5 =	rddreg [dreg:$0x0]  }
0x2: {  	s6 =	rddreg [dreg:$0x1]  }
0x3: {  	s1 =	rddreg [dreg:$0x2]  }
0x4: {  	s0 =	rddreg [dreg:$0x3];
	s2 =	simm.s32 $0x0;
	s4 =	srdreg.scid  }
0x5: {  	s28 =	simm.s32 $0x0;
	[smem:$0x7FF] =	sst s2;
	s8 =	sand.u32 $0x1, s4  }
0x6: {  	s3 =	sadd.s32 $0xE7E00, s5;
	s4 =	stileid.u32;
	s11 =	smul.u32 $0x5000, s8  }
0x7: {  	s13 =	sadd.s32 $0xBE00, s5;
	s14 =	sadd.s32 $0x187E00, s5;
	s9 =	smul.u32 $0x50000, s4  }
0x8: {  	s10 =	sadd.s32 $0x6E00, s5;
	_ =	strace $0x8000004A;
	s12 =	smul.u32 $0x280, s4  }
0x9: {  	s7 =	ssub.s32 $0x2, s8;
	s15 =	sshll.u32 s8, $0x6;
	s17 =	smul.u32 $0x2800, s4  }
0xa: {  	s16 =	sshll.u32 s4, $0x1;
	s22 =	sshll.u32 s4, $0x6;
	s24 =	smul.u32 $0x500, s4  }
0xb: {  	s26 =	sshllo.u32 s8, $0x1;
	s20 =	sshrl.u32 s7, $0x1;
	s15 =	sor.u32 s16, s15  }
0xc: {  	s29 =	sshll.u32 s26, $0x5;
	s9 =	sshrl.u32 s9, $0x2;
	s21 =	smul.u32 $0x1400, s15  }
0xd: {  	s18 =	ssub.s32 s7, s20;
	s5 =	sadd.s32 s6, s17;
	s23 =	smul.u32 $0x280, s15  }
0xe: {  	s6 =	sor.u32 $0x1C04, s22;
	s8 =	sadd.s32 s10, s24;
	s17 =	sshrl.u32 s17, $0x3  }
0xf: {  	s15 =	sor.u32 s16, s29;
	s11 =	sadd.s32 s12, s11;
	s22 =	simm.s32 $0x1  }
0x10: {  	s24 =	simm.s32 $0x2;
	s19 =	sadd.s32 s9, s1;
	s16 =	smul.u32 $0x1400, s15  }
0x11: {  	s10 =	sadd.s32 s10, s17;
	s11 =	sshll.u32 s11, $0x4;
	s15 =	smul.u32 $0x280, s15  }
0x12: {  	s17 =	simm.s32 $0x4;
	s20 =	sshrl.u32 s21, $0x3;
	s7 =	sadd.s32 s13, s23  }
0x13: {  	s10 =	sadd.s32 $0x280, s10;
	s11 =	sadd.s32 s14, s11;
	s21 =	simm.s32 $0x6800  }
0x14: {  	s23 =	simm.s32 $0x3;
	s25 =	sadd.s32 s13, s20;
	s20 =	smul.u32 $0x2800, s26  }
0x15: {  	s16 =	sshrl.u32 s16, $0x3;
	s26 =	simm.s32 $0x2780;
	s9 =	sadd.s32 $0x280, s25  }
0x16: {  	s25 =	simm.s32 $0x2700;
	s30 =	sadd.s32 s12, s20;
	s12 =	sadd.s32 s13, s15  }
0x17: {  	s13 =	sadd.s32 s13, s16;
	s15 =	smax.u32 s18, $0x1;
	s16 =	sshrl.u32 s19, $0x3  }
0x18: {  	s18 =	simm.s32 $0x1400;
	s19 =	simm.s32 $0x80;
	s31 =	sshll.u32 s30, $0x4  }
0x19: {  	s20 =	simm.s32 $0x2800;
	s13 =	sadd.s32 $0x280, s13;
	s14 =	sadd.s32 s14, s31  }
.LBB2_1:
0x1a: {  	[spmem:s16], [sflag:s6] =	dma.local [hbm:s5], $0x2800  }
0x1b: {  	_ =	swait.ge [sflag:s17], $0x2800  }
0x1c: {  	[sflag:s17] =	ssyncset.done $0x0  }
0x1d: {  	[sflag:s17] =	ssyncadd.s32 $0xFFFFD800  }
0x1e: {  	[bflag:$0x0] =	sbarrier.arrive $0xFFFF  }
0x1f: {  	[tilespmem:s2], [sflag:$0x4] =	stream.linear.gather [hbm4b:s7+s2], $0x1400, $0x38;
	[tilespmem:$0x1E800] =	vst v63  }
0x20: {  	_ =	swait.ge [sflag:s17], $0x1400  }
0x21: {  	[sflag:s17] =	ssyncset.done $0x0  }
0x22: {  	[sflag:s17] =	ssyncadd.s32 $0xFFFFEC00  }
0x23: {  	[tilespmem:s18], [sflag:$0x4] =	stream.linear.gather [hbm4b:s8+s2], $0x1400, $0x38;
	[tilespmem:$0x1E800] =	vst v63  }
0x24: {  	_ =	swait.ge [sflag:s17], $0x1400  }
0x25: {  	[sflag:s17] =	ssyncset.done $0x0  }
0x26: {  	[sflag:s17] =	ssyncadd.s32 $0xFFFFEC00  }
0x27: {  	[tilespmem:s20], [sflag:$0x1] =	stream.indirect.gather [hbm4b:s3+s19], $0x80, s2, s19, $0xb8;
	[tilespmem:$0x1E800] =	vst v63  }
0x28: {  	_ = 	snop  }
0x29: {  	[tilespmem:s21], [sflag:$0x2] =	stream.indirect.gather [hbm4b:s3+s19], $0x80, s19, s19, $0xb8;
	[tilespmem:$0x1E800] =	vst v63  }
0x2a: {  	_ =	swait.ge [sflag:s22], $0x4000  }
0x2b: {  	[sflag:s22] =	ssyncset.done $0x0  }
0x2c: {  	s29 =	simm.s32 $0x1400;
	[sflag:s22] =	ssyncadd.s32 $0xFFFFC000  }
0x2d: {  	[spmem:s1] =	stream.indirect.scatter.add.f32 [tilespmem:s20], [sflag:$0x3], $0x80, s29, s19, $0xb8;
	[tilespmem:$0x1E800] =	vst v63  }
0x2e: {  	_ =	swait.ge [sflag:s23], $0x4000  }
0x2f: {  	[sflag:s23] =	ssyncset.done $0x0  }
0x30: {  	s29 =	simm.s32 $0x100;
	[sflag:s23] =	ssyncadd.s32 $0xFFFFC000  }
0x31: {  	[tilespmem:s20], [sflag:$0x1] =	stream.indirect.gather [hbm4b:s3+s19], $0x80, s29, s19, $0xb8;
	[tilespmem:$0x1E800] =	vst v63  }
0x32: {  	_ =	swait.ge [sflag:s24], $0x4000  }
0x33: {  	[sflag:s24] =	ssyncset.done $0x0  }
0x34: {  	s29 =	simm.s32 $0x1480;
	[sflag:s24] =	ssyncadd.s32 $0xFFFFC000  }
0x35: {  	[spmem:s1] =	stream.indirect.scatter.add.f32 [tilespmem:s21], [sflag:$0x3], $0x80, s29, s19, $0xb8;
	[tilespmem:$0x1E800] =	vst v63  }
0x36: {  	_ =	swait.ge [sflag:s23], $0x4000  }
0x37: {  	[sflag:s23] =	ssyncset.done $0x0  }
0x38: {  	s30 =	simm.s32 $0x180;
	s29 =	simm.s32 $0x400;
	[sflag:s23] =	ssyncadd.s32 $0xFFFFC000  }
.LBB2_2:
0x39: {  	[tilespmem:s21], [sflag:$0x2] =	stream.indirect.gather [hbm4b:s3+s19], $0x80, s30, s19, $0xb8;
	[tilespmem:$0x1E800] =	vst v63  }
0x3a: {  	s30 =	smov.u32 s29  }
0x3b: {  	p0 =	sne.s32 s29, $0x4800;
	s29 =	sadd.s32 $0x400, s29;
	_ =	swait.ge [sflag:s22], $0x4000  }
0x3c: {  	s30 =	sshra.s32 s30, $0x2;
	[sflag:s22] =	ssyncset.done $0x0  }
0x3d: {  	s31 =	sadd.s32 $0x1400, s30;
	[sflag:s22] =	ssyncadd.s32 $0xFFFFC000  }
0x3e: {  	[spmem:s1] =	stream.indirect.scatter.add.f32 [tilespmem:s20], [sflag:$0x3], $0x80, s31, s19, $0xb8;
	[tilespmem:$0x1E800] =	vst v63  }
0x3f: {  	_ =	swait.ge [sflag:s23], $0x4000  }
0x40: {  	[sflag:s23] =	ssyncset.done $0x0  }
0x41: {  	s31 =	sadd.s32 $0x100, s30;
	[sflag:s23] =	ssyncadd.s32 $0xFFFFC000  }
0x42: {  	[tilespmem:s20], [sflag:$0x1] =	stream.indirect.gather [hbm4b:s3+s19], $0x80, s31, s19, $0xb8;
	[tilespmem:$0x1E800] =	vst v63  }
0x43: {  	_ =	swait.ge [sflag:s24], $0x4000  }
0x44: {  	[sflag:s24] =	ssyncset.done $0x0  }
.Ltmp0:
0x45: {  	s31 =	sadd.s32 $0x1480, s30;
	[sflag:s24] =	ssyncadd.s32 $0xFFFFC000;
	(pc) =	sbr.rel @p0 .LBB2_2-.Ltmp0, $4  }
0x46: {  	[spmem:s1] =	stream.indirect.scatter.add.f32 [tilespmem:s21], [sflag:$0x3], $0x80, s31, s19, $0xb8;
	[tilespmem:$0x1E800] =	vst v63  }
0x47: {  	_ =	swait.ge [sflag:s23], $0x4000  }
0x48: {  	[sflag:s23] =	ssyncset.done $0x0  }
0x49: {  	s30 =	sadd.s32 $0x180, s30;
	[sflag:s23] =	ssyncadd.s32 $0xFFFFC000  }
0x4a: {  	[tilespmem:s21], [sflag:$0x2] =	stream.indirect.gather [hbm4b:s3+s19], $0x80, s30, s19, $0xb8;
	[tilespmem:$0x1E800] =	vst v63  }
0x4b: {  	_ =	swait.ge [sflag:s22], $0x4000  }
0x4c: {  	[sflag:s22] =	ssyncset.done $0x0  }
0x4d: {  	[sflag:s22] =	ssyncadd.s32 $0xFFFFC000  }
0x4e: {  	[spmem:s1] =	stream.indirect.scatter.add.f32 [tilespmem:s20], [sflag:$0x3], $0x80, s25, s19, $0xb8;
	[tilespmem:$0x1E800] =	vst v63  }
0x4f: {  	_ =	swait.ge [sflag:s23], $0x4000  }
0x50: {  	[sflag:s23] =	ssyncset.done $0x0  }
0x51: {  	[sflag:s23] =	ssyncadd.s32 $0xFFFFC000  }
0x52: {  	_ =	swait.ge [sflag:s24], $0x4000  }
0x53: {  	[sflag:s24] =	ssyncset.done $0x0  }
0x54: {  	[sflag:s24] =	ssyncadd.s32 $0xFFFFC000  }
0x55: {  	[spmem:s1] =	stream.indirect.scatter.add.f32 [tilespmem:s21], [sflag:$0x3], $0x80, s26, s19, $0xb8;
	[tilespmem:$0x1E800] =	vst v63  }
0x56: {  	_ =	swait.ge [sflag:s23], $0x4000  }
0x57: {  	[sflag:s23] =	ssyncset.done $0x0  }
0x58: {  	s29 =	simm.s32 $0x0;
	[sflag:s23] =	ssyncadd.s32 $0xFFFFC000  }
0x59: {  	[tilespmem:s29], [sflag:$0x4] =	stream.linear.gather [hbm4b:s9+s29], $0x1400, $0x38;
	[tilespmem:$0x1E800] =	vst v63  }
0x5a: {  	_ =	swait.ge [sflag:s17], $0x1400  }
0x5b: {  	[sflag:s17] =	ssyncset.done $0x0  }
0x5c: {  	[sflag:s17] =	ssyncadd.s32 $0xFFFFEC00  }
0x5d: {  	[tilespmem:s18], [sflag:$0x4] =	stream.linear.gather [hbm4b:s10+s29], $0x1400, $0x38;
	[tilespmem:$0x1E800] =	vst v63  }
0x5e: {  	_ =	swait.ge [sflag:s17], $0x1400  }
0x5f: {  	[sflag:s17] =	ssyncset.done $0x0  }
0x60: {  	[sflag:s17] =	ssyncadd.s32 $0xFFFFEC00  }
0x61: {  	[tilespmem:s20], [sflag:$0x1] =	stream.indirect.gather [hbm4b:s3+s19], $0x80, s29, s19, $0xb8;
	[tilespmem:$0x1E800] =	vst v63  }
0x62: {  	_ = 	snop  }
0x63: {  	[tilespmem:s21], [sflag:$0x2] =	stream.indirect.gather [hbm4b:s3+s19], $0x80, s19, s19, $0xb8;
	[tilespmem:$0x1E800] =	vst v63  }
0x64: {  	_ =	swait.ge [sflag:s22], $0x4000  }
0x65: {  	[sflag:s22] =	ssyncset.done $0x0  }
0x66: {  	s29 =	simm.s32 $0x1400;
	[sflag:s22] =	ssyncadd.s32 $0xFFFFC000  }
0x67: {  	[spmem:s1] =	stream.indirect.scatter.add.f32 [tilespmem:s20], [sflag:$0x3], $0x80, s29, s19, $0xb8;
	[tilespmem:$0x1E800] =	vst v63  }
0x68: {  	_ =	swait.ge [sflag:s23], $0x4000  }
0x69: {  	[sflag:s23] =	ssyncset.done $0x0  }
0x6a: {  	s29 =	simm.s32 $0x100;
	[sflag:s23] =	ssyncadd.s32 $0xFFFFC000  }
0x6b: {  	[tilespmem:s20], [sflag:$0x1] =	stream.indirect.gather [hbm4b:s3+s19], $0x80, s29, s19, $0xb8;
	[tilespmem:$0x1E800] =	vst v63  }
0x6c: {  	_ =	swait.ge [sflag:s24], $0x4000  }
0x6d: {  	[sflag:s24] =	ssyncset.done $0x0  }
0x6e: {  	s29 =	simm.s32 $0x1480;
	[sflag:s24] =	ssyncadd.s32 $0xFFFFC000  }
0x6f: {  	[spmem:s1] =	stream.indirect.scatter.add.f32 [tilespmem:s21], [sflag:$0x3], $0x80, s29, s19, $0xb8;
	[tilespmem:$0x1E800] =	vst v63  }
0x70: {  	_ =	swait.ge [sflag:s23], $0x4000  }
0x71: {  	[sflag:s23] =	ssyncset.done $0x0  }
0x72: {  	s30 =	simm.s32 $0x180;
	s29 =	simm.s32 $0x400;
	[sflag:s23] =	ssyncadd.s32 $0xFFFFC000  }
.LBB2_4:
0x73: {  	[tilespmem:s21], [sflag:$0x2] =	stream.indirect.gather [hbm4b:s3+s19], $0x80, s30, s19, $0xb8;
	[tilespmem:$0x1E800] =	vst v63  }
0x74: {  	s30 =	smov.u32 s29  }
0x75: {  	p0 =	sne.s32 s29, $0x4800;
	s29 =	sadd.s32 $0x400, s29;
	_ =	swait.ge [sflag:s22], $0x4000  }
0x76: {  	s30 =	sshra.s32 s30, $0x2;
	[sflag:s22] =	ssyncset.done $0x0  }
0x77: {  	s31 =	sadd.s32 $0x1400, s30;
	[sflag:s22] =	ssyncadd.s32 $0xFFFFC000  }
0x78: {  	[spmem:s1] =	stream.indirect.scatter.add.f32 [tilespmem:s20], [sflag:$0x3], $0x80, s31, s19, $0xb8;
	[tilespmem:$0x1E800] =	vst v63  }
0x79: {  	_ =	swait.ge [sflag:s23], $0x4000  }
0x7a: {  	[sflag:s23] =	ssyncset.done $0x0  }
0x7b: {  	s31 =	sadd.s32 $0x100, s30;
	[sflag:s23] =	ssyncadd.s32 $0xFFFFC000  }
0x7c: {  	[tilespmem:s20], [sflag:$0x1] =	stream.indirect.gather [hbm4b:s3+s19], $0x80, s31, s19, $0xb8;
	[tilespmem:$0x1E800] =	vst v63  }
0x7d: {  	_ =	swait.ge [sflag:s24], $0x4000  }
0x7e: {  	[sflag:s24] =	ssyncset.done $0x0  }
.Ltmp1:
0x7f: {  	s31 =	sadd.s32 $0x1480, s30;
	[sflag:s24] =	ssyncadd.s32 $0xFFFFC000;
	(pc) =	sbr.rel @p0 .LBB2_4-.Ltmp1, $4  }
0x80: {  	[spmem:s1] =	stream.indirect.scatter.add.f32 [tilespmem:s21], [sflag:$0x3], $0x80, s31, s19, $0xb8;
	[tilespmem:$0x1E800] =	vst v63  }
0x81: {  	_ =	swait.ge [sflag:s23], $0x4000  }
0x82: {  	[sflag:s23] =	ssyncset.done $0x0  }
0x83: {  	s30 =	sadd.s32 $0x180, s30;
	[sflag:s23] =	ssyncadd.s32 $0xFFFFC000  }
0x84: {  	[tilespmem:s21], [sflag:$0x2] =	stream.indirect.gather [hbm4b:s3+s19], $0x80, s30, s19, $0xb8;
	[tilespmem:$0x1E800] =	vst v63  }
0x85: {  	_ =	swait.ge [sflag:s22], $0x4000  }
0x86: {  	[sflag:s22] =	ssyncset.done $0x0  }
0x87: {  	[sflag:s22] =	ssyncadd.s32 $0xFFFFC000  }
0x88: {  	[spmem:s1] =	stream.indirect.scatter.add.f32 [tilespmem:s20], [sflag:$0x3], $0x80, s25, s19, $0xb8;
	[tilespmem:$0x1E800] =	vst v63  }
0x89: {  	_ =	swait.ge [sflag:s23], $0x4000  }
0x8a: {  	[sflag:s23] =	ssyncset.done $0x0  }
0x8b: {  	[sflag:s23] =	ssyncadd.s32 $0xFFFFC000  }
0x8c: {  	_ =	swait.ge [sflag:s24], $0x4000  }
0x8d: {  	[sflag:s24] =	ssyncset.done $0x0  }
0x8e: {  	[sflag:s24] =	ssyncadd.s32 $0xFFFFC000  }
0x8f: {  	[spmem:s1] =	stream.indirect.scatter.add.f32 [tilespmem:s21], [sflag:$0x3], $0x80, s26, s19, $0xb8;
	[tilespmem:$0x1E800] =	vst v63  }
0x90: {  	_ =	swait.ge [sflag:s23], $0x4000  }
0x91: {  	[sflag:s23] =	ssyncset.done $0x0  }
0x92: {  	[sflag:s23] =	ssyncadd.s32 $0xFFFFC000  }
0x93: {  	[bflag:$0x0] =	sbarrier.arrive $0xFFFF  }
0x94: {  	[hbm:s11], [sflag:s6] =	dma.local [spmem:s16], $0x2800  }
0x95: {  	_ =	swait.ge [sflag:s17], $0x2800  }
0x96: {  	[sflag:s17] =	ssyncset.done $0x0  }
0x97: {  	[sflag:s17] =	ssyncadd.s32 $0xFFFFD800  }
0x98: {  	[bflag:$0x0] =	sbarrier.arrive $0xFFFF  }
0x99: {  	[spmem:s16], [sflag:s6] =	dma.local [hbm:s5], $0x2800  }
0x9a: {  	_ =	swait.ge [sflag:s17], $0x2800  }
0x9b: {  	[sflag:s17] =	ssyncset.done $0x0  }
0x9c: {  	[sflag:s17] =	ssyncadd.s32 $0xFFFFD800  }
0x9d: {  	s29 =	simm.s32 $0x0;
	[bflag:$0x0] =	sbarrier.arrive $0xFFFF  }
0x9e: {  	[tilespmem:s29], [sflag:$0x4] =	stream.linear.gather [hbm4b:s12+s29], $0x1400, $0x38;
	[tilespmem:$0x1E800] =	vst v63  }
0x9f: {  	_ =	swait.ge [sflag:s17], $0x1400  }
0xa0: {  	[sflag:s17] =	ssyncset.done $0x0  }
0xa1: {  	[sflag:s17] =	ssyncadd.s32 $0xFFFFEC00  }
0xa2: {  	[tilespmem:s18], [sflag:$0x4] =	stream.linear.gather [hbm4b:s8+s29], $0x1400, $0x38;
	[tilespmem:$0x1E800] =	vst v63  }
0xa3: {  	_ =	swait.ge [sflag:s17], $0x1400  }
0xa4: {  	[sflag:s17] =	ssyncset.done $0x0  }
0xa5: {  	[sflag:s17] =	ssyncadd.s32 $0xFFFFEC00  }
0xa6: {  	[tilespmem:s20], [sflag:$0x1] =	stream.indirect.gather [hbm4b:s3+s19], $0x80, s29, s19, $0xb8;
	[tilespmem:$0x1E800] =	vst v63  }
0xa7: {  	_ = 	snop  }
0xa8: {  	[tilespmem:s21], [sflag:$0x2] =	stream.indirect.gather [hbm4b:s3+s19], $0x80, s19, s19, $0xb8;
	[tilespmem:$0x1E800] =	vst v63  }
0xa9: {  	_ =	swait.ge [sflag:s22], $0x4000  }
0xaa: {  	[sflag:s22] =	ssyncset.done $0x0  }
0xab: {  	s29 =	simm.s32 $0x1400;
	[sflag:s22] =	ssyncadd.s32 $0xFFFFC000  }
0xac: {  	[spmem:s1] =	stream.indirect.scatter.add.f32 [tilespmem:s20], [sflag:$0x3], $0x80, s29, s19, $0xb8;
	[tilespmem:$0x1E800] =	vst v63  }
0xad: {  	_ =	swait.ge [sflag:s23], $0x4000  }
0xae: {  	[sflag:s23] =	ssyncset.done $0x0  }
0xaf: {  	s29 =	simm.s32 $0x100;
	[sflag:s23] =	ssyncadd.s32 $0xFFFFC000  }
0xb0: {  	[tilespmem:s20], [sflag:$0x1] =	stream.indirect.gather [hbm4b:s3+s19], $0x80, s29, s19, $0xb8;
	[tilespmem:$0x1E800] =	vst v63  }
0xb1: {  	_ =	swait.ge [sflag:s24], $0x4000  }
0xb2: {  	[sflag:s24] =	ssyncset.done $0x0  }
0xb3: {  	s29 =	simm.s32 $0x1480;
	[sflag:s24] =	ssyncadd.s32 $0xFFFFC000  }
0xb4: {  	[spmem:s1] =	stream.indirect.scatter.add.f32 [tilespmem:s21], [sflag:$0x3], $0x80, s29, s19, $0xb8;
	[tilespmem:$0x1E800] =	vst v63  }
0xb5: {  	_ =	swait.ge [sflag:s23], $0x4000  }
0xb6: {  	[sflag:s23] =	ssyncset.done $0x0  }
0xb7: {  	s30 =	simm.s32 $0x180;
	s29 =	simm.s32 $0x400;
	[sflag:s23] =	ssyncadd.s32 $0xFFFFC000  }
.LBB2_6:
0xb8: {  	[tilespmem:s21], [sflag:$0x2] =	stream.indirect.gather [hbm4b:s3+s19], $0x80, s30, s19, $0xb8;
	[tilespmem:$0x1E800] =	vst v63  }
0xb9: {  	s30 =	smov.u32 s29  }
0xba: {  	p0 =	sne.s32 s29, $0x4800;
	s29 =	sadd.s32 $0x400, s29;
	_ =	swait.ge [sflag:s22], $0x4000  }
0xbb: {  	s30 =	sshra.s32 s30, $0x2;
	[sflag:s22] =	ssyncset.done $0x0  }
0xbc: {  	s31 =	sadd.s32 $0x1400, s30;
	[sflag:s22] =	ssyncadd.s32 $0xFFFFC000  }
0xbd: {  	[spmem:s1] =	stream.indirect.scatter.add.f32 [tilespmem:s20], [sflag:$0x3], $0x80, s31, s19, $0xb8;
	[tilespmem:$0x1E800] =	vst v63  }
0xbe: {  	_ =	swait.ge [sflag:s23], $0x4000  }
0xbf: {  	[sflag:s23] =	ssyncset.done $0x0  }
0xc0: {  	s31 =	sadd.s32 $0x100, s30;
	[sflag:s23] =	ssyncadd.s32 $0xFFFFC000  }
0xc1: {  	[tilespmem:s20], [sflag:$0x1] =	stream.indirect.gather [hbm4b:s3+s19], $0x80, s31, s19, $0xb8;
	[tilespmem:$0x1E800] =	vst v63  }
0xc2: {  	_ =	swait.ge [sflag:s24], $0x4000  }
0xc3: {  	[sflag:s24] =	ssyncset.done $0x0  }
.Ltmp2:
0xc4: {  	s31 =	sadd.s32 $0x1480, s30;
	[sflag:s24] =	ssyncadd.s32 $0xFFFFC000;
	(pc) =	sbr.rel @p0 .LBB2_6-.Ltmp2, $4  }
0xc5: {  	[spmem:s1] =	stream.indirect.scatter.add.f32 [tilespmem:s21], [sflag:$0x3], $0x80, s31, s19, $0xb8;
	[tilespmem:$0x1E800] =	vst v63  }
0xc6: {  	_ =	swait.ge [sflag:s23], $0x4000  }
0xc7: {  	[sflag:s23] =	ssyncset.done $0x0  }
0xc8: {  	s30 =	sadd.s32 $0x180, s30;
	[sflag:s23] =	ssyncadd.s32 $0xFFFFC000  }
0xc9: {  	[tilespmem:s21], [sflag:$0x2] =	stream.indirect.gather [hbm4b:s3+s19], $0x80, s30, s19, $0xb8;
	[tilespmem:$0x1E800] =	vst v63  }
0xca: {  	_ =	swait.ge [sflag:s22], $0x4000  }
0xcb: {  	[sflag:s22] =	ssyncset.done $0x0  }
0xcc: {  	[sflag:s22] =	ssyncadd.s32 $0xFFFFC000  }
0xcd: {  	[spmem:s1] =	stream.indirect.scatter.add.f32 [tilespmem:s20], [sflag:$0x3], $0x80, s25, s19, $0xb8;
	[tilespmem:$0x1E800] =	vst v63  }
0xce: {  	_ =	swait.ge [sflag:s23], $0x4000  }
0xcf: {  	[sflag:s23] =	ssyncset.done $0x0  }
0xd0: {  	[sflag:s23] =	ssyncadd.s32 $0xFFFFC000  }
0xd1: {  	_ =	swait.ge [sflag:s24], $0x4000  }
0xd2: {  	[sflag:s24] =	ssyncset.done $0x0  }
0xd3: {  	[sflag:s24] =	ssyncadd.s32 $0xFFFFC000  }
0xd4: {  	[spmem:s1] =	stream.indirect.scatter.add.f32 [tilespmem:s21], [sflag:$0x3], $0x80, s26, s19, $0xb8;
	[tilespmem:$0x1E800] =	vst v63  }
0xd5: {  	_ =	swait.ge [sflag:s23], $0x4000  }
0xd6: {  	[sflag:s23] =	ssyncset.done $0x0  }
0xd7: {  	s29 =	simm.s32 $0x0;
	[sflag:s23] =	ssyncadd.s32 $0xFFFFC000  }
0xd8: {  	[tilespmem:s29], [sflag:$0x4] =	stream.linear.gather [hbm4b:s13+s29], $0x1400, $0x38;
	[tilespmem:$0x1E800] =	vst v63  }
0xd9: {  	_ =	swait.ge [sflag:s17], $0x1400  }
0xda: {  	[sflag:s17] =	ssyncset.done $0x0  }
0xdb: {  	[sflag:s17] =	ssyncadd.s32 $0xFFFFEC00  }
0xdc: {  	[tilespmem:s18], [sflag:$0x4] =	stream.linear.gather [hbm4b:s10+s29], $0x1400, $0x38;
	[tilespmem:$0x1E800] =	vst v63  }
0xdd: {  	_ =	swait.ge [sflag:s17], $0x1400  }
0xde: {  	[sflag:s17] =	ssyncset.done $0x0  }
0xdf: {  	[sflag:s17] =	ssyncadd.s32 $0xFFFFEC00  }
0xe0: {  	[tilespmem:s20], [sflag:$0x1] =	stream.indirect.gather [hbm4b:s3+s19], $0x80, s29, s19, $0xb8;
	[tilespmem:$0x1E800] =	vst v63  }
0xe1: {  	_ = 	snop  }
0xe2: {  	[tilespmem:s21], [sflag:$0x2] =	stream.indirect.gather [hbm4b:s3+s19], $0x80, s19, s19, $0xb8;
	[tilespmem:$0x1E800] =	vst v63  }
0xe3: {  	_ =	swait.ge [sflag:s22], $0x4000  }
0xe4: {  	[sflag:s22] =	ssyncset.done $0x0  }
0xe5: {  	s29 =	simm.s32 $0x1400;
	[sflag:s22] =	ssyncadd.s32 $0xFFFFC000  }
0xe6: {  	[spmem:s1] =	stream.indirect.scatter.add.f32 [tilespmem:s20], [sflag:$0x3], $0x80, s29, s19, $0xb8;
	[tilespmem:$0x1E800] =	vst v63  }
0xe7: {  	_ =	swait.ge [sflag:s23], $0x4000  }
0xe8: {  	[sflag:s23] =	ssyncset.done $0x0  }
0xe9: {  	s29 =	simm.s32 $0x100;
	[sflag:s23] =	ssyncadd.s32 $0xFFFFC000  }
0xea: {  	[tilespmem:s20], [sflag:$0x1] =	stream.indirect.gather [hbm4b:s3+s19], $0x80, s29, s19, $0xb8;
	[tilespmem:$0x1E800] =	vst v63  }
0xeb: {  	_ =	swait.ge [sflag:s24], $0x4000  }
0xec: {  	[sflag:s24] =	ssyncset.done $0x0  }
0xed: {  	s29 =	simm.s32 $0x1480;
	[sflag:s24] =	ssyncadd.s32 $0xFFFFC000  }
0xee: {  	[spmem:s1] =	stream.indirect.scatter.add.f32 [tilespmem:s21], [sflag:$0x3], $0x80, s29, s19, $0xb8;
	[tilespmem:$0x1E800] =	vst v63  }
0xef: {  	_ =	swait.ge [sflag:s23], $0x4000  }
0xf0: {  	[sflag:s23] =	ssyncset.done $0x0  }
0xf1: {  	s30 =	simm.s32 $0x180;
	s29 =	simm.s32 $0x400;
	[sflag:s23] =	ssyncadd.s32 $0xFFFFC000  }
.LBB2_8:
0xf2: {  	[tilespmem:s21], [sflag:$0x2] =	stream.indirect.gather [hbm4b:s3+s19], $0x80, s30, s19, $0xb8;
	[tilespmem:$0x1E800] =	vst v63  }
0xf3: {  	s30 =	smov.u32 s29  }
0xf4: {  	p0 =	sne.s32 s29, $0x4800;
	s29 =	sadd.s32 $0x400, s29;
	_ =	swait.ge [sflag:s22], $0x4000  }
0xf5: {  	s30 =	sshra.s32 s30, $0x2;
	[sflag:s22] =	ssyncset.done $0x0  }
0xf6: {  	s31 =	sadd.s32 $0x1400, s30;
	[sflag:s22] =	ssyncadd.s32 $0xFFFFC000  }
0xf7: {  	[spmem:s1] =	stream.indirect.scatter.add.f32 [tilespmem:s20], [sflag:$0x3], $0x80, s31, s19, $0xb8;
	[tilespmem:$0x1E800] =	vst v63  }
0xf8: {  	_ =	swait.ge [sflag:s23], $0x4000  }
0xf9: {  	[sflag:s23] =	ssyncset.done $0x0  }
0xfa: {  	s31 =	sadd.s32 $0x100, s30;
	[sflag:s23] =	ssyncadd.s32 $0xFFFFC000  }
0xfb: {  	[tilespmem:s20], [sflag:$0x1] =	stream.indirect.gather [hbm4b:s3+s19], $0x80, s31, s19, $0xb8;
	[tilespmem:$0x1E800] =	vst v63  }
0xfc: {  	_ =	swait.ge [sflag:s24], $0x4000  }
0xfd: {  	[sflag:s24] =	ssyncset.done $0x0  }
.Ltmp3:
0xfe: {  	s31 =	sadd.s32 $0x1480, s30;
	[sflag:s24] =	ssyncadd.s32 $0xFFFFC000;
	(pc) =	sbr.rel @p0 .LBB2_8-.Ltmp3, $4  }
0xff: {  	[spmem:s1] =	stream.indirect.scatter.add.f32 [tilespmem:s21], [sflag:$0x3], $0x80, s31, s19, $0xb8;
	[tilespmem:$0x1E800] =	vst v63  }
0x100: {  	_ =	swait.ge [sflag:s23], $0x4000  }
0x101: {  	[sflag:s23] =	ssyncset.done $0x0  }
0x102: {  	s30 =	sadd.s32 $0x180, s30;
	[sflag:s23] =	ssyncadd.s32 $0xFFFFC000  }
0x103: {  	[tilespmem:s21], [sflag:$0x2] =	stream.indirect.gather [hbm4b:s3+s19], $0x80, s30, s19, $0xb8;
	[tilespmem:$0x1E800] =	vst v63  }
0x104: {  	_ =	swait.ge [sflag:s22], $0x4000  }
0x105: {  	[sflag:s22] =	ssyncset.done $0x0  }
0x106: {  	[sflag:s22] =	ssyncadd.s32 $0xFFFFC000  }
0x107: {  	[spmem:s1] =	stream.indirect.scatter.add.f32 [tilespmem:s20], [sflag:$0x3], $0x80, s25, s19, $0xb8;
	[tilespmem:$0x1E800] =	vst v63  }
0x108: {  	_ =	swait.ge [sflag:s23], $0x4000  }
0x109: {  	[sflag:s23] =	ssyncset.done $0x0  }
0x10a: {  	[sflag:s23] =	ssyncadd.s32 $0xFFFFC000  }
0x10b: {  	_ =	swait.ge [sflag:s24], $0x4000  }
0x10c: {  	[sflag:s24] =	ssyncset.done $0x0  }
0x10d: {  	[sflag:s24] =	ssyncadd.s32 $0xFFFFC000  }
0x10e: {  	[spmem:s1] =	stream.indirect.scatter.add.f32 [tilespmem:s21], [sflag:$0x3], $0x80, s26, s19, $0xb8;
	[tilespmem:$0x1E800] =	vst v63  }
0x10f: {  	_ =	swait.ge [sflag:s23], $0x4000  }
0x110: {  	[sflag:s23] =	ssyncset.done $0x0  }
0x111: {  	s28 =	sadd.s32 $0x1, s28;
	[sflag:s23] =	ssyncadd.s32 $0xFFFFC000  }
0x112: {  	p0 =	sne.s32 s28, s15;
	[bflag:$0x0] =	sbarrier.arrive $0xFFFF  }
0x113: {  	[hbm:s14], [sflag:s6] =	dma.local [spmem:s16], $0x2800  }
.Ltmp4:
0x114: {  	_ =	swait.ge [sflag:s17], $0x2800;
	(pc) =	sbr.rel @p0 .LBB2_1-.Ltmp4, $3  }
0x115: {  	[sflag:s17] =	ssyncset.done $0x0  }
0x116: {  	[sflag:s17] =	ssyncadd.s32 $0xFFFFD800  }
0x117: {  	[bflag:$0x0] =	sbarrier.arrive $0xFFFF;
	_ =	sdelay $0x1  }
0x118: {  	_ =	sfence.sel $0x180000  }
0x119: {  	[bflag:$0x0] =	sbarrier.arrive $0xFFFF  }
0x11a: {  	p0 =	sne.s32 s4, $0x0;
	_ =	strace $0x9000004A  }
0x11b: {  	s0 =	sadd.s32 @!p0 $0x100000, s0;
	[bflag:$0x2] =	sbarrier.arrive $0xFFFF  }
0x11c: {  	[sflag:s0] =	ssyncadd.tile.s32 @!p0 $0x1;
	_ =	shalt  }
.Lfunc_end2:
_tile_overlayer_lowered:
.L_overlay_start_2:
0x11d: {  	(tag) =	ssettag $0x2  }
0x11e: {  	s0 =	rddreg [dreg:$0x0];
	s2 =	stileid.u32  }
0x11f: {  	s1 =	rddreg [dreg:$0x1];
	p0 =	sne.s32 s2, $0x0  }
0x120: {  	s3 =	rddreg [dreg:$0x2];
	[bflag:$0x3] =	sbarrier.arrive $0xFFFF;
	s2 =	simm.s32 @!p0 $0x1C04  }
0x121: {  	[timem:s3], [sflag:s2] =	dma.local @!p0 [hbm:s0], s1  }
0x122: {  	s0 =	simm.s32 @!p0 $0x4  }
0x123: {  	_ =	swait.ge @!p0 [sflag:s0], s1  }
0x124: {  	s1 =	ssub.s32 @!p0 $0x0, s1;
	[sflag:s0] =	ssyncset.done @!p0 $0x0  }
0x125: {  	[sflag:s0] =	ssyncadd.s32 @!p0 s1  }
0x126: {  	[bflag:$0x3] =	sbarrier.arrive $0xFFFF  }
0x127: {  	_ =	shalt  }

// kernel: kernel.14.cloned.1.call-start
scs
__scs_entry_jumppad:
0x0: {  	(pc) =	sbr.rel $0x88, $3  }
0x1: {  	(tag) =	ssettag $0x0;
	lr =	simm.s32 $0x1  }
0x2: {  	[smem:$0x3F9B] =	sst lr;
	_ =	strace $0xD0000000  }
0x3: {  	_ = 	snop  }
0x4: {  	_ = 	snop  }
0x5: {  	_ = 	snop  }
0x6: {  	_ = 	snop  }
0x7: {  	_ = 	snop  }
__scs_overlays_trampoline_lowered:
0x8: {  	[smem:$0x3FAA] =	sst s0  }
0x9: {  	[smem:$0x3FAB] =	sst s1  }
0xa: {  	[smem:$0x3FAC] =	sst s2  }
0xb: {  	[smem:$0x3FAD] =	sst s3  }
0xc: {  	[smem:$0x3FAE] =	sst s4  }
0xd: {  	[smem:$0x3FAF] =	sst s5  }
0xe: {  	[smem:$0x3FB0] =	sst s6  }
0xf: {  	[smem:$0x3FB1] =	sst s7  }
0x10: {  	[smem:$0x3FB2] =	sst s8  }
0x11: {  	[smem:$0x3FB3] =	sst s9;
	s0 =	simm.s32 @!p0 $0x0  }
0x12: {  	s1 =	sld [smem:$0x3F99];
	s0 =	simm.s32 @p0 $0x1  }
0x13: {  	[smem:$0x3FB4] =	sst s0;
	s0 =	simm.s32 @!p1 $0x0  }
0x14: {  	s2 =	sld [smem:$0x3F98];
	s0 =	simm.s32 @p1 $0x1  }
0x15: {  	[smem:$0x3FB5] =	sst s0;
	s0 =	simm.s32 @!p2 $0x0  }
0x16: {  	s3 =	sld [smem:$0x3FDB];
	s0 =	simm.s32 @p2 $0x1  }
0x17: {  	s4 =	simm.s32 $0x1BF5;
	[smem:$0x3FB7] =	sst s0  }
0x18: {  	s0 =	sld [smem:$0x3F9A];
	_ =	swait.ge [sflag:s4], $0x0  }
0x19: {  	s7 =	sld [smem:$0x3F9B]  }
0x1a: {  	s8 =	sadd.s32 $0xFFFFE003, lr  }
0x1b: {  	s9 =	sadd.s32 $0xFFFFFEF7, lr;
	s5 =	simm.s32 $0xFFFFFFFF;
	p2 =	slt.u32 s8, $0xFFFFF086  }
0x1c: {  	p1 =	slt.u32 s9, $0xF7A;
	s5 =	simm.s32 @!p2 $0x0  }
0x1d: {  	s5 =	simm.s32 @p1 $0x1;
	p0 =	seq.s32 s7, s2  }
0x1e: {  	s7 =	smul.u32 @!p0 $0xF7A, s2;
	p2 =	seq.s32 @!p0 s5, $0x0  }
0x1f: {  	s9 =	smul.u32 $0xF7A, s1;
	s8 =	simm.s32 @!p0 $0x1BF5;
	p2 =	por !p2, p0  }
0x20: {  	[sflag:s8] =	ssyncset.s32 @!p0 $0xFFFFF086;
	s6 =	sadd.s32 @!p0 s3, s7;
	s7 =	simm.s32 @!p0 $0x108  }
0x21: {  	s3 =	sadd.s32 s3, s9;
	s6 =	sadd.s32 @!p0 $0x88, s6;
	s7 =	simm.s32 @p2 $0x1082  }
0x22: {  	[simem:s7], [sflag:s8] =	dma.local @!p0 [hbm:s6], $0xF7A  }
0x23: {  	s9 =	sor.u32 $0xD0000000, s2;
	s6 =	simm.s32 $0x108;
	_ =	swait.ge @!p0 [sflag:s8], $0x0  }
0x24: {  	s3 =	sadd.s32 $0x88, s3;
	s6 =	simm.s32 @!p1 $0x1082;
	[sflag:s4] =	ssyncset.s32 $0xFFFFF086  }
0x25: {  	[simem:s6], [sflag:s4] =	dma.local [hbm:s3], $0xF7A  }
0x26: {  	[smem:$0x3F9B] =	sst s1;
	(tag) =	ssettag s2;
	_ =	strace s9  }
0x27: {  	s1 =	sld [smem:$0x3FAB]  }
0x28: {  	s2 =	sld [smem:$0x3FAC]  }
0x29: {  	s4 =	sld [smem:$0x3FAE]  }
0x2a: {  	p0 =	seq.s32 s5, $0x0;
	s5 =	sld [smem:$0x3FAF]  }
0x2b: {  	s6 =	sld [smem:$0x3FB0]  }
0x2c: {  	s7 =	sld [smem:$0x3FB1]  }
0x2d: {  	s3 =	simm.s32 $0x108;
	s8 =	sld [smem:$0x3FB2]  }
0x2e: {  	s3 =	simm.s32 @!p0 $0x1082;
	s9 =	sld [smem:$0x3FB3]  }
0x2f: {  	lr =	sadd.s32 s0, s3;
	s0 =	sld [smem:$0x3FAA]  }
0x30: {  	s3 =	sld [smem:$0x3FAD]  }
0x31: {  	[smem:$0x3FB6] =	sst s10  }
0x32: {  	s10 =	sld [smem:$0x3FB4];
	_ =	sdelay $0x3  }
0x33: {  	p0 =	seq.s32 s10, $0x1;
	s10 =	sld [smem:$0x3FB6];
	_ =	sdelay $0x3  }
0x34: {  	[smem:$0x3FB6] =	sst s10  }
0x35: {  	s10 =	sld [smem:$0x3FB5];
	_ =	sdelay $0x3  }
0x36: {  	p1 =	seq.s32 s10, $0x1;
	s10 =	sld [smem:$0x3FB6];
	_ =	sdelay $0x3  }
0x37: {  	[smem:$0x3FB6] =	sst s10  }
0x38: {  	s10 =	sld [smem:$0x3FB7]  }
0x39: {  	_ = 	snop;
	(pc) =	sbr.ind lr, $3  }
0x3a: {  	_ = 	snop  }
0x3b: {  	_ = 	snop  }
0x3c: {  	p2 =	seq.s32 s10, $0x1;
	s10 =	sld [smem:$0x3FB6]  }
0x3d: {  	_ =	shalt  }
0x3e: {  	_ =	shalt  }
0x3f: {  	_ =	shalt  }
0x40: {  	_ =	shalt  }
0x41: {  	_ =	shalt  }
0x42: {  	_ =	shalt  }
0x43: {  	_ =	shalt  }
0x44: {  	_ =	shalt  }
0x45: {  	_ =	shalt  }
0x46: {  	_ =	shalt  }
0x47: {  	_ =	shalt  }
0x48: {  	_ =	shalt  }
0x49: {  	_ =	shalt  }
0x4a: {  	_ =	shalt  }
0x4b: {  	_ =	shalt  }
0x4c: {  	_ =	shalt  }
0x4d: {  	_ =	shalt  }
0x4e: {  	_ =	shalt  }
0x4f: {  	_ =	shalt  }
0x50: {  	_ =	shalt  }
0x51: {  	_ =	shalt  }
0x52: {  	_ =	shalt  }
0x53: {  	_ =	shalt  }
0x54: {  	_ =	shalt  }
0x55: {  	_ =	shalt  }
0x56: {  	_ =	shalt  }
0x57: {  	_ =	shalt  }
0x58: {  	_ =	shalt  }
0x59: {  	_ =	shalt  }
0x5a: {  	_ =	shalt  }
0x5b: {  	_ =	shalt  }
0x5c: {  	_ =	shalt  }
0x5d: {  	_ =	shalt  }
0x5e: {  	_ =	shalt  }
0x5f: {  	_ =	shalt  }
0x60: {  	_ =	shalt  }
0x61: {  	_ =	shalt  }
0x62: {  	_ =	shalt  }
0x63: {  	_ =	shalt  }
0x64: {  	_ =	shalt  }
0x65: {  	_ =	shalt  }
0x66: {  	_ =	shalt  }
0x67: {  	_ =	shalt  }
0x68: {  	_ =	shalt  }
0x69: {  	_ =	shalt  }
0x6a: {  	_ =	shalt  }
0x6b: {  	_ =	shalt  }
0x6c: {  	_ =	shalt  }
0x6d: {  	_ =	shalt  }
0x6e: {  	_ =	shalt  }
0x6f: {  	_ =	shalt  }
0x70: {  	_ =	shalt  }
0x71: {  	_ =	shalt  }
0x72: {  	_ =	shalt  }
0x73: {  	_ =	shalt  }
0x74: {  	_ =	shalt  }
0x75: {  	_ =	shalt  }
0x76: {  	_ =	shalt  }
0x77: {  	_ =	shalt  }
0x78: {  	_ =	shalt  }
0x79: {  	_ =	shalt  }
0x7a: {  	_ =	shalt  }
0x7b: {  	_ =	shalt  }
0x7c: {  	_ =	shalt  }
0x7d: {  	_ =	shalt  }
0x7e: {  	_ =	shalt  }
0x7f: {  	_ =	shalt  }
0x80: {  	_ =	shalt  }
0x81: {  	_ =	shalt  }
0x82: {  	_ =	shalt  }
0x83: {  	_ =	shalt  }
0x84: {  	_ =	shalt  }
0x85: {  	_ =	shalt  }
0x86: {  	_ =	shalt  }
0x87: {  	_ =	shalt  }
.Lfunc_end0:
.L_simem_size_0:
called_computation.2_lowered:
.L_overlay_start_0:
0x88: {  	s2 =	sld [smem:$0x3FD9]  }
0x89: {  	s3 =	sld [smem:$0x3FFE];
	_ =	sdelay $0x1  }
0x8a: {  	s1 =	srdreg.scid  }
0x8b: {  	s0 =	sand.u32 $0x1, s1  }
0x8c: {  	s17 =	sshll.u32 s0, $0xA;
	s2 =	sadd.s32 s3, s2  }
0x8d: {  	s2 =	sadd.s32 s2, s17  }
0x8e: {  	[smem:$0x3FC2] =	sst s2  }
0x8f: {  	_ = 	snop  }
0x90: {  	s2 =	sld [smem:$0x3FD0];
	(tm) =	ssettm $0x1  }
0x91: {  	s18 =	sld [smem:$0x3FFB];
	_ =	sdelay $0x3  }
0x92: {  	_ =	strace s18  }
0x93: {  	s3 =	sld [smem:$0x3FFC];
	_ =	sdelay $0x3  }
0x94: {  	_ =	strace s3  }
0x95: {  	s3 =	sld [smem:$0x3FFD];
	_ =	sdelay $0x3  }
0x96: {  	_ =	strace s3  }
0x97: {  	_ =	strace $0x8FFFFFFF  }
0x98: {  	s19 =	sld [smem:$0x3FDB];
	_ =	sdelay $0x1  }
0x99: {  	s4 =	simm.s32 $_scs_section_size  }
0x9a: {  	s5 =	simm.s32 $_size__tile_overlayer_lowered;
	s6 =	simm.s32 $_tile_overlayer_lowered  }
0x9b: {  	s22 =	simm.s32 $0x1BFF;
	s21 =	sshll.u32 s6, $0x1;
	s3 =	sadd.s32 s4, s19  }
0x9c: {  	s7 =	simm.s32 $0x0;
	s20 =	sshll.u32 s5, $0x1;
	s5 =	sadd.s32 s21, s3  }
0x9d: {  	[timem:s7], [sflag:s22] =	dma.local [hbm:s5], s20  }
0x9e: {  	_ =	swait.ge [sflag:s22], s20  }
0x9f: {  	s4 =	ssub.s32 $0x0, s20;
	[sflag:s22] =	ssyncset.done $0x0  }
0xa0: {  	[sflag:s22] =	ssyncadd.s32 s4;
	_ =	sdelay $0x1  }
0xa1: {  	s23 =	simm.s32 $0x1B8B  }
0xa2: {  	_ =	swait.ge [sflag:s23], $0x1  }
0xa3: {  	[sflag:s23] =	ssyncset.done $0x0  }
0xa4: {  	s25 =	simm.s32 $0x1B8E;
	s24 =	sld [smem:$0x3FFE];
	[sflag:s23] =	ssyncadd.s32 $0xFFFFFFFF  }
0xa5: {  	s26 =	simm.s32 $execute0_lowered;
	[smem:$0x3FD2] =	sst s25  }
0xa6: {  	s5 =	sshll.u32 s26, $0x1;
	_ =	strace $0x8000004C;
	[dreg:$0x1] =	wrdreg $0xFFFFFFFF  }
0xa7: {  	s28 =	simm.s32 $_size_execute0_lowered;
	s3 =	sadd.s32 s3, s5;
	[dreg:$0x0] =	wrdreg $0x0  }
0xa8: {  	s5 =	sshll.u32 s28, $0x1;
	[dreg:$0x2] =	wrdreg s3  }
0xa9: {  	[dreg:$0x3] =	wrdreg s5  }
0xaa: {  	[dreg:$0x4] =	wrdreg $0xC0  }
0xab: {  	_ =	task [dreg:s7], $0x5FFFF  }
0xac: {  	[dreg:$0x1] =	wrdreg $0xFFFFFFFF  }
0xad: {  	[dreg:$0x0] =	wrdreg $0x60  }
0xae: {  	[dreg:$0x2] =	wrdreg s24  }
0xaf: {  	[dreg:$0x3] =	wrdreg s2  }
0xb0: {  	[dreg:$0x4] =	wrdreg $0xA8000  }
0xb1: {  	[dreg:$0x5] =	wrdreg $0x9  }
0xb2: {  	_ =	task.clear_ibuf [dreg:s7], $0x6FFFF;
	_ =	strace $0x9000004C  }
0xb3: {  	s29 =	simm.s32 $0x9;
	_ =	strace $0x8000004E  }
0xb4: {  	_ =	swait.ge [sflag:s29], $0x1  }
0xb5: {  	[sflag:s29] =	ssyncadd.s32 $0xFFFFFFFF  }
0xb6: {  	_ =	strace $0x9000004E  }
0xb7: {  	_ =	sfence  }
0xb8: {  	s30 =	sld [smem:$0x0];
	_ =	sdelay $0x2  }
0xb9: {  	s31 =	sshll.u32 s1, $0xD;
	s1 =	sshrl.u32 s1, $0x2  }
0xba: {  	s3 =	sand.u32 $0x4000, s31;
	s1 =	sadd.s32 s1, s30  }
0xbb: {  	s0 =	sor.u32 s3, s0;
	s1 =	sshll.u32 s1, $0x11  }
0xbc: {  	s0 =	sor.u32 s1, s0  }
0xbd: {  	s0 =	sadd.s32 $0x8F2B, s0  }
0xbe: {  	[sflag:s0] =	ssyncadd.remote.s32 $0x1  }
0xbf: {  	_ =	sfence.sel $0xFFFF  }
0xc0: {  	[dreg:$0x0] =	wrdreg $0xFFFFFFFF;
	(pc) =	sbr.abs _section_cstart, $3  }
0xc1: {  	[dreg:$0x1] =	wrdreg $0xFFFFFFFF  }
0xc2: {  	_ =	task.clear_ibuf [dreg:s7], $0x2FFFF;
	_ =	strace $0x9FFFFFFF  }
0xc3: {  	(tm) =	ssettm $0x7FFFFFFF  }
tec
execute0_lowered:
.L_overlay_start_1:
0x0: {  	(tag) =	ssettag $0x1  }
0x1: {  	s5 =	rddreg [dreg:$0x0]  }
0x2: {  	s6 =	rddreg [dreg:$0x1]  }
0x3: {  	s1 =	rddreg [dreg:$0x2]  }
0x4: {  	s2 =	srdreg.scid;
	s0 =	rddreg [dreg:$0x3];
	s3 =	simm.s32 $0x0  }
0x5: {  	s17 =	simm.s32 $0x2800;
	s18 =	simm.s32 $0x6800;
	s19 =	simm.s32 $0x1  }
0x6: {  	s20 =	simm.s32 $0x3;
	s21 =	simm.s32 $0x2;
	s22 =	simm.s32 $0x2700  }
0x7: {  	s23 =	simm.s32 $0x2780;
	s7 =	sand.u32 $0x1, s2;
	s2 =	stileid.u32  }
0x8: {  	[smem:$0x7FF] =	sst s3;
	s4 =	sadd.s32 $0x47E00, s5;
	s8 =	smul.u32 $0x28000, s7  }
0x9: {  	s10 =	sadd.s32 $0x227E00, s5;
	s11 =	sadd.s32 $0x6E00, s5;
	s9 =	smul.u32 $0x2800, s2  }
0xa: {  	_ =	strace $0x8000004D;
	s24 =	smul.u32 $0x50000, s2;
	s25 =	ssub.s32 $0x2, s7  }
0xb: {  	s7 =	sshll.u32 s7, $0x5;
	s13 =	sshll.u32 s2, $0x1;
	s30 =	sshll.u32 s2, $0x6  }
0xc: {  	s15 =	smul.u32 $0x500, s2;
	s14 =	sshrl.u32 s25, $0x1;
	s7 =	sor.u32 s13, s7  }
0xd: {  	s8 =	sadd.s32 s9, s8;
	s26 =	ssub.s32 s25, s14;
	s29 =	smul.u32 $0x1400, s7  }
0xe: {  	s7 =	smul.u32 $0x280, s7;
	s16 =	sshrl.u32 s9, $0x3;
	s14 =	simm.s32 $0x4  }
0xf: {  	s12 =	sadd.s32 s8, s5;
	s5 =	sshrl.u32 s24, $0x2;
	s31 =	sadd.s32 s11, s16  }
0x10: {  	s16 =	simm.s32 $0x80;
	s24 =	simm.s32 $0x0;
	s28 =	sadd.s32 s5, s1  }
0x11: {  	s5 =	sadd.s32 s6, s9;
	s6 =	sor.u32 $0x1C04, s30;
	s8 =	sshrl.u32 s29, $0x3  }
0x12: {  	s7 =	sadd.s32 s10, s7;
	s10 =	sadd.s32 s10, s8;
	s8 =	sadd.s32 s11, s15  }
0x13: {  	s11 =	sadd.s32 $0x97E00, s12;
	s12 =	smax.u32 s26, $0x1;
	s13 =	sshrl.u32 s28, $0x3  }
0x14: {  	s15 =	simm.s32 $0x1400;
	s9 =	sadd.s32 $0x280, s10;
	s10 =	sadd.s32 $0x280, s31  }
.LBB2_1:
0x15: {  	[spmem:s13], [sflag:s6] =	dma.local [hbm:s5], $0x2800  }
0x16: {  	_ =	swait.ge [sflag:s14], $0x2800  }
0x17: {  	[sflag:s14] =	ssyncset.done $0x0  }
0x18: {  	[sflag:s14] =	ssyncadd.s32 $0xFFFFD800  }
0x19: {  	[bflag:$0x0] =	sbarrier.arrive $0xFFFF  }
0x1a: {  	[tilespmem:s3], [sflag:$0x4] =	stream.linear.gather [hbm4b:s7+s3], $0x1400, $0x38;
	[tilespmem:$0x1E800] =	vst v63  }
0x1b: {  	_ =	swait.ge [sflag:s14], $0x1400  }
0x1c: {  	[sflag:s14] =	ssyncset.done $0x0  }
0x1d: {  	[sflag:s14] =	ssyncadd.s32 $0xFFFFEC00  }
0x1e: {  	[tilespmem:s15], [sflag:$0x4] =	stream.linear.gather [hbm4b:s8+s3], $0x1400, $0x38;
	[tilespmem:$0x1E800] =	vst v63  }
0x1f: {  	_ =	swait.ge [sflag:s14], $0x1400  }
0x20: {  	[sflag:s14] =	ssyncset.done $0x0  }
0x21: {  	[sflag:s14] =	ssyncadd.s32 $0xFFFFEC00  }
0x22: {  	[tilespmem:s17], [sflag:$0x1] =	stream.indirect.gather [hbm4b:s4+s16], $0x80, s3, s16, $0xb8;
	[tilespmem:$0x1E800] =	vst v63  }
0x23: {  	_ = 	snop  }
0x24: {  	[tilespmem:s18], [sflag:$0x2] =	stream.indirect.gather [hbm4b:s4+s16], $0x80, s16, s16, $0xb8;
	[tilespmem:$0x1E800] =	vst v63  }
0x25: {  	_ =	swait.ge [sflag:s19], $0x4000  }
0x26: {  	[sflag:s19] =	ssyncset.done $0x0  }
0x27: {  	s25 =	simm.s32 $0x1400;
	[sflag:s19] =	ssyncadd.s32 $0xFFFFC000  }
0x28: {  	[spmem:s1] =	stream.indirect.scatter.add.f32 [tilespmem:s17], [sflag:$0x3], $0x80, s25, s16, $0xb8;
	[tilespmem:$0x1E800] =	vst v63  }
0x29: {  	_ =	swait.ge [sflag:s20], $0x4000  }
0x2a: {  	[sflag:s20] =	ssyncset.done $0x0  }
0x2b: {  	s30 =	simm.s32 $0x100;
	[sflag:s20] =	ssyncadd.s32 $0xFFFFC000  }
0x2c: {  	[tilespmem:s17], [sflag:$0x1] =	stream.indirect.gather [hbm4b:s4+s16], $0x80, s30, s16, $0xb8;
	[tilespmem:$0x1E800] =	vst v63  }
0x2d: {  	_ =	swait.ge [sflag:s21], $0x4000  }
0x2e: {  	[sflag:s21] =	ssyncset.done $0x0  }
0x2f: {  	s31 =	simm.s32 $0x1480;
	[sflag:s21] =	ssyncadd.s32 $0xFFFFC000  }
0x30: {  	[spmem:s1] =	stream.indirect.scatter.add.f32 [tilespmem:s18], [sflag:$0x3], $0x80, s31, s16, $0xb8;
	[tilespmem:$0x1E800] =	vst v63  }
0x31: {  	_ =	swait.ge [sflag:s20], $0x4000  }
0x32: {  	[sflag:s20] =	ssyncset.done $0x0  }
0x33: {  	s26 =	simm.s32 $0x180;
	s25 =	simm.s32 $0x400;
	[sflag:s20] =	ssyncadd.s32 $0xFFFFC000  }
.LBB2_2:
0x34: {  	[tilespmem:s18], [sflag:$0x2] =	stream.indirect.gather [hbm4b:s4+s16], $0x80, s26, s16, $0xb8;
	[tilespmem:$0x1E800] =	vst v63  }
0x35: {  	s26 =	smov.u32 s25  }
0x36: {  	p0 =	sne.s32 s25, $0x4800;
	s25 =	sadd.s32 $0x400, s25;
	_ =	swait.ge [sflag:s19], $0x4000  }
0x37: {  	s26 =	sshra.s32 s26, $0x2;
	[sflag:s19] =	ssyncset.done $0x0  }
0x38: {  	s28 =	sadd.s32 $0x1400, s26;
	[sflag:s19] =	ssyncadd.s32 $0xFFFFC000  }
0x39: {  	[spmem:s1] =	stream.indirect.scatter.add.f32 [tilespmem:s17], [sflag:$0x3], $0x80, s28, s16, $0xb8;
	[tilespmem:$0x1E800] =	vst v63  }
0x3a: {  	_ =	swait.ge [sflag:s20], $0x4000  }
0x3b: {  	[sflag:s20] =	ssyncset.done $0x0  }
0x3c: {  	s28 =	sadd.s32 $0x100, s26;
	[sflag:s20] =	ssyncadd.s32 $0xFFFFC000  }
0x3d: {  	[tilespmem:s17], [sflag:$0x1] =	stream.indirect.gather [hbm4b:s4+s16], $0x80, s28, s16, $0xb8;
	[tilespmem:$0x1E800] =	vst v63  }
0x3e: {  	_ =	swait.ge [sflag:s21], $0x4000  }
0x3f: {  	[sflag:s21] =	ssyncset.done $0x0  }
.Ltmp0:
0x40: {  	s28 =	sadd.s32 $0x1480, s26;
	[sflag:s21] =	ssyncadd.s32 $0xFFFFC000;
	(pc) =	sbr.rel @p0 .LBB2_2-.Ltmp0, $4  }
0x41: {  	[spmem:s1] =	stream.indirect.scatter.add.f32 [tilespmem:s18], [sflag:$0x3], $0x80, s28, s16, $0xb8;
	[tilespmem:$0x1E800] =	vst v63  }
0x42: {  	_ =	swait.ge [sflag:s20], $0x4000  }
0x43: {  	[sflag:s20] =	ssyncset.done $0x0  }
0x44: {  	s26 =	sadd.s32 $0x180, s26;
	[sflag:s20] =	ssyncadd.s32 $0xFFFFC000  }
0x45: {  	[tilespmem:s18], [sflag:$0x2] =	stream.indirect.gather [hbm4b:s4+s16], $0x80, s26, s16, $0xb8;
	[tilespmem:$0x1E800] =	vst v63  }
0x46: {  	_ =	swait.ge [sflag:s19], $0x4000  }
0x47: {  	[sflag:s19] =	ssyncset.done $0x0  }
0x48: {  	[sflag:s19] =	ssyncadd.s32 $0xFFFFC000  }
0x49: {  	[spmem:s1] =	stream.indirect.scatter.add.f32 [tilespmem:s17], [sflag:$0x3], $0x80, s22, s16, $0xb8;
	[tilespmem:$0x1E800] =	vst v63  }
0x4a: {  	_ =	swait.ge [sflag:s20], $0x4000  }
0x4b: {  	[sflag:s20] =	ssyncset.done $0x0  }
0x4c: {  	[sflag:s20] =	ssyncadd.s32 $0xFFFFC000  }
0x4d: {  	_ =	swait.ge [sflag:s21], $0x4000  }
0x4e: {  	[sflag:s21] =	ssyncset.done $0x0  }
0x4f: {  	[sflag:s21] =	ssyncadd.s32 $0xFFFFC000  }
0x50: {  	[spmem:s1] =	stream.indirect.scatter.add.f32 [tilespmem:s18], [sflag:$0x3], $0x80, s23, s16, $0xb8;
	[tilespmem:$0x1E800] =	vst v63  }
0x51: {  	_ =	swait.ge [sflag:s20], $0x4000  }
0x52: {  	[sflag:s20] =	ssyncset.done $0x0  }
0x53: {  	s25 =	simm.s32 $0x0;
	[sflag:s20] =	ssyncadd.s32 $0xFFFFC000  }
0x54: {  	[tilespmem:s25], [sflag:$0x4] =	stream.linear.gather [hbm4b:s9+s25], $0x1400, $0x38;
	[tilespmem:$0x1E800] =	vst v63  }
0x55: {  	_ =	swait.ge [sflag:s14], $0x1400  }
0x56: {  	[sflag:s14] =	ssyncset.done $0x0  }
0x57: {  	[sflag:s14] =	ssyncadd.s32 $0xFFFFEC00  }
0x58: {  	[tilespmem:s15], [sflag:$0x4] =	stream.linear.gather [hbm4b:s10+s25], $0x1400, $0x38;
	[tilespmem:$0x1E800] =	vst v63  }
0x59: {  	_ =	swait.ge [sflag:s14], $0x1400  }
0x5a: {  	[sflag:s14] =	ssyncset.done $0x0  }
0x5b: {  	[sflag:s14] =	ssyncadd.s32 $0xFFFFEC00  }
0x5c: {  	[tilespmem:s17], [sflag:$0x1] =	stream.indirect.gather [hbm4b:s4+s16], $0x80, s25, s16, $0xb8;
	[tilespmem:$0x1E800] =	vst v63  }
0x5d: {  	_ = 	snop  }
0x5e: {  	[tilespmem:s18], [sflag:$0x2] =	stream.indirect.gather [hbm4b:s4+s16], $0x80, s16, s16, $0xb8;
	[tilespmem:$0x1E800] =	vst v63  }
0x5f: {  	_ =	swait.ge [sflag:s19], $0x4000  }
0x60: {  	[sflag:s19] =	ssyncset.done $0x0  }
0x61: {  	s29 =	simm.s32 $0x1400;
	[sflag:s19] =	ssyncadd.s32 $0xFFFFC000  }
0x62: {  	[spmem:s1] =	stream.indirect.scatter.add.f32 [tilespmem:s17], [sflag:$0x3], $0x80, s29, s16, $0xb8;
	[tilespmem:$0x1E800] =	vst v63  }
0x63: {  	_ =	swait.ge [sflag:s20], $0x4000  }
0x64: {  	[sflag:s20] =	ssyncset.done $0x0  }
0x65: {  	s30 =	simm.s32 $0x100;
	[sflag:s20] =	ssyncadd.s32 $0xFFFFC000  }
0x66: {  	[tilespmem:s17], [sflag:$0x1] =	stream.indirect.gather [hbm4b:s4+s16], $0x80, s30, s16, $0xb8;
	[tilespmem:$0x1E800] =	vst v63  }
0x67: {  	_ =	swait.ge [sflag:s21], $0x4000  }
0x68: {  	[sflag:s21] =	ssyncset.done $0x0  }
0x69: {  	s31 =	simm.s32 $0x1480;
	[sflag:s21] =	ssyncadd.s32 $0xFFFFC000  }
0x6a: {  	[spmem:s1] =	stream.indirect.scatter.add.f32 [tilespmem:s18], [sflag:$0x3], $0x80, s31, s16, $0xb8;
	[tilespmem:$0x1E800] =	vst v63  }
0x6b: {  	_ =	swait.ge [sflag:s20], $0x4000  }
0x6c: {  	[sflag:s20] =	ssyncset.done $0x0  }
0x6d: {  	s26 =	simm.s32 $0x180;
	s25 =	simm.s32 $0x400;
	[sflag:s20] =	ssyncadd.s32 $0xFFFFC000  }
.LBB2_4:
0x6e: {  	[tilespmem:s18], [sflag:$0x2] =	stream.indirect.gather [hbm4b:s4+s16], $0x80, s26, s16, $0xb8;
	[tilespmem:$0x1E800] =	vst v63  }
0x6f: {  	s26 =	smov.u32 s25  }
0x70: {  	p0 =	sne.s32 s25, $0x4800;
	s25 =	sadd.s32 $0x400, s25;
	_ =	swait.ge [sflag:s19], $0x4000  }
0x71: {  	s26 =	sshra.s32 s26, $0x2;
	[sflag:s19] =	ssyncset.done $0x0  }
0x72: {  	s28 =	sadd.s32 $0x1400, s26;
	[sflag:s19] =	ssyncadd.s32 $0xFFFFC000  }
0x73: {  	[spmem:s1] =	stream.indirect.scatter.add.f32 [tilespmem:s17], [sflag:$0x3], $0x80, s28, s16, $0xb8;
	[tilespmem:$0x1E800] =	vst v63  }
0x74: {  	_ =	swait.ge [sflag:s20], $0x4000  }
0x75: {  	[sflag:s20] =	ssyncset.done $0x0  }
0x76: {  	s28 =	sadd.s32 $0x100, s26;
	[sflag:s20] =	ssyncadd.s32 $0xFFFFC000  }
0x77: {  	[tilespmem:s17], [sflag:$0x1] =	stream.indirect.gather [hbm4b:s4+s16], $0x80, s28, s16, $0xb8;
	[tilespmem:$0x1E800] =	vst v63  }
0x78: {  	_ =	swait.ge [sflag:s21], $0x4000  }
0x79: {  	[sflag:s21] =	ssyncset.done $0x0  }
.Ltmp1:
0x7a: {  	s28 =	sadd.s32 $0x1480, s26;
	[sflag:s21] =	ssyncadd.s32 $0xFFFFC000;
	(pc) =	sbr.rel @p0 .LBB2_4-.Ltmp1, $4  }
0x7b: {  	[spmem:s1] =	stream.indirect.scatter.add.f32 [tilespmem:s18], [sflag:$0x3], $0x80, s28, s16, $0xb8;
	[tilespmem:$0x1E800] =	vst v63  }
0x7c: {  	_ =	swait.ge [sflag:s20], $0x4000  }
0x7d: {  	[sflag:s20] =	ssyncset.done $0x0  }
0x7e: {  	s26 =	sadd.s32 $0x180, s26;
	[sflag:s20] =	ssyncadd.s32 $0xFFFFC000  }
0x7f: {  	[tilespmem:s18], [sflag:$0x2] =	stream.indirect.gather [hbm4b:s4+s16], $0x80, s26, s16, $0xb8;
	[tilespmem:$0x1E800] =	vst v63  }
0x80: {  	_ =	swait.ge [sflag:s19], $0x4000  }
0x81: {  	[sflag:s19] =	ssyncset.done $0x0  }
0x82: {  	[sflag:s19] =	ssyncadd.s32 $0xFFFFC000  }
0x83: {  	[spmem:s1] =	stream.indirect.scatter.add.f32 [tilespmem:s17], [sflag:$0x3], $0x80, s22, s16, $0xb8;
	[tilespmem:$0x1E800] =	vst v63  }
0x84: {  	_ =	swait.ge [sflag:s20], $0x4000  }
0x85: {  	[sflag:s20] =	ssyncset.done $0x0  }
0x86: {  	[sflag:s20] =	ssyncadd.s32 $0xFFFFC000  }
0x87: {  	_ =	swait.ge [sflag:s21], $0x4000  }
0x88: {  	[sflag:s21] =	ssyncset.done $0x0  }
0x89: {  	[sflag:s21] =	ssyncadd.s32 $0xFFFFC000  }
0x8a: {  	[spmem:s1] =	stream.indirect.scatter.add.f32 [tilespmem:s18], [sflag:$0x3], $0x80, s23, s16, $0xb8;
	[tilespmem:$0x1E800] =	vst v63  }
0x8b: {  	_ =	swait.ge [sflag:s20], $0x4000  }
0x8c: {  	[sflag:s20] =	ssyncset.done $0x0  }
0x8d: {  	s24 =	sadd.s32 $0x1, s24;
	[sflag:s20] =	ssyncadd.s32 $0xFFFFC000  }
0x8e: {  	p0 =	sne.s32 s24, s12;
	[bflag:$0x0] =	sbarrier.arrive $0xFFFF  }
0x8f: {  	[hbm:s11], [sflag:s6] =	dma.local [spmem:s13], $0x2800  }
.Ltmp2:
0x90: {  	_ =	swait.ge [sflag:s14], $0x2800;
	(pc) =	sbr.rel @p0 .LBB2_1-.Ltmp2, $3  }
0x91: {  	[sflag:s14] =	ssyncset.done $0x0  }
0x92: {  	[sflag:s14] =	ssyncadd.s32 $0xFFFFD800  }
0x93: {  	[bflag:$0x0] =	sbarrier.arrive $0xFFFF;
	_ =	sdelay $0x1  }
0x94: {  	_ =	sfence.sel $0x180000  }
0x95: {  	[bflag:$0x0] =	sbarrier.arrive $0xFFFF  }
0x96: {  	p0 =	sne.s32 s2, $0x0;
	_ =	strace $0x9000004D  }
0x97: {  	s0 =	sadd.s32 @!p0 $0x100000, s0;
	[bflag:$0x2] =	sbarrier.arrive $0xFFFF  }
0x98: {  	[sflag:s0] =	ssyncadd.tile.s32 @!p0 $0x1;
	_ =	shalt  }
.Lfunc_end2:
_tile_overlayer_lowered:
.L_overlay_start_2:
0x99: {  	(tag) =	ssettag $0x2  }
0x9a: {  	s0 =	rddreg [dreg:$0x0];
	s2 =	stileid.u32  }
0x9b: {  	s1 =	rddreg [dreg:$0x1];
	p0 =	sne.s32 s2, $0x0  }
0x9c: {  	s3 =	rddreg [dreg:$0x2];
	[bflag:$0x3] =	sbarrier.arrive $0xFFFF;
	s2 =	simm.s32 @!p0 $0x1C04  }
0x9d: {  	[timem:s3], [sflag:s2] =	dma.local @!p0 [hbm:s0], s1  }
0x9e: {  	s0 =	simm.s32 @!p0 $0x4  }
0x9f: {  	_ =	swait.ge @!p0 [sflag:s0], s1  }
0xa0: {  	s1 =	ssub.s32 @!p0 $0x0, s1;
	[sflag:s0] =	ssyncset.done @!p0 $0x0  }
0xa1: {  	[sflag:s0] =	ssyncadd.s32 @!p0 s1  }
0xa2: {  	[bflag:$0x3] =	sbarrier.arrive $0xFFFF  }
0xa3: {  	_ =	shalt  }

// kernel: kernel.8.cloned.1.call-start
scs
__scs_entry_jumppad:
0x0: {  	(pc) =	sbr.rel $0x88, $3  }
0x1: {  	(tag) =	ssettag $0x0;
	lr =	simm.s32 $0x1  }
0x2: {  	[smem:$0x3F9B] =	sst lr;
	_ =	strace $0xD0000000  }
0x3: {  	_ = 	snop  }
0x4: {  	_ = 	snop  }
0x5: {  	_ = 	snop  }
0x6: {  	_ = 	snop  }
0x7: {  	_ = 	snop  }
__scs_overlays_trampoline_lowered:
0x8: {  	[smem:$0x3FAA] =	sst s0  }
0x9: {  	[smem:$0x3FAB] =	sst s1  }
0xa: {  	[smem:$0x3FAC] =	sst s2  }
0xb: {  	[smem:$0x3FAD] =	sst s3  }
0xc: {  	[smem:$0x3FAE] =	sst s4  }
0xd: {  	[smem:$0x3FAF] =	sst s5  }
0xe: {  	[smem:$0x3FB0] =	sst s6  }
0xf: {  	[smem:$0x3FB1] =	sst s7  }
0x10: {  	[smem:$0x3FB2] =	sst s8  }
0x11: {  	[smem:$0x3FB3] =	sst s9;
	s0 =	simm.s32 @!p0 $0x0  }
0x12: {  	s1 =	sld [smem:$0x3F99];
	s0 =	simm.s32 @p0 $0x1  }
0x13: {  	[smem:$0x3FB4] =	sst s0;
	s0 =	simm.s32 @!p1 $0x0  }
0x14: {  	s2 =	sld [smem:$0x3F98];
	s0 =	simm.s32 @p1 $0x1  }
0x15: {  	[smem:$0x3FB5] =	sst s0;
	s0 =	simm.s32 @!p2 $0x0  }
0x16: {  	s3 =	sld [smem:$0x3FDB];
	s0 =	simm.s32 @p2 $0x1  }
0x17: {  	s4 =	simm.s32 $0x1BF5;
	[smem:$0x3FB7] =	sst s0  }
0x18: {  	s0 =	sld [smem:$0x3F9A];
	_ =	swait.ge [sflag:s4], $0x0  }
0x19: {  	s7 =	sld [smem:$0x3F9B]  }
0x1a: {  	s8 =	sadd.s32 $0xFFFFE003, lr  }
0x1b: {  	s9 =	sadd.s32 $0xFFFFFEF7, lr;
	s5 =	simm.s32 $0xFFFFFFFF;
	p2 =	slt.u32 s8, $0xFFFFF086  }
0x1c: {  	p1 =	slt.u32 s9, $0xF7A;
	s5 =	simm.s32 @!p2 $0x0  }
0x1d: {  	s5 =	simm.s32 @p1 $0x1;
	p0 =	seq.s32 s7, s2  }
0x1e: {  	s7 =	smul.u32 @!p0 $0xF7A, s2;
	p2 =	seq.s32 @!p0 s5, $0x0  }
0x1f: {  	s9 =	smul.u32 $0xF7A, s1;
	s8 =	simm.s32 @!p0 $0x1BF5;
	p2 =	por !p2, p0  }
0x20: {  	[sflag:s8] =	ssyncset.s32 @!p0 $0xFFFFF086;
	s6 =	sadd.s32 @!p0 s3, s7;
	s7 =	simm.s32 @!p0 $0x108  }
0x21: {  	s3 =	sadd.s32 s3, s9;
	s6 =	sadd.s32 @!p0 $0x88, s6;
	s7 =	simm.s32 @p2 $0x1082  }
0x22: {  	[simem:s7], [sflag:s8] =	dma.local @!p0 [hbm:s6], $0xF7A  }
0x23: {  	s9 =	sor.u32 $0xD0000000, s2;
	s6 =	simm.s32 $0x108;
	_ =	swait.ge @!p0 [sflag:s8], $0x0  }
0x24: {  	s3 =	sadd.s32 $0x88, s3;
	s6 =	simm.s32 @!p1 $0x1082;
	[sflag:s4] =	ssyncset.s32 $0xFFFFF086  }
0x25: {  	[simem:s6], [sflag:s4] =	dma.local [hbm:s3], $0xF7A  }
0x26: {  	[smem:$0x3F9B] =	sst s1;
	(tag) =	ssettag s2;
	_ =	strace s9  }
0x27: {  	s1 =	sld [smem:$0x3FAB]  }
0x28: {  	s2 =	sld [smem:$0x3FAC]  }
0x29: {  	s4 =	sld [smem:$0x3FAE]  }
0x2a: {  	p0 =	seq.s32 s5, $0x0;
	s5 =	sld [smem:$0x3FAF]  }
0x2b: {  	s6 =	sld [smem:$0x3FB0]  }
0x2c: {  	s7 =	sld [smem:$0x3FB1]  }
0x2d: {  	s3 =	simm.s32 $0x108;
	s8 =	sld [smem:$0x3FB2]  }
0x2e: {  	s3 =	simm.s32 @!p0 $0x1082;
	s9 =	sld [smem:$0x3FB3]  }
0x2f: {  	lr =	sadd.s32 s0, s3;
	s0 =	sld [smem:$0x3FAA]  }
0x30: {  	s3 =	sld [smem:$0x3FAD]  }
0x31: {  	[smem:$0x3FB6] =	sst s10  }
0x32: {  	s10 =	sld [smem:$0x3FB4];
	_ =	sdelay $0x3  }
0x33: {  	p0 =	seq.s32 s10, $0x1;
	s10 =	sld [smem:$0x3FB6];
	_ =	sdelay $0x3  }
0x34: {  	[smem:$0x3FB6] =	sst s10  }
0x35: {  	s10 =	sld [smem:$0x3FB5];
	_ =	sdelay $0x3  }
0x36: {  	p1 =	seq.s32 s10, $0x1;
	s10 =	sld [smem:$0x3FB6];
	_ =	sdelay $0x3  }
0x37: {  	[smem:$0x3FB6] =	sst s10  }
0x38: {  	s10 =	sld [smem:$0x3FB7]  }
0x39: {  	_ = 	snop;
	(pc) =	sbr.ind lr, $3  }
0x3a: {  	_ = 	snop  }
0x3b: {  	_ = 	snop  }
0x3c: {  	p2 =	seq.s32 s10, $0x1;
	s10 =	sld [smem:$0x3FB6]  }
0x3d: {  	_ =	shalt  }
0x3e: {  	_ =	shalt  }
0x3f: {  	_ =	shalt  }
0x40: {  	_ =	shalt  }
0x41: {  	_ =	shalt  }
0x42: {  	_ =	shalt  }
0x43: {  	_ =	shalt  }
0x44: {  	_ =	shalt  }
0x45: {  	_ =	shalt  }
0x46: {  	_ =	shalt  }
0x47: {  	_ =	shalt  }
0x48: {  	_ =	shalt  }
0x49: {  	_ =	shalt  }
0x4a: {  	_ =	shalt  }
0x4b: {  	_ =	shalt  }
0x4c: {  	_ =	shalt  }
0x4d: {  	_ =	shalt  }
0x4e: {  	_ =	shalt  }
0x4f: {  	_ =	shalt  }
0x50: {  	_ =	shalt  }
0x51: {  	_ =	shalt  }
0x52: {  	_ =	shalt  }
0x53: {  	_ =	shalt  }
0x54: {  	_ =	shalt  }
0x55: {  	_ =	shalt  }
0x56: {  	_ =	shalt  }
0x57: {  	_ =	shalt  }
0x58: {  	_ =	shalt  }
0x59: {  	_ =	shalt  }
0x5a: {  	_ =	shalt  }
0x5b: {  	_ =	shalt  }
0x5c: {  	_ =	shalt  }
0x5d: {  	_ =	shalt  }
0x5e: {  	_ =	shalt  }
0x5f: {  	_ =	shalt  }
0x60: {  	_ =	shalt  }
0x61: {  	_ =	shalt  }
0x62: {  	_ =	shalt  }
0x63: {  	_ =	shalt  }
0x64: {  	_ =	shalt  }
0x65: {  	_ =	shalt  }
0x66: {  	_ =	shalt  }
0x67: {  	_ =	shalt  }
0x68: {  	_ =	shalt  }
0x69: {  	_ =	shalt  }
0x6a: {  	_ =	shalt  }
0x6b: {  	_ =	shalt  }
0x6c: {  	_ =	shalt  }
0x6d: {  	_ =	shalt  }
0x6e: {  	_ =	shalt  }
0x6f: {  	_ =	shalt  }
0x70: {  	_ =	shalt  }
0x71: {  	_ =	shalt  }
0x72: {  	_ =	shalt  }
0x73: {  	_ =	shalt  }
0x74: {  	_ =	shalt  }
0x75: {  	_ =	shalt  }
0x76: {  	_ =	shalt  }
0x77: {  	_ =	shalt  }
0x78: {  	_ =	shalt  }
0x79: {  	_ =	shalt  }
0x7a: {  	_ =	shalt  }
0x7b: {  	_ =	shalt  }
0x7c: {  	_ =	shalt  }
0x7d: {  	_ =	shalt  }
0x7e: {  	_ =	shalt  }
0x7f: {  	_ =	shalt  }
0x80: {  	_ =	shalt  }
0x81: {  	_ =	shalt  }
0x82: {  	_ =	shalt  }
0x83: {  	_ =	shalt  }
0x84: {  	_ =	shalt  }
0x85: {  	_ =	shalt  }
0x86: {  	_ =	shalt  }
0x87: {  	_ =	shalt  }
.Lfunc_end0:
.L_simem_size_0:
called_computation_lowered:
.L_overlay_start_0:
0x88: {  	s2 =	sld [smem:$0x3FD9]  }
0x89: {  	s3 =	sld [smem:$0x3FFE];
	_ =	sdelay $0x1  }
0x8a: {  	s1 =	srdreg.scid  }
0x8b: {  	s0 =	sand.u32 $0x1, s1  }
0x8c: {  	s17 =	sshll.u32 s0, $0xA;
	s2 =	sadd.s32 s3, s2  }
0x8d: {  	s2 =	sadd.s32 s2, s17  }
0x8e: {  	[smem:$0x3FC2] =	sst s2  }
0x8f: {  	_ = 	snop  }
0x90: {  	s2 =	sld [smem:$0x3FD0];
	(tm) =	ssettm $0x1  }
0x91: {  	s18 =	sld [smem:$0x3FFB];
	_ =	sdelay $0x3  }
0x92: {  	_ =	strace s18  }
0x93: {  	s3 =	sld [smem:$0x3FFC];
	_ =	sdelay $0x3  }
0x94: {  	_ =	strace s3  }
0x95: {  	s3 =	sld [smem:$0x3FFD];
	_ =	sdelay $0x3  }
0x96: {  	_ =	strace s3  }
0x97: {  	_ =	strace $0x8FFFFFFF  }
0x98: {  	s19 =	sld [smem:$0x3FDB];
	_ =	sdelay $0x1  }
0x99: {  	s4 =	simm.s32 $_scs_section_size  }
0x9a: {  	s5 =	simm.s32 $_size__tile_overlayer_lowered;
	s6 =	simm.s32 $_tile_overlayer_lowered  }
0x9b: {  	s22 =	simm.s32 $0x1BFF;
	s21 =	sshll.u32 s6, $0x1;
	s3 =	sadd.s32 s4, s19  }
0x9c: {  	s7 =	simm.s32 $0x0;
	s20 =	sshll.u32 s5, $0x1;
	s5 =	sadd.s32 s21, s3  }
0x9d: {  	[timem:s7], [sflag:s22] =	dma.local [hbm:s5], s20  }
0x9e: {  	_ =	swait.ge [sflag:s22], s20  }
0x9f: {  	s4 =	ssub.s32 $0x0, s20;
	[sflag:s22] =	ssyncset.done $0x0  }
0xa0: {  	[sflag:s22] =	ssyncadd.s32 s4;
	_ =	sdelay $0x1  }
0xa1: {  	s23 =	simm.s32 $0x1B8B  }
0xa2: {  	_ =	swait.ge [sflag:s23], $0x1  }
0xa3: {  	[sflag:s23] =	ssyncset.done $0x0  }
0xa4: {  	s25 =	simm.s32 $0x1B8E;
	s24 =	sld [smem:$0x3FFE];
	[sflag:s23] =	ssyncadd.s32 $0xFFFFFFFF  }
0xa5: {  	s26 =	simm.s32 $execute0_lowered;
	[smem:$0x3FD2] =	sst s25  }
0xa6: {  	s5 =	sshll.u32 s26, $0x1;
	_ =	strace $0x80000046;
	[dreg:$0x1] =	wrdreg $0xFFFFFFFF  }
0xa7: {  	s28 =	simm.s32 $_size_execute0_lowered;
	s3 =	sadd.s32 s3, s5;
	[dreg:$0x0] =	wrdreg $0x0  }
0xa8: {  	s5 =	sshll.u32 s28, $0x1;
	[dreg:$0x2] =	wrdreg s3  }
0xa9: {  	[dreg:$0x3] =	wrdreg s5  }
0xaa: {  	[dreg:$0x4] =	wrdreg $0xC0  }
0xab: {  	_ =	task [dreg:s7], $0x5FFFF  }
0xac: {  	[dreg:$0x1] =	wrdreg $0xFFFFFFFF  }
0xad: {  	[dreg:$0x0] =	wrdreg $0x60  }
0xae: {  	[dreg:$0x2] =	wrdreg s24  }
0xaf: {  	[dreg:$0x3] =	wrdreg s2  }
0xb0: {  	[dreg:$0x4] =	wrdreg $0x9  }
0xb1: {  	_ =	task.clear_ibuf [dreg:s7], $0x5FFFF;
	_ =	strace $0x90000046  }
0xb2: {  	s29 =	simm.s32 $0x9;
	_ =	strace $0x80000048  }
0xb3: {  	_ =	swait.ge [sflag:s29], $0x1  }
0xb4: {  	[sflag:s29] =	ssyncadd.s32 $0xFFFFFFFF  }
0xb5: {  	_ =	strace $0x90000048  }
0xb6: {  	_ =	sfence  }
0xb7: {  	s30 =	sld [smem:$0x0];
	_ =	sdelay $0x2  }
0xb8: {  	s31 =	sshll.u32 s1, $0xD;
	s1 =	sshrl.u32 s1, $0x2  }
0xb9: {  	s3 =	sand.u32 $0x4000, s31;
	s1 =	sadd.s32 s1, s30  }
0xba: {  	s0 =	sor.u32 s3, s0;
	s1 =	sshll.u32 s1, $0x11  }
0xbb: {  	s0 =	sor.u32 s1, s0  }
0xbc: {  	s0 =	sadd.s32 $0x8F2B, s0  }
0xbd: {  	[sflag:s0] =	ssyncadd.remote.s32 $0x1  }
0xbe: {  	_ =	sfence.sel $0xFFFF  }
0xbf: {  	[dreg:$0x0] =	wrdreg $0xFFFFFFFF;
	(pc) =	sbr.abs _section_cstart, $3  }
0xc0: {  	[dreg:$0x1] =	wrdreg $0xFFFFFFFF  }
0xc1: {  	_ =	task.clear_ibuf [dreg:s7], $0x2FFFF;
	_ =	strace $0x9FFFFFFF  }
0xc2: {  	(tm) =	ssettm $0x7FFFFFFF  }
0xc3: {  	_ =	shalt  }
tec
execute0_lowered:
.L_overlay_start_1:
0x0: {  	(tag) =	ssettag $0x1  }
0x1: {  	s3 =	rddreg [dreg:$0x0]  }
0x2: {  	s1 =	srdreg.scid;
	s0 =	stileid.u32  }
0x3: {  	s4 =	rddreg [dreg:$0x1];
	s9 =	simm.s32 $0x400;
	s10 =	simm.s32 $0x0  }
0x4: {  	s5 =	sand.u32 $0x1, s1;
	s2 =	sshll.u32 s0, $0x1;
	s1 =	rddreg [dreg:$0x2]  }
0x5: {  	s7 =	sshrl.u32 s0, $0x2;
	s6 =	sor.u32 s5, s2;
	s2 =	simm.s32 $0x0  }
0x6: {  	s7 =	smul.u32 $0x14000, s7;
	s5 =	ssub.s32 $0x2, s5;
	s8 =	sshll.u32 s6, $0x7  }
0x7: {  	[smem:$0x7FF] =	sst s2;
	s6 =	smul.u32 $0x280, s6;
	s31 =	sshrl.u32 s5, $0x1  }
0x8: {  	s8 =	sand.u32 $0x380, s8;
	_ =	strace $0x80000047;
	s5 =	ssub.s32 s5, s31  }
0x9: {  	s7 =	sor.u32 s7, s8;
	s3 =	sadd.s32 s6, s3;
	s5 =	smax.u32 s5, $0x1  }
0xa: {  	s6 =	simm.s32 $0x1;
	s8 =	simm.s32 $0x80;
	s7 =	sshrl.u32 s7, $0x3  }
0xb: {  	v0 =	vimm.f32 $0.0e+00;
	v1 =	vimm.f32 $1.000000000e+00;
	s3 =	sadd.s32 $0x1E00, s3;
	s4 =	sadd.s32 s4, s7;
	s7 =	simm.s32 $0x1400  }
.LBB2_1:
0xc: {  	[tilespmem:s2], [sflag:$0x1] =	stream.linear.gather [hbm4b:s3+s2], $0x1400, $0x38;
	[tilespmem:$0x3C00] =	vst v63  }
0xd: {  	_ =	swait.ge [sflag:s6], $0x1400  }
0xe: {  	[sflag:s6] =	ssyncset.done $0x0  }
0xf: {  	s11 =	simm.s32 $0x0;
	[sflag:s6] =	ssyncadd.s32 $0xFFFFEC00  }
.LBB2_2:
0x10: {  	p0 =	sne.s32 s11, $0x9FC0  }
.Ltmp0:
0x11: {  	_ = 	snop;
	(pc) =	sbr.rel @p0 .LBB2_2-.Ltmp0, $3  }
0x12: {  	_ =	sdelay $0x1  }
0x13: {  	s12 =	sshra.s32 s11, $0x2  }
0x14: {  	s11 =	sadd.s32 $0x40, s11;
	[tilespmem:s12+$0x1400] =	vst v0  }
0x15: {  	s12 =	simm.s32 $0x0  }
0x16: {  	s11 =	sand.u32 $0xFFFFFF80, s12  }
0x17: {  	s13 =	ssub.s32 $0x0, s11  }
0x18: {  	s12 =	sand.u32 $0x3FFFFF80, s12;
	s11 =	simm.s32 $0x0;
	s13 =	sand.u32 $0xFFFFFF80, s13  }
0x19: {  	s14 =	sand.u32 $0x70, s11;
	s12 =	sadd.s32 s13, s12  }
0x1a: {  	s12 =	sor.u32 s14, s12  }
0x1b: {  	v2 =	vld [tilespmem:s12+$0x0];
	_ =	sdelay $0x2  }
0x1c: {  	s13 =	simm.s32 $0x10;
	s12 =	simm.s32 $0x2  }
.LBB2_4:
0x1d: {  	p0 =	sne.s32 s12, $0x13F;
	s14 =	sand.u32 $0xFFFFFF80, s13;
	s11 =	sadd.s32 $0x10, s11  }
0x1e: {  	s14 =	ssub.s32 s11, s14  }
0x1f: {  	s13 =	sand.u32 $0x3FFFFF80, s13;
	s14 =	sand.u32 $0xFFFFFF80, s14  }
0x20: {  	s15 =	sand.u32 $0x70, s11;
	s13 =	sadd.s32 s14, s13  }
.Ltmp1:
0x21: {  	s13 =	sor.u32 s15, s13;
	[tilespmem:v2+s7+$0x0] =	vst.idx.add.f32.msk $0xffff, v1;
	(pc) =	sbr.rel @p0 .LBB2_4-.Ltmp1, $2  }
0x22: {  	v2 =	vld [tilespmem:s13+$0x0];
	_ =	sdelay $0x2  }
0x23: {  	s13 =	sshll.u32 s12, $0x4;
	s12 =	sadd.s32 $0x1, s12  }
0x24: {  	_ = 	snop  }
0x25: {  	s12 =	sand.u32 $0xFFFFFF80, s13;
	s11 =	sadd.s32 $0x10, s11  }
0x26: {  	s12 =	ssub.s32 s11, s12  }
0x27: {  	s31 =	sand.u32 $0x3FFFFF80, s13;
	s12 =	sand.u32 $0xFFFFFF80, s12  }
0x28: {  	s11 =	sand.u32 $0x70, s11;
	s12 =	sadd.s32 s12, s31  }
0x29: {  	[tilespmem:v2+s7+$0x0] =	vst.idx.add.f32.msk $0xffff, v1;
	s11 =	sor.u32 s11, s12  }
0x2a: {  	v2 =	vld [tilespmem:s11+$0x0];
	_ =	sdelay $0x5  }
0x2b: {  	s10 =	sadd.s32 $0x1, s10  }
0x2c: {  	p0 =	sne.s32 s10, s5  }
.Ltmp2:
0x2d: {  	[tilespmem:v2+s7+$0x0] =	vst.idx.add.f32.msk $0xffff, v1;
	(pc) =	sbr.rel @p0 .LBB2_1-.Ltmp2, $4  }
0x2e: {  	[hbm4b:s4+s8] =	stream.strided.scatter [tilespmem:s7], [sflag:$0x1], $0x2800, s9, s8, $0x38;
	[tilespmem:$0x3C00] =	vst v63  }
0x2f: {  	_ =	swait.ge [sflag:s6], $0x2800  }
0x30: {  	[sflag:s6] =	ssyncset.done $0x0  }
0x31: {  	[sflag:s6] =	ssyncadd.s32 $0xFFFFD800  }
0x32: {  	_ =	sfence.sel $0x180000  }
0x33: {  	[bflag:$0x0] =	sbarrier.arrive $0xFFFF  }
0x34: {  	p0 =	sne.s32 s0, $0x0;
	_ =	strace $0x90000047  }
0x35: {  	s0 =	sadd.s32 @!p0 $0x100000, s1;
	[bflag:$0x2] =	sbarrier.arrive $0xFFFF  }
0x36: {  	[sflag:s0] =	ssyncadd.tile.s32 @!p0 $0x1;
	_ =	shalt  }
.Lfunc_end2:
_tile_overlayer_lowered:
.L_overlay_start_2:
0x37: {  	(tag) =	ssettag $0x2  }
0x38: {  	s0 =	rddreg [dreg:$0x0];
	s2 =	stileid.u32  }
0x39: {  	s1 =	rddreg [dreg:$0x1];
	p0 =	sne.s32 s2, $0x0  }
0x3a: {  	s3 =	rddreg [dreg:$0x2];
	[bflag:$0x3] =	sbarrier.arrive $0xFFFF;
	s2 =	simm.s32 @!p0 $0x1C01  }
0x3b: {  	[timem:s3], [sflag:s2] =	dma.local @!p0 [hbm:s0], s1  }
0x3c: {  	s0 =	simm.s32 @!p0 $0x1  }
0x3d: {  	_ =	swait.ge @!p0 [sflag:s0], s1  }
0x3e: {  	s1 =	ssub.s32 @!p0 $0x0, s1;
	[sflag:s0] =	ssyncset.done @!p0 $0x0  }
0x3f: {  	[sflag:s0] =	ssyncadd.s32 @!p0 s1  }
0x40: {  	[bflag:$0x3] =	sbarrier.arrive $0xFFFF  }
0x41: {  	_ =	shalt  }

</sc_bundles>
